<compile_context>
chip_gen: v7x
topology: tpu7x:2x2x1
jax: 0.10.2.dev20260603
libtpu: 0.0.44.dev20260713+nightly
codegen_flags: <defaults>
</compile_context>

<pallas_src>
import functools

import jax
import jax.numpy as jnp
from jax import lax
from jax.experimental import pallas as pl
from jax.experimental.pallas import tpu as pltpu
from jax.experimental.pallas import tpu_sc as plsc

_STEPS = 1024
_CHANNELS = 256
_N = 65536
_NC = 2
_NS = 16
_NW = _NC * _NS
_CG = 2
_CPG = _CHANNELS // _CG
_PAIRS = _CPG // 2
_TCHUNKS = _NW // _CG
_T_PER = _N // _TCHUNKS
_CHUNK = 128
_NCHUNK = _T_PER // _CHUNK
_LANES = 16
_SCALE = float(_STEPS - 1)

_mesh = plsc.VectorSubcoreMesh(core_axis_name="c", subcore_axis_name="s")


@functools.partial(
    pl.kernel,
    mesh=_mesh,
    out_type=jax.ShapeDtypeStruct((_N, _CHANNELS), jnp.float32),
    compiler_params=pltpu.CompilerParams(
        use_tc_tiling_on_sc=True, needs_layout_passes=False
    ),
    scratch_types=[
        pltpu.VMEM((_STEPS * _PAIRS,), jnp.int32),
        pltpu.VMEM((_T_PER,), jnp.float32),
        pltpu.VMEM((_T_PER,), jnp.int32),
        pltpu.VMEM((_T_PER,), jnp.float32),
        pltpu.VMEM((3 * _CHUNK, _CPG), jnp.float32),
        pltpu.SemaphoreType.DMA,
        pltpu.SemaphoreType.DMA,
    ],
)
def _interp(
    t_hbm, ctrl_hbm, out_hbm, tab_v, t_v, off_v, frac_v, ob_v, sem, sem_tab
):
    wid = lax.axis_index("s") * _NC + lax.axis_index("c")
    cg = wid % _CG
    tc = wid // _CG
    tbase = tc * _T_PER
    cbase = cg * _CPG

    tab_dma = pltpu.async_copy(
        ctrl_hbm.at[pl.ds(cg * _STEPS * _PAIRS, _STEPS * _PAIRS)],
        tab_v,
        sem_tab,
    )
    pltpu.sync_copy(t_hbm.at[pl.ds(tbase, _T_PER)], t_v)

    iota = lax.iota(jnp.int32, _LANES)
    _NU = _PAIRS // _LANES
    tab_a = [
        tab_v.at[pl.ds(c * _LANES, (_STEPS - 1) * _PAIRS + _LANES)]
        for c in range(_NU)
    ]
    tab_b = [
        tab_v.at[pl.ds(_PAIRS + c * _LANES, (_STEPS - 2) * _PAIRS + _LANES)]
        for c in range(_NU)
    ]
    himask = jnp.int32(-65536)

    def pre_body(j, _):
        tv = t_v[pl.ds(j * _LANES, _LANES)]
        p = tv * _SCALE
        i = jnp.minimum(p.astype(jnp.int32), _STEPS - 2)
        i = jnp.maximum(i, 0)
        off_v[pl.ds(j * _LANES, _LANES)] = i * _PAIRS
        frac_v[pl.ds(j * _LANES, _LANES)] = p - i.astype(jnp.float32)
        return 0

    lax.fori_loop(0, _T_PER // _LANES, pre_body, 0)
    tab_dma.wait()

    def out_slices(ci, po):
        src = ob_v.at[pl.ds(po, _CHUNK)]
        dst = out_hbm.at[
            pl.ds(tbase + ci * _CHUNK, _CHUNK), pl.ds(cbase, _CPG)
        ]
        return src, dst

    def chunk_body(ci, _):
        po = (ci % 3) * _CHUNK

        @pl.when(ci >= 3)
        def _wait_prev():
            src, dst = out_slices(ci, po)
            pltpu.make_async_copy(src, dst, sem).wait()

        def g_body(g, _):
            kk = ci * _CHUNK + g * _LANES
            off16 = off_v[pl.ds(kk, _LANES)]
            frac16 = frac_v[pl.ds(kk, _LANES)]
            row = po + g * _LANES

            def blend(u):
                l, c, fv2, xa, xb = u
                d = plsc.bitcast(xb, jnp.bfloat16) - plsc.bitcast(
                    xa, jnp.bfloat16
                )
                mi = plsc.bitcast(d * fv2, jnp.int32)
                a_lo = plsc.bitcast(xa << 16, jnp.float32)
                a_hi = plsc.bitcast(xa & himask, jnp.float32)
                m_lo = plsc.bitcast(mi << 16, jnp.float32)
                m_hi = plsc.bitcast(mi & himask, jnp.float32)
                ob_v[row + l, pl.ds(c * _LANES, _LANES)] = a_lo + m_lo
                ob_v[row + l, pl.ds(_PAIRS + c * _LANES, _LANES)] = (
                    a_hi + m_hi
                )

            depth = 4
            pend = []
            for l in range(_LANES):
                rb = jnp.full((_LANES,), off16[l], jnp.int32)
                fv = jnp.full((_LANES,), frac16[l], jnp.float32)
                fv2 = plsc.pack(fv, fv, format=plsc.PackFormat.INTERLEAVED)
                addr = rb + iota
                for c in range(_NU):
                    xa = plsc.load_gather(tab_a[c], [addr])
                    xb = plsc.load_gather(tab_b[c], [addr])
                    pend.append((l, c, fv2, xa, xb))
                    if len(pend) > depth:
                        blend(pend.pop(0))
            for u in pend:
                blend(u)
            return 0

        lax.fori_loop(0, _CHUNK // _LANES, g_body, 0)
        src, dst = out_slices(ci, po)
        pltpu.async_copy(src, dst, sem)
        return 0

    lax.fori_loop(0, _NCHUNK, chunk_body, 0)

    for ci in (_NCHUNK - 3, _NCHUNK - 2, _NCHUNK - 1):
        src, dst = out_slices(ci, (ci % 3) * _CHUNK)
        pltpu.make_async_copy(src, dst, sem).wait()


def kernel(t, control):
    cb = control.astype(jnp.bfloat16).reshape(_STEPS, _CG, 2, _PAIRS)
    pair = jnp.stack([cb[:, :, 0, :], cb[:, :, 1, :]], axis=-1)
    w = lax.bitcast_convert_type(pair, jnp.int32)
    ctrl_flat = jnp.transpose(w, (1, 0, 2)).reshape(-1)
    return _interp(t, ctrl_flat)

# --- scband reference (transcript-rebuilt; emitter-appended) ---
"""Pipeline reference for scband-interpolation-control-13211319402549 (READ-ONLY COPY).

The authoritative reference and input builder live on the scoring server;
editing this copy changes nothing except your own understanding.
"""

import jax, jax.numpy as jnp
import numpy as np

STEPS = 1024
CHANNELS = 256
T_START = 0.0
T_END = 1.0
N = 65536


def setup_inputs(seed: int = 0) -> dict:
    key = jax.random.key(seed)
    k1, k2 = jax.random.split(key)
    t = jax.random.uniform(k1, (N,), dtype=jnp.float32)
    # learned parameter: control table (init is zeros in the module, but we
    # materialize a random table so the computation is non-trivial)
    control = jax.random.normal(k2, (STEPS, CHANNELS), dtype=jnp.float32)
    return {"t": t, "control": control}


def reference(t, control):
    # InterpolationControl.__call__ with method='linear'
    tn = (t - T_START) / (T_END - T_START)
    xp = jnp.linspace(0.0, 1.0, STEPS)
    vintp = jax.vmap(
        lambda fp: jnp.interp(tn, xp, fp, left=0.0, right=0.0),
        in_axes=-1,
        out_axes=-1,
    )
    return vintp(control)

if __name__ == "__main__":
    import jax
    _d = setup_inputs()
    print(jax.jit(kernel)(*tuple(_d.values())))

</pallas_src>

<mosaic_0001>
#map = affine_map<(d0, d1) -> (0)>
#map1 = affine_map<(d0, d1) -> (0, 0)>
module attributes {stable_mosaic.version = 14 : i64} {
  func.func @_interp(%arg0: i32, %arg1: i32, %arg2: memref<65536xf32, #tpu.memory_space<hbm>>, %arg3: memref<131072xi32, #tpu.memory_space<hbm>>, %arg4: memref<65536x256xf32, #tpu.memory_space<hbm>>, %arg5: memref<65536xi32, #tpu.memory_space<vmem>>, %arg6: memref<4096xf32, #tpu.memory_space<vmem>>, %arg7: memref<4096xi32, #tpu.memory_space<vmem>>, %arg8: memref<4096xf32, #tpu.memory_space<vmem>>, %arg9: memref<384x128xf32, #tpu.memory_space<vmem>>, %arg10: memref<!tpu.dma_semaphore, #tpu.memory_space<semaphore_mem>>, %arg11: memref<!tpu.dma_semaphore, #tpu.memory_space<semaphore_mem>>) attributes {dimension_semantics = [#tpu.dimension_semantics<core_parallel>, #tpu.dimension_semantics<subcore_parallel>], iteration_bounds = array<i64: 2, 16>, scalar_prefetch = 0 : i64, scratch_operands = 7 : i64, tpu.core_type = #tpu.core_type<sc_vector_subcore>, window_params = [{transform_indices = #map}, {transform_indices = #map}, {transform_indices = #map1}]} {
    %mul3A = arith.constant 2 : i32
    %mul3A_0 = arith.muli %arg1, %mul3A : i32
    %add3A = arith.addi %mul3A_0, %arg0 : i32
    %jit3A = arith.constant 2 : i32
    %eq3A = arith.constant 0 : i32
    %eq3A_1 = arith.cmpi eq, %jit3A, %eq3A : i32
    %jit3A_2 = arith.constant 1 : i32
    %select_n3A = arith.select %eq3A_1, %jit3A_2, %jit3A : i32
    %rem3A = arith.remsi %add3A, %select_n3A : i32
    %ne3A = arith.constant 0 : i32
    %ne3A_3 = arith.cmpi ne, %rem3A, %ne3A : i32
    %lt3A = arith.constant 0 : i32
    %lt3A_4 = arith.cmpi slt, %rem3A, %lt3A : i32
    %lt3A_5 = arith.constant 0 : i32
    %lt3A_6 = arith.cmpi slt, %select_n3A, %lt3A_5 : i32
    %ne3A_7 = arith.xori %lt3A_4, %lt3A_6 : i1
    %and3A = arith.andi %ne3A_7, %ne3A_3 : i1
    %add3A_8 = arith.addi %rem3A, %select_n3A : i32
    %select_n3A_9 = arith.select %and3A, %add3A_8, %rem3A : i32
    %jit3A_10 = arith.constant 2 : i32
    %div3A = arith.divsi %add3A, %jit3A_10 : i32
    %sign3A = arith.constant 0 : i32
    %sign3A_11 = arith.cmpi sgt, %add3A, %sign3A : i32
    %sign3A_12 = arith.extui %sign3A_11 : i1 to i32
    %sign3A_13 = arith.constant 0 : i32
    %sign3A_14 = arith.cmpi slt, %add3A, %sign3A_13 : i32
    %sign3A_15 = arith.extui %sign3A_14 : i1 to i32
    %sign3A_16 = arith.subi %sign3A_12, %sign3A_15 : i32
    %sign3A_17 = arith.constant 0 : i32
    %sign3A_18 = arith.cmpi sgt, %jit3A_10, %sign3A_17 : i32
    %sign3A_19 = arith.extui %sign3A_18 : i1 to i32
    %sign3A_20 = arith.constant 0 : i32
    %sign3A_21 = arith.cmpi slt, %jit3A_10, %sign3A_20 : i32
    %sign3A_22 = arith.extui %sign3A_21 : i1 to i32
    %sign3A_23 = arith.subi %sign3A_19, %sign3A_22 : i32
    %ne3A_24 = arith.cmpi ne, %sign3A_16, %sign3A_23 : i32
    %rem3A_25 = arith.remsi %add3A, %jit3A_10 : i32
    %ne3A_26 = arith.constant 0 : i32
    %ne3A_27 = arith.cmpi ne, %rem3A_25, %ne3A_26 : i32
    %and3A_28 = arith.andi %ne3A_24, %ne3A_27 : i1
    %sub3A = arith.constant 1 : i32
    %sub3A_29 = arith.subi %div3A, %sub3A : i32
    %select_n3A_30 = arith.select %and3A_28, %sub3A_29, %div3A : i32
    %mul3A_31 = arith.constant 4096 : i32
    %mul3A_32 = arith.muli %select_n3A_30, %mul3A_31 : i32
    %mul3A_33 = arith.constant 128 : i32
    %mul3A_34 = arith.muli %select_n3A_9, %mul3A_33 : i32
    %mul3A_35 = arith.constant 1024 : i32
    %mul3A_36 = arith.muli %select_n3A_9, %mul3A_35 : i32
    %mul3A_37 = arith.constant 64 : i32
    %mul3A_38 = arith.muli %mul3A_36, %mul3A_37 : i32
    %dma_start3A = tpu.memref_slice %arg3[%mul3A_38] : memref<131072xi32, #tpu.memory_space<hbm>> -> memref<65536xi32, #tpu.memory_space<hbm>>
    %dma_start3A_39 = tpu.memref_slice %arg3[%mul3A_38] : memref<131072xi32, #tpu.memory_space<hbm>> -> memref<65536xi32, #tpu.memory_space<hbm>>
    tpu.enqueue_dma source(%dma_start3A_39 : memref<65536xi32, #tpu.memory_space<hbm>>) target(%arg5 : memref<65536xi32, #tpu.memory_space<vmem>>) target_semaphore(%arg11 : memref<!tpu.dma_semaphore, #tpu.memory_space<semaphore_mem>>)
    "tpu.region"() ({
      %run_scoped3A = tpu.sem_alloc : memref<!tpu.dma_semaphore, #tpu.memory_space<semaphore_mem>>
      %dma_start3A_85 = tpu.memref_slice %arg2[%mul3A_32] : memref<65536xf32, #tpu.memory_space<hbm>> -> memref<4096xf32, #tpu.memory_space<hbm>>
      %dma_start3A_86 = tpu.memref_slice %arg2[%mul3A_32] : memref<65536xf32, #tpu.memory_space<hbm>> -> memref<4096xf32, #tpu.memory_space<hbm>>
      tpu.enqueue_dma source(%dma_start3A_86 : memref<4096xf32, #tpu.memory_space<hbm>>) target(%arg6 : memref<4096xf32, #tpu.memory_space<vmem>>) target_semaphore(%run_scoped3A : memref<!tpu.dma_semaphore, #tpu.memory_space<semaphore_mem>>)
      %dma_wait3A_87 = tpu.memref_slice %arg2[%mul3A_32] : memref<65536xf32, #tpu.memory_space<hbm>> -> memref<4096xf32, #tpu.memory_space<hbm>>
      %dma_wait3A_88 = tpu.memref_slice %arg2[%mul3A_32] : memref<65536xf32, #tpu.memory_space<hbm>> -> memref<4096xf32, #tpu.memory_space<hbm>>
      tpu.wait_dma2 semaphore(%run_scoped3A : memref<!tpu.dma_semaphore, #tpu.memory_space<semaphore_mem>>) src(%dma_wait3A_88 : memref<4096xf32, #tpu.memory_space<hbm>>) dst(%arg6 : memref<4096xf32, #tpu.memory_space<vmem>>)
      tpu.yield
    }) : () -> ()
    %iota3A = tpu.iota {dimensions = array<i32: 0>} : vector<16xi32>
    %scan3A = arith.constant 0 : i32
    %scan3A_40 = arith.constant 0 : i32
    %scan3A_41 = arith.constant 256 : i32
    %scan3A_42 = arith.addi %scan3A_40, %scan3A_41 : i32
    %scan3A_43 = arith.constant 1 : i32
    %scan3A_44 = scf.for %scan3A_85 = %scan3A_40 to %scan3A_42 step %scan3A_43 iter_args(%scan3A_86 = %scan3A) -> (i32)  : i32 {
      %mul3A_87 = arith.constant 16 : i32
      %mul3A_88 = arith.muli %scan3A_85, %mul3A_87 : i32
      %get3A = arith.index_cast %mul3A_88 : i32 to index
      %get3A_89 = tpu.vector_load %arg6[%get3A] {strides = array<i32>} : memref<4096xf32, #tpu.memory_space<vmem>>, vector<16xf32>,
      %mul3A_90 = arith.constant 1.023000e+03 : f32
      %mul3A_91 = vector.broadcast %mul3A_90 : f32 to vector<16xf32>
      %mul3A_92 = arith.mulf %get3A_89, %mul3A_91 : vector<16xf32>
      %convert_element_type3A = arith.fptosi %mul3A_92 : vector<16xf32> to vector<16xi32>
      %min3A = arith.constant 1022 : i32
      %min3A_93 = vector.broadcast %min3A : i32 to vector<16xi32>
      %min3A_94 = arith.minsi %convert_element_type3A, %min3A_93 : vector<16xi32>
      %max3A = arith.constant 0 : i32
      %max3A_95 = vector.broadcast %max3A : i32 to vector<16xi32>
      %max3A_96 = arith.maxsi %min3A_94, %max3A_95 : vector<16xi32>
      %mul3A_97 = arith.constant 64 : i32
      %mul3A_98 = vector.broadcast %mul3A_97 : i32 to vector<16xi32>
      %mul3A_99 = arith.muli %max3A_96, %mul3A_98 : vector<16xi32>
      %mul3A_100 = arith.constant 16 : i32
      %mul3A_101 = arith.muli %scan3A_85, %mul3A_100 : i32
      %swap3A = arith.index_cast %mul3A_101 : i32 to index
      %swap3A_102 = tpu.vector_load %arg7[%swap3A] {strides = array<i32>} : memref<4096xi32, #tpu.memory_space<vmem>>, vector<16xi32>,
      tpu.vector_store %arg7[%swap3A], %mul3A_99 {strides = array<i32>} : memref<4096xi32, #tpu.memory_space<vmem>>, vector<16xi32>,
      %convert_element_type3A_103 = arith.sitofp %max3A_96 : vector<16xi32> to vector<16xf32>
      %sub3A_104 = arith.subf %mul3A_92, %convert_element_type3A_103 : vector<16xf32>
      %mul3A_105 = arith.constant 16 : i32
      %mul3A_106 = arith.muli %scan3A_85, %mul3A_105 : i32
      %swap3A_107 = arith.index_cast %mul3A_106 : i32 to index
      %swap3A_108 = tpu.vector_load %arg8[%swap3A_107] {strides = array<i32>} : memref<4096xf32, #tpu.memory_space<vmem>>, vector<16xf32>,
      tpu.vector_store %arg8[%swap3A_107], %sub3A_104 {strides = array<i32>} : memref<4096xf32, #tpu.memory_space<vmem>>, vector<16xf32>,
      %scan3A_109 = arith.constant 0 : i32
      scf.yield %scan3A_109 : i32
    }
    %scan3A_45 = arith.constant 256 : i32
    %dma_wait3A = tpu.memref_slice %arg3[%mul3A_38] : memref<131072xi32, #tpu.memory_space<hbm>> -> memref<65536xi32, #tpu.memory_space<hbm>>
    %dma_wait3A_46 = tpu.memref_slice %arg3[%mul3A_38] : memref<131072xi32, #tpu.memory_space<hbm>> -> memref<65536xi32, #tpu.memory_space<hbm>>
    tpu.wait_dma2 semaphore(%arg11 : memref<!tpu.dma_semaphore, #tpu.memory_space<semaphore_mem>>) src(%dma_wait3A_46 : memref<65536xi32, #tpu.memory_space<hbm>>) dst(%arg5 : memref<65536xi32, #tpu.memory_space<vmem>>)
    %scan3A_47 = arith.constant -65536 : i32
    %scan3A_48 = arith.constant 0 : i32
    %scan3A_49 = arith.constant 0 : i32
    %scan3A_50 = arith.constant 32 : i32
    %scan3A_51 = arith.addi %scan3A_49, %scan3A_50 : i32
    %scan3A_52 = arith.constant 1 : i32
    %scan3A_53 = scf.for %scan3A_85 = %scan3A_49 to %scan3A_51 step %scan3A_52 iter_args(%scan3A_86 = %scan3A_48) -> (i32)  : i32 {
      %jit3A_87 = arith.constant 3 : i32
      %eq3A_88 = arith.constant 0 : i32
      %eq3A_89 = arith.cmpi eq, %jit3A_87, %eq3A_88 : i32
      %jit3A_90 = arith.constant 1 : i32
      %select_n3A_91 = arith.select %eq3A_89, %jit3A_90, %jit3A_87 : i32
      %rem3A_92 = arith.remsi %scan3A_85, %select_n3A_91 : i32
      %ne3A_93 = arith.constant 0 : i32
      %ne3A_94 = arith.cmpi ne, %rem3A_92, %ne3A_93 : i32
      %lt3A_95 = arith.constant 0 : i32
      %lt3A_96 = arith.cmpi slt, %rem3A_92, %lt3A_95 : i32
      %lt3A_97 = arith.constant 0 : i32
      %lt3A_98 = arith.cmpi slt, %select_n3A_91, %lt3A_97 : i32
      %ne3A_99 = arith.xori %lt3A_96, %lt3A_98 : i1
      %and3A_100 = arith.andi %ne3A_99, %ne3A_94 : i1
      %add3A_101 = arith.addi %rem3A_92, %select_n3A_91 : i32
      %select_n3A_102 = arith.select %and3A_100, %add3A_101, %rem3A_92 : i32
      %mul3A_103 = arith.constant 128 : i32
      %mul3A_104 = arith.muli %select_n3A_102, %mul3A_103 : i32
      %ge3A = arith.constant 3 : i32
      %ge3A_105 = arith.cmpi sge, %scan3A_85, %ge3A : i32
      %convert_element_type3A = arith.extui %ge3A_105 : i1 to i32
      %cond3A = arith.constant 0 : i32
      %cond3A_106 = arith.cmpi ne, %convert_element_type3A, %cond3A : i32
      scf.if %cond3A_106 {
        %mul3A_124 = arith.constant 128 : i32
        %mul3A_125 = arith.muli %scan3A_85, %mul3A_124 : i32
        %add3A_126 = arith.addi %mul3A_32, %mul3A_125 : i32
        %dma_wait3A_127 = arith.constant 0 : i32
        %dma_wait3A_128 = tpu.memref_slice %arg9[%mul3A_104, %dma_wait3A_127] : memref<384x128xf32, #tpu.memory_space<vmem>> -> memref<128x128xf32, #tpu.memory_space<vmem>>
        %dma_wait3A_129 = tpu.memref_slice %arg4[%add3A_126, %mul3A_34] : memref<65536x256xf32, #tpu.memory_space<hbm>> -> memref<128x128xf32, #tpu.memory_space<hbm>>
        %dma_wait3A_130 = tpu.memref_slice %arg4[%add3A_126, %mul3A_34] : memref<65536x256xf32, #tpu.memory_space<hbm>> -> memref<128x128xf32, #tpu.memory_space<hbm>>
        %dma_wait3A_131 = arith.constant 0 : i32
        %dma_wait3A_132 = tpu.memref_slice %arg9[%mul3A_104, %dma_wait3A_131] : memref<384x128xf32, #tpu.memory_space<vmem>> -> memref<128x128xf32, #tpu.memory_space<vmem>>
        tpu.wait_dma2 semaphore(%arg10 : memref<!tpu.dma_semaphore, #tpu.memory_space<semaphore_mem>>) src(%dma_wait3A_132 : memref<128x128xf32, #tpu.memory_space<vmem>>) dst(%dma_wait3A_130 : memref<128x128xf32, #tpu.memory_space<hbm>>)
      } else {
      }
      %scan3A_107 = arith.constant 0 : i32
      %scan3A_108 = arith.constant 0 : i32
      %scan3A_109 = arith.constant 8 : i32
      %scan3A_110 = arith.addi %scan3A_108, %scan3A_109 : i32
      %scan3A_111 = arith.constant 1 : i32
      %scan3A_112 = scf.for %scan3A_124 = %scan3A_108 to %scan3A_110 step %scan3A_111 iter_args(%scan3A_125 = %scan3A_107) -> (i32)  : i32 {
        %mul3A_126 = arith.constant 128 : i32
        %mul3A_127 = arith.muli %scan3A_85, %mul3A_126 : i32
        %mul3A_128 = arith.constant 16 : i32
        %mul3A_129 = arith.muli %scan3A_124, %mul3A_128 : i32
        %add3A_130 = arith.addi %mul3A_127, %mul3A_129 : i32
        %get3A = arith.index_cast %add3A_130 : i32 to index
        %get3A_131 = tpu.vector_load %arg7[%get3A] {strides = array<i32>} : memref<4096xi32, #tpu.memory_space<vmem>>, vector<16xi32>,
        %get3A_132 = arith.index_cast %add3A_130 : i32 to index
        %get3A_133 = tpu.vector_load %arg8[%get3A_132] {strides = array<i32>} : memref<4096xf32, #tpu.memory_space<vmem>>, vector<16xf32>,
        %mul3A_134 = arith.constant 16 : i32
        %mul3A_135 = arith.muli %scan3A_124, %mul3A_134 : i32
        %add3A_136 = arith.addi %mul3A_104, %mul3A_135 : i32
        %slice3A = vector.extract_strided_slice %get3A_131 {offsets = [0], sizes = [1], strides = [1]} : vector<16xi32> to vector<1xi32>
        %squeeze3A = vector.extract %slice3A[0] : i32 from vector<1xi32>
        %broadcast_in_dim3A = vector.broadcast %squeeze3A : i32 to vector<16xi32>
        %slice3A_137 = vector.extract_strided_slice %get3A_133 {offsets = [0], sizes = [1], strides = [1]} : vector<16xf32> to vector<1xf32>
        %squeeze3A_138 = vector.extract %slice3A_137[0] : f32 from vector<1xf32>
        %broadcast_in_dim3A_139 = vector.broadcast %squeeze3A_138 : f32 to vector<16xf32>
        %pack3A = tpu.pack_subelements %broadcast_in_dim3A_139, %broadcast_in_dim3A_139 {pack_format = #tpu.pack_format<interleaved>, positions = array<i32: 0, 1>} : vector<16xf32>, vector<16xf32> -> vector<32xbf16>
        %add3A_140 = arith.addi %broadcast_in_dim3A, %iota3A : vector<16xi32>
        %gather3A = arith.constant 0 : i32
        %gather3A_141 = tpu.memref_slice %arg5[%gather3A] : memref<65536xi32, #tpu.memory_space<vmem>> -> memref<65488xi32, #tpu.memory_space<vmem>>
        %gather3A_142 = tpu.vector_load_idx %gather3A_141[%add3A_140] : memref<65488xi32, #tpu.memory_space<vmem>>[vector<16xi32>], vector<16xi32>,
        %gather3A_143 = arith.constant 64 : i32
        %gather3A_144 = tpu.memref_slice %arg5[%gather3A_143] : memref<65536xi32, #tpu.memory_space<vmem>> -> memref<65424xi32, #tpu.memory_space<vmem>>
        %gather3A_145 = tpu.vector_load_idx %gather3A_144[%add3A_140] : memref<65424xi32, #tpu.memory_space<vmem>>[vector<16xi32>], vector<16xi32>,
        %gather3A_146 = arith.constant 16 : i32
        %gather3A_147 = tpu.memref_slice %arg5[%gather3A_146] : memref<65536xi32, #tpu.memory_space<vmem>> -> memref<65488xi32, #tpu.memory_space<vmem>>
        %gather3A_148 = tpu.vector_load_idx %gather3A_147[%add3A_140] : memref<65488xi32, #tpu.memory_space<vmem>>[vector<16xi32>], vector<16xi32>,
        %gather3A_149 = arith.constant 80 : i32
        %gather3A_150 = tpu.memref_slice %arg5[%gather3A_149] : memref<65536xi32, #tpu.memory_space<vmem>> -> memref<65424xi32, #tpu.memory_space<vmem>>
        %gather3A_151 = tpu.vector_load_idx %gather3A_150[%add3A_140] : memref<65424xi32, #tpu.memory_space<vmem>>[vector<16xi32>], vector<16xi32>,
        %gather3A_152 = arith.constant 32 : i32
        %gather3A_153 = tpu.memref_slice %arg5[%gather3A_152] : memref<65536xi32, #tpu.memory_space<vmem>> -> memref<65488xi32, #tpu.memory_space<vmem>>
        %gather3A_154 = tpu.vector_load_idx %gather3A_153[%add3A_140] : memref<65488xi32, #tpu.memory_space<vmem>>[vector<16xi32>], vector<16xi32>,
        %gather3A_155 = arith.constant 96 : i32
        %gather3A_156 = tpu.memref_slice %arg5[%gather3A_155] : memref<65536xi32, #tpu.memory_space<vmem>> -> memref<65424xi32, #tpu.memory_space<vmem>>
        %gather3A_157 = tpu.vector_load_idx %gather3A_156[%add3A_140] : memref<65424xi32, #tpu.memory_space<vmem>>[vector<16xi32>], vector<16xi32>,
        %gather3A_158 = arith.constant 48 : i32
        %gather3A_159 = tpu.memref_slice %arg5[%gather3A_158] : memref<65536xi32, #tpu.memory_space<vmem>> -> memref<65488xi32, #tpu.memory_space<vmem>>
        %gather3A_160 = tpu.vector_load_idx %gather3A_159[%add3A_140] : memref<65488xi32, #tpu.memory_space<vmem>>[vector<16xi32>], vector<16xi32>,
        %gather3A_161 = arith.constant 112 : i32
        %gather3A_162 = tpu.memref_slice %arg5[%gather3A_161] : memref<65536xi32, #tpu.memory_space<vmem>> -> memref<65424xi32, #tpu.memory_space<vmem>>
        %gather3A_163 = tpu.vector_load_idx %gather3A_162[%add3A_140] : memref<65424xi32, #tpu.memory_space<vmem>>[vector<16xi32>], vector<16xi32>,
        %slice3A_164 = vector.extract_strided_slice %get3A_131 {offsets = [1], sizes = [1], strides = [1]} : vector<16xi32> to vector<1xi32>
        %squeeze3A_165 = vector.extract %slice3A_164[0] : i32 from vector<1xi32>
        %broadcast_in_dim3A_166 = vector.broadcast %squeeze3A_165 : i32 to vector<16xi32>
        %slice3A_167 = vector.extract_strided_slice %get3A_133 {offsets = [1], sizes = [1], strides = [1]} : vector<16xf32> to vector<1xf32>
        %squeeze3A_168 = vector.extract %slice3A_167[0] : f32 from vector<1xf32>
        %broadcast_in_dim3A_169 = vector.broadcast %squeeze3A_168 : f32 to vector<16xf32>
        %pack3A_170 = tpu.pack_subelements %broadcast_in_dim3A_169, %broadcast_in_dim3A_169 {pack_format = #tpu.pack_format<interleaved>, positions = array<i32: 0, 1>} : vector<16xf32>, vector<16xf32> -> vector<32xbf16>
        %add3A_171 = arith.addi %broadcast_in_dim3A_166, %iota3A : vector<16xi32>
        %gather3A_172 = arith.constant 0 : i32
        %gather3A_173 = tpu.memref_slice %arg5[%gather3A_172] : memref<65536xi32, #tpu.memory_space<vmem>> -> memref<65488xi32, #tpu.memory_space<vmem>>
        %gather3A_174 = tpu.vector_load_idx %gather3A_173[%add3A_171] : memref<65488xi32, #tpu.memory_space<vmem>>[vector<16xi32>], vector<16xi32>,
        %gather3A_175 = arith.constant 64 : i32
        %gather3A_176 = tpu.memref_slice %arg5[%gather3A_175] : memref<65536xi32, #tpu.memory_space<vmem>> -> memref<65424xi32, #tpu.memory_space<vmem>>
        %gather3A_177 = tpu.vector_load_idx %gather3A_176[%add3A_171] : memref<65424xi32, #tpu.memory_space<vmem>>[vector<16xi32>], vector<16xi32>,
        %bitcast3A = vector.bitcast %gather3A_145 : vector<16xi32> to vector<32xbf16>
        %bitcast3A_178 = vector.bitcast %gather3A_142 : vector<16xi32> to vector<32xbf16>
        %sub3A_179 = arith.subf %bitcast3A, %bitcast3A_178 : vector<32xbf16>
        %mul3A_180 = arith.mulf %sub3A_179, %pack3A : vector<32xbf16>
        %bitcast3A_181 = vector.bitcast %mul3A_180 : vector<32xbf16> to vector<16xi32>
        %shift_left3A = arith.constant 16 : i32
        %shift_left3A_182 = vector.broadcast %shift_left3A : i32 to vector<16xi32>
        %shift_left3A_183 = arith.shli %gather3A_142, %shift_left3A_182 : vector<16xi32>
        %bitcast3A_184 = vector.bitcast %shift_left3A_183 : vector<16xi32> to vector<16xf32>
        %and3A_185 = vector.broadcast %scan3A_47 : i32 to vector<16xi32>
        %and3A_186 = arith.andi %gather3A_142, %and3A_185 : vector<16xi32>
        %bitcast3A_187 = vector.bitcast %and3A_186 : vector<16xi32> to vector<16xf32>
        %shift_left3A_188 = arith.constant 16 : i32
        %shift_left3A_189 = vector.broadcast %shift_left3A_188 : i32 to vector<16xi32>
        %shift_left3A_190 = arith.shli %bitcast3A_181, %shift_left3A_189 : vector<16xi32>
        %bitcast3A_191 = vector.bitcast %shift_left3A_190 : vector<16xi32> to vector<16xf32>
        %and3A_192 = vector.broadcast %scan3A_47 : i32 to vector<16xi32>
        %and3A_193 = arith.andi %bitcast3A_181, %and3A_192 : vector<16xi32>
        %bitcast3A_194 = vector.bitcast %and3A_193 : vector<16xi32> to vector<16xf32>
        %add3A_195 = arith.addf %bitcast3A_184, %bitcast3A_191 : vector<16xf32>
        %add3A_196 = arith.constant 0 : i32
        %add3A_197 = arith.addi %add3A_136, %add3A_196 : i32
        %swap3A = arith.index_cast %add3A_197 : i32 to index
        %swap3A_198 = arith.constant 0 : index
        %swap3A_199 = tpu.vector_load %arg9[%swap3A, %swap3A_198] {strides = array<i32>} : memref<384x128xf32, #tpu.memory_space<vmem>>, vector<16xf32>,
        tpu.vector_store %arg9[%swap3A, %swap3A_198], %add3A_195 {strides = array<i32>} : memref<384x128xf32, #tpu.memory_space<vmem>>, vector<16xf32>,
        %add3A_200 = arith.addf %bitcast3A_187, %bitcast3A_194 : vector<16xf32>
        %add3A_201 = arith.constant 0 : i32
        %add3A_202 = arith.addi %add3A_136, %add3A_201 : i32
        %swap3A_203 = arith.index_cast %add3A_202 : i32 to index
        %swap3A_204 = arith.constant 64 : index
        %swap3A_205 = tpu.vector_load %arg9[%swap3A_203, %swap3A_204] {strides = array<i32>} : memref<384x128xf32, #tpu.memory_space<vmem>>, vector<16xf32>,
        tpu.vector_store %arg9[%swap3A_203, %swap3A_204], %add3A_200 {strides = array<i32>} : memref<384x128xf32, #tpu.memory_space<vmem>>, vector<16xf32>,
        %gather3A_206 = arith.constant 16 : i32
        %gather3A_207 = tpu.memref_slice %arg5[%gather3A_206] : memref<65536xi32, #tpu.memory_space<vmem>> -> memref<65488xi32, #tpu.memory_space<vmem>>
        %gather3A_208 = tpu.vector_load_idx %gather3A_207[%add3A_171] : memref<65488xi32, #tpu.memory_space<vmem>>[vector<16xi32>], vector<16xi32>,
        %gather3A_209 = arith.constant 80 : i32
        %gather3A_210 = tpu.memref_slice %arg5[%gather3A_209] : memref<65536xi32, #tpu.memory_space<vmem>> -> memref<65424xi32, #tpu.memory_space<vmem>>
        %gather3A_211 = tpu.vector_load_idx %gather3A_210[%add3A_171] : memref<65424xi32, #tpu.memory_space<vmem>>[vector<16xi32>], vector<16xi32>,
        %bitcast3A_212 = vector.bitcast %gather3A_151 : vector<16xi32> to vector<32xbf16>
        %bitcast3A_213 = vector.bitcast %gather3A_148 : vector<16xi32> to vector<32xbf16>
        %sub3A_214 = arith.subf %bitcast3A_212, %bitcast3A_213 : vector<32xbf16>
        %mul3A_215 = arith.mulf %sub3A_214, %pack3A : vector<32xbf16>
        %bitcast3A_216 = vector.bitcast %mul3A_215 : vector<32xbf16> to vector<16xi32>
        %shift_left3A_217 = arith.constant 16 : i32
        %shift_left3A_218 = vector.broadcast %shift_left3A_217 : i32 to vector<16xi32>
        %shift_left3A_219 = arith.shli %gather3A_148, %shift_left3A_218 : vector<16xi32>
        %bitcast3A_220 = vector.bitcast %shift_left3A_219 : vector<16xi32> to vector<16xf32>
        %and3A_221 = vector.broadcast %scan3A_47 : i32 to vector<16xi32>
        %and3A_222 = arith.andi %gather3A_148, %and3A_221 : vector<16xi32>
        %bitcast3A_223 = vector.bitcast %and3A_222 : vector<16xi32> to vector<16xf32>
        %shift_left3A_224 = arith.constant 16 : i32
        %shift_left3A_225 = vector.broadcast %shift_left3A_224 : i32 to vector<16xi32>
        %shift_left3A_226 = arith.shli %bitcast3A_216, %shift_left3A_225 : vector<16xi32>
        %bitcast3A_227 = vector.bitcast %shift_left3A_226 : vector<16xi32> to vector<16xf32>
        %and3A_228 = vector.broadcast %scan3A_47 : i32 to vector<16xi32>
        %and3A_229 = arith.andi %bitcast3A_216, %and3A_228 : vector<16xi32>
        %bitcast3A_230 = vector.bitcast %and3A_229 : vector<16xi32> to vector<16xf32>
        %add3A_231 = arith.addf %bitcast3A_220, %bitcast3A_227 : vector<16xf32>
        %add3A_232 = arith.constant 0 : i32
        %add3A_233 = arith.addi %add3A_136, %add3A_232 : i32
        %swap3A_234 = arith.index_cast %add3A_233 : i32 to index
        %swap3A_235 = arith.constant 16 : index
        %swap3A_236 = tpu.vector_load %arg9[%swap3A_234, %swap3A_235] {strides = array<i32>} : memref<384x128xf32, #tpu.memory_space<vmem>>, vector<16xf32>,
        tpu.vector_store %arg9[%swap3A_234, %swap3A_235], %add3A_231 {strides = array<i32>} : memref<384x128xf32, #tpu.memory_space<vmem>>, vector<16xf32>,
        %add3A_237 = arith.addf %bitcast3A_223, %bitcast3A_230 : vector<16xf32>
        %add3A_238 = arith.constant 0 : i32
        %add3A_239 = arith.addi %add3A_136, %add3A_238 : i32
        %swap3A_240 = arith.index_cast %add3A_239 : i32 to index
        %swap3A_241 = arith.constant 80 : index
        %swap3A_242 = tpu.vector_load %arg9[%swap3A_240, %swap3A_241] {strides = array<i32>} : memref<384x128xf32, #tpu.memory_space<vmem>>, vector<16xf32>,
        tpu.vector_store %arg9[%swap3A_240, %swap3A_241], %add3A_237 {strides = array<i32>} : memref<384x128xf32, #tpu.memory_space<vmem>>, vector<16xf32>,
        %gather3A_243 = arith.constant 32 : i32
        %gather3A_244 = tpu.memref_slice %arg5[%gather3A_243] : memref<65536xi32, #tpu.memory_space<vmem>> -> memref<65488xi32, #tpu.memory_space<vmem>>
        %gather3A_245 = tpu.vector_load_idx %gather3A_244[%add3A_171] : memref<65488xi32, #tpu.memory_space<vmem>>[vector<16xi32>], vector<16xi32>,
        %gather3A_246 = arith.constant 96 : i32
        %gather3A_247 = tpu.memref_slice %arg5[%gather3A_246] : memref<65536xi32, #tpu.memory_space<vmem>> -> memref<65424xi32, #tpu.memory_space<vmem>>
        %gather3A_248 = tpu.vector_load_idx %gather3A_247[%add3A_171] : memref<65424xi32, #tpu.memory_space<vmem>>[vector<16xi32>], vector<16xi32>,
        %bitcast3A_249 = vector.bitcast %gather3A_157 : vector<16xi32> to vector<32xbf16>
        %bitcast3A_250 = vector.bitcast %gather3A_154 : vector<16xi32> to vector<32xbf16>
        %sub3A_251 = arith.subf %bitcast3A_249, %bitcast3A_250 : vector<32xbf16>
        %mul3A_252 = arith.mulf %sub3A_251, %pack3A : vector<32xbf16>
        %bitcast3A_253 = vector.bitcast %mul3A_252 : vector<32xbf16> to vector<16xi32>
        %shift_left3A_254 = arith.constant 16 : i32
        %shift_left3A_255 = vector.broadcast %shift_left3A_254 : i32 to vector<16xi32>
        %shift_left3A_256 = arith.shli %gather3A_154, %shift_left3A_255 : vector<16xi32>
        %bitcast3A_257 = vector.bitcast %shift_left3A_256 : vector<16xi32> to vector<16xf32>
        %and3A_258 = vector.broadcast %scan3A_47 : i32 to vector<16xi32>
        %and3A_259 = arith.andi %gather3A_154, %and3A_258 : vector<16xi32>
        %bitcast3A_260 = vector.bitcast %and3A_259 : vector<16xi32> to vector<16xf32>
        %shift_left3A_261 = arith.constant 16 : i32
        %shift_left3A_262 = vector.broadcast %shift_left3A_261 : i32 to vector<16xi32>
        %shift_left3A_263 = arith.shli %bitcast3A_253, %shift_left3A_262 : vector<16xi32>
        %bitcast3A_264 = vector.bitcast %shift_left3A_263 : vector<16xi32> to vector<16xf32>
        %and3A_265 = vector.broadcast %scan3A_47 : i32 to vector<16xi32>
        %and3A_266 = arith.andi %bitcast3A_253, %and3A_265 : vector<16xi32>
        %bitcast3A_267 = vector.bitcast %and3A_266 : vector<16xi32> to vector<16xf32>
        %add3A_268 = arith.addf %bitcast3A_257, %bitcast3A_264 : vector<16xf32>
        %add3A_269 = arith.constant 0 : i32
        %add3A_270 = arith.addi %add3A_136, %add3A_269 : i32
        %swap3A_271 = arith.index_cast %add3A_270 : i32 to index
        %swap3A_272 = arith.constant 32 : index
        %swap3A_273 = tpu.vector_load %arg9[%swap3A_271, %swap3A_272] {strides = array<i32>} : memref<384x128xf32, #tpu.memory_space<vmem>>, vector<16xf32>,
        tpu.vector_store %arg9[%swap3A_271, %swap3A_272], %add3A_268 {strides = array<i32>} : memref<384x128xf32, #tpu.memory_space<vmem>>, vector<16xf32>,
        %add3A_274 = arith.addf %bitcast3A_260, %bitcast3A_267 : vector<16xf32>
        %add3A_275 = arith.constant 0 : i32
        %add3A_276 = arith.addi %add3A_136, %add3A_275 : i32
        %swap3A_277 = arith.index_cast %add3A_276 : i32 to index
        %swap3A_278 = arith.constant 96 : index
        %swap3A_279 = tpu.vector_load %arg9[%swap3A_277, %swap3A_278] {strides = array<i32>} : memref<384x128xf32, #tpu.memory_space<vmem>>, vector<16xf32>,
        tpu.vector_store %arg9[%swap3A_277, %swap3A_278], %add3A_274 {strides = array<i32>} : memref<384x128xf32, #tpu.memory_space<vmem>>, vector<16xf32>,
        %gather3A_280 = arith.constant 48 : i32
        %gather3A_281 = tpu.memref_slice %arg5[%gather3A_280] : memref<65536xi32, #tpu.memory_space<vmem>> -> memref<65488xi32, #tpu.memory_space<vmem>>
        %gather3A_282 = tpu.vector_load_idx %gather3A_281[%add3A_171] : memref<65488xi32, #tpu.memory_space<vmem>>[vector<16xi32>], vector<16xi32>,
        %gather3A_283 = arith.constant 112 : i32
        %gather3A_284 = tpu.memref_slice %arg5[%gather3A_283] : memref<65536xi32, #tpu.memory_space<vmem>> -> memref<65424xi32, #tpu.memory_space<vmem>>
        %gather3A_285 = tpu.vector_load_idx %gather3A_284[%add3A_171] : memref<65424xi32, #tpu.memory_space<vmem>>[vector<16xi32>], vector<16xi32>,
        %bitcast3A_286 = vector.bitcast %gather3A_163 : vector<16xi32> to vector<32xbf16>
        %bitcast3A_287 = vector.bitcast %gather3A_160 : vector<16xi32> to vector<32xbf16>
        %sub3A_288 = arith.subf %bitcast3A_286, %bitcast3A_287 : vector<32xbf16>
        %mul3A_289 = arith.mulf %sub3A_288, %pack3A : vector<32xbf16>
        %bitcast3A_290 = vector.bitcast %mul3A_289 : vector<32xbf16> to vector<16xi32>
        %shift_left3A_291 = arith.constant 16 : i32
        %shift_left3A_292 = vector.broadcast %shift_left3A_291 : i32 to vector<16xi32>
        %shift_left3A_293 = arith.shli %gather3A_160, %shift_left3A_292 : vector<16xi32>
        %bitcast3A_294 = vector.bitcast %shift_left3A_293 : vector<16xi32> to vector<16xf32>
        %and3A_295 = vector.broadcast %scan3A_47 : i32 to vector<16xi32>
        %and3A_296 = arith.andi %gather3A_160, %and3A_295 : vector<16xi32>
        %bitcast3A_297 = vector.bitcast %and3A_296 : vector<16xi32> to vector<16xf32>
        %shift_left3A_298 = arith.constant 16 : i32
        %shift_left3A_299 = vector.broadcast %shift_left3A_298 : i32 to vector<16xi32>
        %shift_left3A_300 = arith.shli %bitcast3A_290, %shift_left3A_299 : vector<16xi32>
        %bitcast3A_301 = vector.bitcast %shift_left3A_300 : vector<16xi32> to vector<16xf32>
        %and3A_302 = vector.broadcast %scan3A_47 : i32 to vector<16xi32>
        %and3A_303 = arith.andi %bitcast3A_290, %and3A_302 : vector<16xi32>
        %bitcast3A_304 = vector.bitcast %and3A_303 : vector<16xi32> to vector<16xf32>
        %add3A_305 = arith.addf %bitcast3A_294, %bitcast3A_301 : vector<16xf32>
        %add3A_306 = arith.constant 0 : i32
        %add3A_307 = arith.addi %add3A_136, %add3A_306 : i32
        %swap3A_308 = arith.index_cast %add3A_307 : i32 to index
        %swap3A_309 = arith.constant 48 : index
        %swap3A_310 = tpu.vector_load %arg9[%swap3A_308, %swap3A_309] {strides = array<i32>} : memref<384x128xf32, #tpu.memory_space<vmem>>, vector<16xf32>,
        tpu.vector_store %arg9[%swap3A_308, %swap3A_309], %add3A_305 {strides = array<i32>} : memref<384x128xf32, #tpu.memory_space<vmem>>, vector<16xf32>,
        %add3A_311 = arith.addf %bitcast3A_297, %bitcast3A_304 : vector<16xf32>
        %add3A_312 = arith.constant 0 : i32
        %add3A_313 = arith.addi %add3A_136, %add3A_312 : i32
        %swap3A_314 = arith.index_cast %add3A_313 : i32 to index
        %swap3A_315 = arith.constant 112 : index
        %swap3A_316 = tpu.vector_load %arg9[%swap3A_314, %swap3A_315] {strides = array<i32>} : memref<384x128xf32, #tpu.memory_space<vmem>>, vector<16xf32>,
        tpu.vector_store %arg9[%swap3A_314, %swap3A_315], %add3A_311 {strides = array<i32>} : memref<384x128xf32, #tpu.memory_space<vmem>>, vector<16xf32>,
        %slice3A_317 = vector.extract_strided_slice %get3A_131 {offsets = [2], sizes = [1], strides = [1]} : vector<16xi32> to vector<1xi32>
        %squeeze3A_318 = vector.extract %slice3A_317[0] : i32 from vector<1xi32>
        %broadcast_in_dim3A_319 = vector.broadcast %squeeze3A_318 : i32 to vector<16xi32>
        %slice3A_320 = vector.extract_strided_slice %get3A_133 {offsets = [2], sizes = [1], strides = [1]} : vector<16xf32> to vector<1xf32>
        %squeeze3A_321 = vector.extract %slice3A_320[0] : f32 from vector<1xf32>
        %broadcast_in_dim3A_322 = vector.broadcast %squeeze3A_321 : f32 to vector<16xf32>
        %pack3A_323 = tpu.pack_subelements %broadcast_in_dim3A_322, %broadcast_in_dim3A_322 {pack_format = #tpu.pack_format<interleaved>, positions = array<i32: 0, 1>} : vector<16xf32>, vector<16xf32> -> vector<32xbf16>
        %add3A_324 = arith.addi %broadcast_in_dim3A_319, %iota3A : vector<16xi32>
        %gather3A_325 = arith.constant 0 : i32
        %gather3A_326 = tpu.memref_slice %arg5[%gather3A_325] : memref<65536xi32, #tpu.memory_space<vmem>> -> memref<65488xi32, #tpu.memory_space<vmem>>
        %gather3A_327 = tpu.vector_load_idx %gather3A_326[%add3A_324] : memref<65488xi32, #tpu.memory_space<vmem>>[vector<16xi32>], vector<16xi32>,
        %gather3A_328 = arith.constant 64 : i32
        %gather3A_329 = tpu.memref_slice %arg5[%gather3A_328] : memref<65536xi32, #tpu.memory_space<vmem>> -> memref<65424xi32, #tpu.memory_space<vmem>>
        %gather3A_330 = tpu.vector_load_idx %gather3A_329[%add3A_324] : memref<65424xi32, #tpu.memory_space<vmem>>[vector<16xi32>], vector<16xi32>,
        %bitcast3A_331 = vector.bitcast %gather3A_177 : vector<16xi32> to vector<32xbf16>
        %bitcast3A_332 = vector.bitcast %gather3A_174 : vector<16xi32> to vector<32xbf16>
        %sub3A_333 = arith.subf %bitcast3A_331, %bitcast3A_332 : vector<32xbf16>
        %mul3A_334 = arith.mulf %sub3A_333, %pack3A_170 : vector<32xbf16>
        %bitcast3A_335 = vector.bitcast %mul3A_334 : vector<32xbf16> to vector<16xi32>
        %shift_left3A_336 = arith.constant 16 : i32
        %shift_left3A_337 = vector.broadcast %shift_left3A_336 : i32 to vector<16xi32>
        %shift_left3A_338 = arith.shli %gather3A_174, %shift_left3A_337 : vector<16xi32>
        %bitcast3A_339 = vector.bitcast %shift_left3A_338 : vector<16xi32> to vector<16xf32>
        %and3A_340 = vector.broadcast %scan3A_47 : i32 to vector<16xi32>
        %and3A_341 = arith.andi %gather3A_174, %and3A_340 : vector<16xi32>
        %bitcast3A_342 = vector.bitcast %and3A_341 : vector<16xi32> to vector<16xf32>
        %shift_left3A_343 = arith.constant 16 : i32
        %shift_left3A_344 = vector.broadcast %shift_left3A_343 : i32 to vector<16xi32>
        %shift_left3A_345 = arith.shli %bitcast3A_335, %shift_left3A_344 : vector<16xi32>
        %bitcast3A_346 = vector.bitcast %shift_left3A_345 : vector<16xi32> to vector<16xf32>
        %and3A_347 = vector.broadcast %scan3A_47 : i32 to vector<16xi32>
        %and3A_348 = arith.andi %bitcast3A_335, %and3A_347 : vector<16xi32>
        %bitcast3A_349 = vector.bitcast %and3A_348 : vector<16xi32> to vector<16xf32>
        %add3A_350 = arith.addf %bitcast3A_339, %bitcast3A_346 : vector<16xf32>
        %add3A_351 = arith.constant 1 : i32
        %add3A_352 = arith.addi %add3A_136, %add3A_351 : i32
        %swap3A_353 = arith.index_cast %add3A_352 : i32 to index
        %swap3A_354 = arith.constant 0 : index
        %swap3A_355 = tpu.vector_load %arg9[%swap3A_353, %swap3A_354] {strides = array<i32>} : memref<384x128xf32, #tpu.memory_space<vmem>>, vector<16xf32>,
        tpu.vector_store %arg9[%swap3A_353, %swap3A_354], %add3A_350 {strides = array<i32>} : memref<384x128xf32, #tpu.memory_space<vmem>>, vector<16xf32>,
        %add3A_356 = arith.addf %bitcast3A_342, %bitcast3A_349 : vector<16xf32>
        %add3A_357 = arith.constant 1 : i32
        %add3A_358 = arith.addi %add3A_136, %add3A_357 : i32
        %swap3A_359 = arith.index_cast %add3A_358 : i32 to index
        %swap3A_360 = arith.constant 64 : index
        %swap3A_361 = tpu.vector_load %arg9[%swap3A_359, %swap3A_360] {strides = array<i32>} : memref<384x128xf32, #tpu.memory_space<vmem>>, vector<16xf32>,
        tpu.vector_store %arg9[%swap3A_359, %swap3A_360], %add3A_356 {strides = array<i32>} : memref<384x128xf32, #tpu.memory_space<vmem>>, vector<16xf32>,
        %gather3A_362 = arith.constant 16 : i32
        %gather3A_363 = tpu.memref_slice %arg5[%gather3A_362] : memref<65536xi32, #tpu.memory_space<vmem>> -> memref<65488xi32, #tpu.memory_space<vmem>>
        %gather3A_364 = tpu.vector_load_idx %gather3A_363[%add3A_324] : memref<65488xi32, #tpu.memory_space<vmem>>[vector<16xi32>], vector<16xi32>,
        %gather3A_365 = arith.constant 80 : i32
        %gather3A_366 = tpu.memref_slice %arg5[%gather3A_365] : memref<65536xi32, #tpu.memory_space<vmem>> -> memref<65424xi32, #tpu.memory_space<vmem>>
        %gather3A_367 = tpu.vector_load_idx %gather3A_366[%add3A_324] : memref<65424xi32, #tpu.memory_space<vmem>>[vector<16xi32>], vector<16xi32>,
        %bitcast3A_368 = vector.bitcast %gather3A_211 : vector<16xi32> to vector<32xbf16>
        %bitcast3A_369 = vector.bitcast %gather3A_208 : vector<16xi32> to vector<32xbf16>
        %sub3A_370 = arith.subf %bitcast3A_368, %bitcast3A_369 : vector<32xbf16>
        %mul3A_371 = arith.mulf %sub3A_370, %pack3A_170 : vector<32xbf16>
        %bitcast3A_372 = vector.bitcast %mul3A_371 : vector<32xbf16> to vector<16xi32>
        %shift_left3A_373 = arith.constant 16 : i32
        %shift_left3A_374 = vector.broadcast %shift_left3A_373 : i32 to vector<16xi32>
        %shift_left3A_375 = arith.shli %gather3A_208, %shift_left3A_374 : vector<16xi32>
        %bitcast3A_376 = vector.bitcast %shift_left3A_375 : vector<16xi32> to vector<16xf32>
        %and3A_377 = vector.broadcast %scan3A_47 : i32 to vector<16xi32>
        %and3A_378 = arith.andi %gather3A_208, %and3A_377 : vector<16xi32>
        %bitcast3A_379 = vector.bitcast %and3A_378 : vector<16xi32> to vector<16xf32>
        %shift_left3A_380 = arith.constant 16 : i32
        %shift_left3A_381 = vector.broadcast %shift_left3A_380 : i32 to vector<16xi32>
        %shift_left3A_382 = arith.shli %bitcast3A_372, %shift_left3A_381 : vector<16xi32>
        %bitcast3A_383 = vector.bitcast %shift_left3A_382 : vector<16xi32> to vector<16xf32>
        %and3A_384 = vector.broadcast %scan3A_47 : i32 to vector<16xi32>
        %and3A_385 = arith.andi %bitcast3A_372, %and3A_384 : vector<16xi32>
        %bitcast3A_386 = vector.bitcast %and3A_385 : vector<16xi32> to vector<16xf32>
        %add3A_387 = arith.addf %bitcast3A_376, %bitcast3A_383 : vector<16xf32>
        %add3A_388 = arith.constant 1 : i32
        %add3A_389 = arith.addi %add3A_136, %add3A_388 : i32
        %swap3A_390 = arith.index_cast %add3A_389 : i32 to index
        %swap3A_391 = arith.constant 16 : index
        %swap3A_392 = tpu.vector_load %arg9[%swap3A_390, %swap3A_391] {strides = array<i32>} : memref<384x128xf32, #tpu.memory_space<vmem>>, vector<16xf32>,
        tpu.vector_store %arg9[%swap3A_390, %swap3A_391], %add3A_387 {strides = array<i32>} : memref<384x128xf32, #tpu.memory_space<vmem>>, vector<16xf32>,
        %add3A_393 = arith.addf %bitcast3A_379, %bitcast3A_386 : vector<16xf32>
        %add3A_394 = arith.constant 1 : i32
        %add3A_395 = arith.addi %add3A_136, %add3A_394 : i32
        %swap3A_396 = arith.index_cast %add3A_395 : i32 to index
        %swap3A_397 = arith.constant 80 : index
        %swap3A_398 = tpu.vector_load %arg9[%swap3A_396, %swap3A_397] {strides = array<i32>} : memref<384x128xf32, #tpu.memory_space<vmem>>, vector<16xf32>,
        tpu.vector_store %arg9[%swap3A_396, %swap3A_397], %add3A_393 {strides = array<i32>} : memref<384x128xf32, #tpu.memory_space<vmem>>, vector<16xf32>,
        %gather3A_399 = arith.constant 32 : i32
        %gather3A_400 = tpu.memref_slice %arg5[%gather3A_399] : memref<65536xi32, #tpu.memory_space<vmem>> -> memref<65488xi32, #tpu.memory_space<vmem>>
        %gather3A_401 = tpu.vector_load_idx %gather3A_400[%add3A_324] : memref<65488xi32, #tpu.memory_space<vmem>>[vector<16xi32>], vector<16xi32>,
        %gather3A_402 = arith.constant 96 : i32
        %gather3A_403 = tpu.memref_slice %arg5[%gather3A_402] : memref<65536xi32, #tpu.memory_space<vmem>> -> memref<65424xi32, #tpu.memory_space<vmem>>
        %gather3A_404 = tpu.vector_load_idx %gather3A_403[%add3A_324] : memref<65424xi32, #tpu.memory_space<vmem>>[vector<16xi32>], vector<16xi32>,
        %bitcast3A_405 = vector.bitcast %gather3A_248 : vector<16xi32> to vector<32xbf16>
        %bitcast3A_406 = vector.bitcast %gather3A_245 : vector<16xi32> to vector<32xbf16>
        %sub3A_407 = arith.subf %bitcast3A_405, %bitcast3A_406 : vector<32xbf16>
        %mul3A_408 = arith.mulf %sub3A_407, %pack3A_170 : vector<32xbf16>
        %bitcast3A_409 = vector.bitcast %mul3A_408 : vector<32xbf16> to vector<16xi32>
        %shift_left3A_410 = arith.constant 16 : i32
        %shift_left3A_411 = vector.broadcast %shift_left3A_410 : i32 to vector<16xi32>
        %shift_left3A_412 = arith.shli %gather3A_245, %shift_left3A_411 : vector<16xi32>
        %bitcast3A_413 = vector.bitcast %shift_left3A_412 : vector<16xi32> to vector<16xf32>
        %and3A_414 = vector.broadcast %scan3A_47 : i32 to vector<16xi32>
        %and3A_415 = arith.andi %gather3A_245, %and3A_414 : vector<16xi32>
        %bitcast3A_416 = vector.bitcast %and3A_415 : vector<16xi32> to vector<16xf32>
        %shift_left3A_417 = arith.constant 16 : i32
        %shift_left3A_418 = vector.broadcast %shift_left3A_417 : i32 to vector<16xi32>
        %shift_left3A_419 = arith.shli %bitcast3A_409, %shift_left3A_418 : vector<16xi32>
        %bitcast3A_420 = vector.bitcast %shift_left3A_419 : vector<16xi32> to vector<16xf32>
        %and3A_421 = vector.broadcast %scan3A_47 : i32 to vector<16xi32>
        %and3A_422 = arith.andi %bitcast3A_409, %and3A_421 : vector<16xi32>
        %bitcast3A_423 = vector.bitcast %and3A_422 : vector<16xi32> to vector<16xf32>
        %add3A_424 = arith.addf %bitcast3A_413, %bitcast3A_420 : vector<16xf32>
        %add3A_425 = arith.constant 1 : i32
        %add3A_426 = arith.addi %add3A_136, %add3A_425 : i32
        %swap3A_427 = arith.index_cast %add3A_426 : i32 to index
        %swap3A_428 = arith.constant 32 : index
        %swap3A_429 = tpu.vector_load %arg9[%swap3A_427, %swap3A_428] {strides = array<i32>} : memref<384x128xf32, #tpu.memory_space<vmem>>, vector<16xf32>,
        tpu.vector_store %arg9[%swap3A_427, %swap3A_428], %add3A_424 {strides = array<i32>} : memref<384x128xf32, #tpu.memory_space<vmem>>, vector<16xf32>,
        %add3A_430 = arith.addf %bitcast3A_416, %bitcast3A_423 : vector<16xf32>
        %add3A_431 = arith.constant 1 : i32
        %add3A_432 = arith.addi %add3A_136, %add3A_431 : i32
        %swap3A_433 = arith.index_cast %add3A_432 : i32 to index
        %swap3A_434 = arith.constant 96 : index
        %swap3A_435 = tpu.vector_load %arg9[%swap3A_433, %swap3A_434] {strides = array<i32>} : memref<384x128xf32, #tpu.memory_space<vmem>>, vector<16xf32>,
        tpu.vector_store %arg9[%swap3A_433, %swap3A_434], %add3A_430 {strides = array<i32>} : memref<384x128xf32, #tpu.memory_space<vmem>>, vector<16xf32>,
        %gather3A_436 = arith.constant 48 : i32
        %gather3A_437 = tpu.memref_slice %arg5[%gather3A_436] : memref<65536xi32, #tpu.memory_space<vmem>> -> memref<65488xi32, #tpu.memory_space<vmem>>
        %gather3A_438 = tpu.vector_load_idx %gather3A_437[%add3A_324] : memref<65488xi32, #tpu.memory_space<vmem>>[vector<16xi32>], vector<16xi32>,
        %gather3A_439 = arith.constant 112 : i32
        %gather3A_440 = tpu.memref_slice %arg5[%gather3A_439] : memref<65536xi32, #tpu.memory_space<vmem>> -> memref<65424xi32, #tpu.memory_space<vmem>>
        %gather3A_441 = tpu.vector_load_idx %gather3A_440[%add3A_324] : memref<65424xi32, #tpu.memory_space<vmem>>[vector<16xi32>], vector<16xi32>,
        %bitcast3A_442 = vector.bitcast %gather3A_285 : vector<16xi32> to vector<32xbf16>
        %bitcast3A_443 = vector.bitcast %gather3A_282 : vector<16xi32> to vector<32xbf16>
        %sub3A_444 = arith.subf %bitcast3A_442, %bitcast3A_443 : vector<32xbf16>
        %mul3A_445 = arith.mulf %sub3A_444, %pack3A_170 : vector<32xbf16>
        %bitcast3A_446 = vector.bitcast %mul3A_445 : vector<32xbf16> to vector<16xi32>
        %shift_left3A_447 = arith.constant 16 : i32
        %shift_left3A_448 = vector.broadcast %shift_left3A_447 : i32 to vector<16xi32>
        %shift_left3A_449 = arith.shli %gather3A_282, %shift_left3A_448 : vector<16xi32>
        %bitcast3A_450 = vector.bitcast %shift_left3A_449 : vector<16xi32> to vector<16xf32>
        %and3A_451 = vector.broadcast %scan3A_47 : i32 to vector<16xi32>
        %and3A_452 = arith.andi %gather3A_282, %and3A_451 : vector<16xi32>
        %bitcast3A_453 = vector.bitcast %and3A_452 : vector<16xi32> to vector<16xf32>
        %shift_left3A_454 = arith.constant 16 : i32
        %shift_left3A_455 = vector.broadcast %shift_left3A_454 : i32 to vector<16xi32>
        %shift_left3A_456 = arith.shli %bitcast3A_446, %shift_left3A_455 : vector<16xi32>
        %bitcast3A_457 = vector.bitcast %shift_left3A_456 : vector<16xi32> to vector<16xf32>
        %and3A_458 = vector.broadcast %scan3A_47 : i32 to vector<16xi32>
        %and3A_459 = arith.andi %bitcast3A_446, %and3A_458 : vector<16xi32>
        %bitcast3A_460 = vector.bitcast %and3A_459 : vector<16xi32> to vector<16xf32>
        %add3A_461 = arith.addf %bitcast3A_450, %bitcast3A_457 : vector<16xf32>
        %add3A_462 = arith.constant 1 : i32
        %add3A_463 = arith.addi %add3A_136, %add3A_462 : i32
        %swap3A_464 = arith.index_cast %add3A_463 : i32 to index
        %swap3A_465 = arith.constant 48 : index
        %swap3A_466 = tpu.vector_load %arg9[%swap3A_464, %swap3A_465] {strides = array<i32>} : memref<384x128xf32, #tpu.memory_space<vmem>>, vector<16xf32>,
        tpu.vector_store %arg9[%swap3A_464, %swap3A_465], %add3A_461 {strides = array<i32>} : memref<384x128xf32, #tpu.memory_space<vmem>>, vector<16xf32>,
        %add3A_467 = arith.addf %bitcast3A_453, %bitcast3A_460 : vector<16xf32>
        %add3A_468 = arith.constant 1 : i32
        %add3A_469 = arith.addi %add3A_136, %add3A_468 : i32
        %swap3A_470 = arith.index_cast %add3A_469 : i32 to index
        %swap3A_471 = arith.constant 112 : index
        %swap3A_472 = tpu.vector_load %arg9[%swap3A_470, %swap3A_471] {strides = array<i32>} : memref<384x128xf32, #tpu.memory_space<vmem>>, vector<16xf32>,
        tpu.vector_store %arg9[%swap3A_470, %swap3A_471], %add3A_467 {strides = array<i32>} : memref<384x128xf32, #tpu.memory_space<vmem>>, vector<16xf32>,
        %slice3A_473 = vector.extract_strided_slice %get3A_131 {offsets = [3], sizes = [1], strides = [1]} : vector<16xi32> to vector<1xi32>
        %squeeze3A_474 = vector.extract %slice3A_473[0] : i32 from vector<1xi32>
        %broadcast_in_dim3A_475 = vector.broadcast %squeeze3A_474 : i32 to vector<16xi32>
        %slice3A_476 = vector.extract_strided_slice %get3A_133 {offsets = [3], sizes = [1], strides = [1]} : vector<16xf32> to vector<1xf32>
        %squeeze3A_477 = vector.extract %slice3A_476[0] : f32 from vector<1xf32>
        %broadcast_in_dim3A_478 = vector.broadcast %squeeze3A_477 : f32 to vector<16xf32>
        %pack3A_479 = tpu.pack_subelements %broadcast_in_dim3A_478, %broadcast_in_dim3A_478 {pack_format = #tpu.pack_format<interleaved>, positions = array<i32: 0, 1>} : vector<16xf32>, vector<16xf32> -> vector<32xbf16>
        %add3A_480 = arith.addi %broadcast_in_dim3A_475, %iota3A : vector<16xi32>
        %gather3A_481 = arith.constant 0 : i32
        %gather3A_482 = tpu.memref_slice %arg5[%gather3A_481] : memref<65536xi32, #tpu.memory_space<vmem>> -> memref<65488xi32, #tpu.memory_space<vmem>>
        %gather3A_483 = tpu.vector_load_idx %gather3A_482[%add3A_480] : memref<65488xi32, #tpu.memory_space<vmem>>[vector<16xi32>], vector<16xi32>,
        %gather3A_484 = arith.constant 64 : i32
        %gather3A_485 = tpu.memref_slice %arg5[%gather3A_484] : memref<65536xi32, #tpu.memory_space<vmem>> -> memref<65424xi32, #tpu.memory_space<vmem>>
        %gather3A_486 = tpu.vector_load_idx %gather3A_485[%add3A_480] : memref<65424xi32, #tpu.memory_space<vmem>>[vector<16xi32>], vector<16xi32>,
        %bitcast3A_487 = vector.bitcast %gather3A_330 : vector<16xi32> to vector<32xbf16>
        %bitcast3A_488 = vector.bitcast %gather3A_327 : vector<16xi32> to vector<32xbf16>
        %sub3A_489 = arith.subf %bitcast3A_487, %bitcast3A_488 : vector<32xbf16>
        %mul3A_490 = arith.mulf %sub3A_489, %pack3A_323 : vector<32xbf16>
        %bitcast3A_491 = vector.bitcast %mul3A_490 : vector<32xbf16> to vector<16xi32>
        %shift_left3A_492 = arith.constant 16 : i32
        %shift_left3A_493 = vector.broadcast %shift_left3A_492 : i32 to vector<16xi32>
        %shift_left3A_494 = arith.shli %gather3A_327, %shift_left3A_493 : vector<16xi32>
        %bitcast3A_495 = vector.bitcast %shift_left3A_494 : vector<16xi32> to vector<16xf32>
        %and3A_496 = vector.broadcast %scan3A_47 : i32 to vector<16xi32>
        %and3A_497 = arith.andi %gather3A_327, %and3A_496 : vector<16xi32>
        %bitcast3A_498 = vector.bitcast %and3A_497 : vector<16xi32> to vector<16xf32>
        %shift_left3A_499 = arith.constant 16 : i32
        %shift_left3A_500 = vector.broadcast %shift_left3A_499 : i32 to vector<16xi32>
        %shift_left3A_501 = arith.shli %bitcast3A_491, %shift_left3A_500 : vector<16xi32>
        %bitcast3A_502 = vector.bitcast %shift_left3A_501 : vector<16xi32> to vector<16xf32>
        %and3A_503 = vector.broadcast %scan3A_47 : i32 to vector<16xi32>
        %and3A_504 = arith.andi %bitcast3A_491, %and3A_503 : vector<16xi32>
        %bitcast3A_505 = vector.bitcast %and3A_504 : vector<16xi32> to vector<16xf32>
        %add3A_506 = arith.addf %bitcast3A_495, %bitcast3A_502 : vector<16xf32>
        %add3A_507 = arith.constant 2 : i32
        %add3A_508 = arith.addi %add3A_136, %add3A_507 : i32
        %swap3A_509 = arith.index_cast %add3A_508 : i32 to index
        %swap3A_510 = arith.constant 0 : index
        %swap3A_511 = tpu.vector_load %arg9[%swap3A_509, %swap3A_510] {strides = array<i32>} : memref<384x128xf32, #tpu.memory_space<vmem>>, vector<16xf32>,
        tpu.vector_store %arg9[%swap3A_509, %swap3A_510], %add3A_506 {strides = array<i32>} : memref<384x128xf32, #tpu.memory_space<vmem>>, vector<16xf32>,
        %add3A_512 = arith.addf %bitcast3A_498, %bitcast3A_505 : vector<16xf32>
        %add3A_513 = arith.constant 2 : i32
        %add3A_514 = arith.addi %add3A_136, %add3A_513 : i32
        %swap3A_515 = arith.index_cast %add3A_514 : i32 to index
        %swap3A_516 = arith.constant 64 : index
        %swap3A_517 = tpu.vector_load %arg9[%swap3A_515, %swap3A_516] {strides = array<i32>} : memref<384x128xf32, #tpu.memory_space<vmem>>, vector<16xf32>,
        tpu.vector_store %arg9[%swap3A_515, %swap3A_516], %add3A_512 {strides = array<i32>} : memref<384x128xf32, #tpu.memory_space<vmem>>, vector<16xf32>,
        %gather3A_518 = arith.constant 16 : i32
        %gather3A_519 = tpu.memref_slice %arg5[%gather3A_518] : memref<65536xi32, #tpu.memory_space<vmem>> -> memref<65488xi32, #tpu.memory_space<vmem>>
        %gather3A_520 = tpu.vector_load_idx %gather3A_519[%add3A_480] : memref<65488xi32, #tpu.memory_space<vmem>>[vector<16xi32>], vector<16xi32>,
        %gather3A_521 = arith.constant 80 : i32
        %gather3A_522 = tpu.memref_slice %arg5[%gather3A_521] : memref<65536xi32, #tpu.memory_space<vmem>> -> memref<65424xi32, #tpu.memory_space<vmem>>
        %gather3A_523 = tpu.vector_load_idx %gather3A_522[%add3A_480] : memref<65424xi32, #tpu.memory_space<vmem>>[vector<16xi32>], vector<16xi32>,
        %bitcast3A_524 = vector.bitcast %gather3A_367 : vector<16xi32> to vector<32xbf16>
        %bitcast3A_525 = vector.bitcast %gather3A_364 : vector<16xi32> to vector<32xbf16>
        %sub3A_526 = arith.subf %bitcast3A_524, %bitcast3A_525 : vector<32xbf16>
        %mul3A_527 = arith.mulf %sub3A_526, %pack3A_323 : vector<32xbf16>
        %bitcast3A_528 = vector.bitcast %mul3A_527 : vector<32xbf16> to vector<16xi32>
        %shift_left3A_529 = arith.constant 16 : i32
        %shift_left3A_530 = vector.broadcast %shift_left3A_529 : i32 to vector<16xi32>
        %shift_left3A_531 = arith.shli %gather3A_364, %shift_left3A_530 : vector<16xi32>
        %bitcast3A_532 = vector.bitcast %shift_left3A_531 : vector<16xi32> to vector<16xf32>
        %and3A_533 = vector.broadcast %scan3A_47 : i32 to vector<16xi32>
        %and3A_534 = arith.andi %gather3A_364, %and3A_533 : vector<16xi32>
        %bitcast3A_535 = vector.bitcast %and3A_534 : vector<16xi32> to vector<16xf32>
        %shift_left3A_536 = arith.constant 16 : i32
        %shift_left3A_537 = vector.broadcast %shift_left3A_536 : i32 to vector<16xi32>
        %shift_left3A_538 = arith.shli %bitcast3A_528, %shift_left3A_537 : vector<16xi32>
        %bitcast3A_539 = vector.bitcast %shift_left3A_538 : vector<16xi32> to vector<16xf32>
        %and3A_540 = vector.broadcast %scan3A_47 : i32 to vector<16xi32>
        %and3A_541 = arith.andi %bitcast3A_528, %and3A_540 : vector<16xi32>
        %bitcast3A_542 = vector.bitcast %and3A_541 : vector<16xi32> to vector<16xf32>
        %add3A_543 = arith.addf %bitcast3A_532, %bitcast3A_539 : vector<16xf32>
        %add3A_544 = arith.constant 2 : i32
        %add3A_545 = arith.addi %add3A_136, %add3A_544 : i32
        %swap3A_546 = arith.index_cast %add3A_545 : i32 to index
        %swap3A_547 = arith.constant 16 : index
        %swap3A_548 = tpu.vector_load %arg9[%swap3A_546, %swap3A_547] {strides = array<i32>} : memref<384x128xf32, #tpu.memory_space<vmem>>, vector<16xf32>,
        tpu.vector_store %arg9[%swap3A_546, %swap3A_547], %add3A_543 {strides = array<i32>} : memref<384x128xf32, #tpu.memory_space<vmem>>, vector<16xf32>,
        %add3A_549 = arith.addf %bitcast3A_535, %bitcast3A_542 : vector<16xf32>
        %add3A_550 = arith.constant 2 : i32
        %add3A_551 = arith.addi %add3A_136, %add3A_550 : i32
        %swap3A_552 = arith.index_cast %add3A_551 : i32 to index
        %swap3A_553 = arith.constant 80 : index
        %swap3A_554 = tpu.vector_load %arg9[%swap3A_552, %swap3A_553] {strides = array<i32>} : memref<384x128xf32, #tpu.memory_space<vmem>>, vector<16xf32>,
        tpu.vector_store %arg9[%swap3A_552, %swap3A_553], %add3A_549 {strides = array<i32>} : memref<384x128xf32, #tpu.memory_space<vmem>>, vector<16xf32>,
        %gather3A_555 = arith.constant 32 : i32
        %gather3A_556 = tpu.memref_slice %arg5[%gather3A_555] : memref<65536xi32, #tpu.memory_space<vmem>> -> memref<65488xi32, #tpu.memory_space<vmem>>
        %gather3A_557 = tpu.vector_load_idx %gather3A_556[%add3A_480] : memref<65488xi32, #tpu.memory_space<vmem>>[vector<16xi32>], vector<16xi32>,
        %gather3A_558 = arith.constant 96 : i32
        %gather3A_559 = tpu.memref_slice %arg5[%gather3A_558] : memref<65536xi32, #tpu.memory_space<vmem>> -> memref<65424xi32, #tpu.memory_space<vmem>>
        %gather3A_560 = tpu.vector_load_idx %gather3A_559[%add3A_480] : memref<65424xi32, #tpu.memory_space<vmem>>[vector<16xi32>], vector<16xi32>,
        %bitcast3A_561 = vector.bitcast %gather3A_404 : vector<16xi32> to vector<32xbf16>
        %bitcast3A_562 = vector.bitcast %gather3A_401 : vector<16xi32> to vector<32xbf16>
        %sub3A_563 = arith.subf %bitcast3A_561, %bitcast3A_562 : vector<32xbf16>
        %mul3A_564 = arith.mulf %sub3A_563, %pack3A_323 : vector<32xbf16>
        %bitcast3A_565 = vector.bitcast %mul3A_564 : vector<32xbf16> to vector<16xi32>
        %shift_left3A_566 = arith.constant 16 : i32
        %shift_left3A_567 = vector.broadcast %shift_left3A_566 : i32 to vector<16xi32>
        %shift_left3A_568 = arith.shli %gather3A_401, %shift_left3A_567 : vector<16xi32>
        %bitcast3A_569 = vector.bitcast %shift_left3A_568 : vector<16xi32> to vector<16xf32>
        %and3A_570 = vector.broadcast %scan3A_47 : i32 to vector<16xi32>
        %and3A_571 = arith.andi %gather3A_401, %and3A_570 : vector<16xi32>
        %bitcast3A_572 = vector.bitcast %and3A_571 : vector<16xi32> to vector<16xf32>
        %shift_left3A_573 = arith.constant 16 : i32
        %shift_left3A_574 = vector.broadcast %shift_left3A_573 : i32 to vector<16xi32>
        %shift_left3A_575 = arith.shli %bitcast3A_565, %shift_left3A_574 : vector<16xi32>
        %bitcast3A_576 = vector.bitcast %shift_left3A_575 : vector<16xi32> to vector<16xf32>
        %and3A_577 = vector.broadcast %scan3A_47 : i32 to vector<16xi32>
        %and3A_578 = arith.andi %bitcast3A_565, %and3A_577 : vector<16xi32>
        %bitcast3A_579 = vector.bitcast %and3A_578 : vector<16xi32> to vector<16xf32>
        %add3A_580 = arith.addf %bitcast3A_569, %bitcast3A_576 : vector<16xf32>
        %add3A_581 = arith.constant 2 : i32
        %add3A_582 = arith.addi %add3A_136, %add3A_581 : i32
        %swap3A_583 = arith.index_cast %add3A_582 : i32 to index
        %swap3A_584 = arith.constant 32 : index
        %swap3A_585 = tpu.vector_load %arg9[%swap3A_583, %swap3A_584] {strides = array<i32>} : memref<384x128xf32, #tpu.memory_space<vmem>>, vector<16xf32>,
        tpu.vector_store %arg9[%swap3A_583, %swap3A_584], %add3A_580 {strides = array<i32>} : memref<384x128xf32, #tpu.memory_space<vmem>>, vector<16xf32>,
        %add3A_586 = arith.addf %bitcast3A_572, %bitcast3A_579 : vector<16xf32>
        %add3A_587 = arith.constant 2 : i32
        %add3A_588 = arith.addi %add3A_136, %add3A_587 : i32
        %swap3A_589 = arith.index_cast %add3A_588 : i32 to index
        %swap3A_590 = arith.constant 96 : index
        %swap3A_591 = tpu.vector_load %arg9[%swap3A_589, %swap3A_590] {strides = array<i32>} : memref<384x128xf32, #tpu.memory_space<vmem>>, vector<16xf32>,
        tpu.vector_store %arg9[%swap3A_589, %swap3A_590], %add3A_586 {strides = array<i32>} : memref<384x128xf32, #tpu.memory_space<vmem>>, vector<16xf32>,
        %gather3A_592 = arith.constant 48 : i32
        %gather3A_593 = tpu.memref_slice %arg5[%gather3A_592] : memref<65536xi32, #tpu.memory_space<vmem>> -> memref<65488xi32, #tpu.memory_space<vmem>>
        %gather3A_594 = tpu.vector_load_idx %gather3A_593[%add3A_480] : memref<65488xi32, #tpu.memory_space<vmem>>[vector<16xi32>], vector<16xi32>,
        %gather3A_595 = arith.constant 112 : i32
        %gather3A_596 = tpu.memref_slice %arg5[%gather3A_595] : memref<65536xi32, #tpu.memory_space<vmem>> -> memref<65424xi32, #tpu.memory_space<vmem>>
        %gather3A_597 = tpu.vector_load_idx %gather3A_596[%add3A_480] : memref<65424xi32, #tpu.memory_space<vmem>>[vector<16xi32>], vector<16xi32>,
        %bitcast3A_598 = vector.bitcast %gather3A_441 : vector<16xi32> to vector<32xbf16>
        %bitcast3A_599 = vector.bitcast %gather3A_438 : vector<16xi32> to vector<32xbf16>
        %sub3A_600 = arith.subf %bitcast3A_598, %bitcast3A_599 : vector<32xbf16>
        %mul3A_601 = arith.mulf %sub3A_600, %pack3A_323 : vector<32xbf16>
        %bitcast3A_602 = vector.bitcast %mul3A_601 : vector<32xbf16> to vector<16xi32>
        %shift_left3A_603 = arith.constant 16 : i32
        %shift_left3A_604 = vector.broadcast %shift_left3A_603 : i32 to vector<16xi32>
        %shift_left3A_605 = arith.shli %gather3A_438, %shift_left3A_604 : vector<16xi32>
        %bitcast3A_606 = vector.bitcast %shift_left3A_605 : vector<16xi32> to vector<16xf32>
        %and3A_607 = vector.broadcast %scan3A_47 : i32 to vector<16xi32>
        %and3A_608 = arith.andi %gather3A_438, %and3A_607 : vector<16xi32>
        %bitcast3A_609 = vector.bitcast %and3A_608 : vector<16xi32> to vector<16xf32>
        %shift_left3A_610 = arith.constant 16 : i32
        %shift_left3A_611 = vector.broadcast %shift_left3A_610 : i32 to vector<16xi32>
        %shift_left3A_612 = arith.shli %bitcast3A_602, %shift_left3A_611 : vector<16xi32>
        %bitcast3A_613 = vector.bitcast %shift_left3A_612 : vector<16xi32> to vector<16xf32>
        %and3A_614 = vector.broadcast %scan3A_47 : i32 to vector<16xi32>
        %and3A_615 = arith.andi %bitcast3A_602, %and3A_614 : vector<16xi32>
        %bitcast3A_616 = vector.bitcast %and3A_615 : vector<16xi32> to vector<16xf32>
        %add3A_617 = arith.addf %bitcast3A_606, %bitcast3A_613 : vector<16xf32>
        %add3A_618 = arith.constant 2 : i32
        %add3A_619 = arith.addi %add3A_136, %add3A_618 : i32
        %swap3A_620 = arith.index_cast %add3A_619 : i32 to index
        %swap3A_621 = arith.constant 48 : index
        %swap3A_622 = tpu.vector_load %arg9[%swap3A_620, %swap3A_621] {strides = array<i32>} : memref<384x128xf32, #tpu.memory_space<vmem>>, vector<16xf32>,
        tpu.vector_store %arg9[%swap3A_620, %swap3A_621], %add3A_617 {strides = array<i32>} : memref<384x128xf32, #tpu.memory_space<vmem>>, vector<16xf32>,
        %add3A_623 = arith.addf %bitcast3A_609, %bitcast3A_616 : vector<16xf32>
        %add3A_624 = arith.constant 2 : i32
        %add3A_625 = arith.addi %add3A_136, %add3A_624 : i32
        %swap3A_626 = arith.index_cast %add3A_625 : i32 to index
        %swap3A_627 = arith.constant 112 : index
        %swap3A_628 = tpu.vector_load %arg9[%swap3A_626, %swap3A_627] {strides = array<i32>} : memref<384x128xf32, #tpu.memory_space<vmem>>, vector<16xf32>,
        tpu.vector_store %arg9[%swap3A_626, %swap3A_627], %add3A_623 {strides = array<i32>} : memref<384x128xf32, #tpu.memory_space<vmem>>, vector<16xf32>,
        %slice3A_629 = vector.extract_strided_slice %get3A_131 {offsets = [4], sizes = [1], strides = [1]} : vector<16xi32> to vector<1xi32>
        %squeeze3A_630 = vector.extract %slice3A_629[0] : i32 from vector<1xi32>
        %broadcast_in_dim3A_631 = vector.broadcast %squeeze3A_630 : i32 to vector<16xi32>
        %slice3A_632 = vector.extract_strided_slice %get3A_133 {offsets = [4], sizes = [1], strides = [1]} : vector<16xf32> to vector<1xf32>
        %squeeze3A_633 = vector.extract %slice3A_632[0] : f32 from vector<1xf32>
        %broadcast_in_dim3A_634 = vector.broadcast %squeeze3A_633 : f32 to vector<16xf32>
        %pack3A_635 = tpu.pack_subelements %broadcast_in_dim3A_634, %broadcast_in_dim3A_634 {pack_format = #tpu.pack_format<interleaved>, positions = array<i32: 0, 1>} : vector<16xf32>, vector<16xf32> -> vector<32xbf16>
        %add3A_636 = arith.addi %broadcast_in_dim3A_631, %iota3A : vector<16xi32>
        %gather3A_637 = arith.constant 0 : i32
        %gather3A_638 = tpu.memref_slice %arg5[%gather3A_637] : memref<65536xi32, #tpu.memory_space<vmem>> -> memref<65488xi32, #tpu.memory_space<vmem>>
        %gather3A_639 = tpu.vector_load_idx %gather3A_638[%add3A_636] : memref<65488xi32, #tpu.memory_space<vmem>>[vector<16xi32>], vector<16xi32>,
        %gather3A_640 = arith.constant 64 : i32
        %gather3A_641 = tpu.memref_slice %arg5[%gather3A_640] : memref<65536xi32, #tpu.memory_space<vmem>> -> memref<65424xi32, #tpu.memory_space<vmem>>
        %gather3A_642 = tpu.vector_load_idx %gather3A_641[%add3A_636] : memref<65424xi32, #tpu.memory_space<vmem>>[vector<16xi32>], vector<16xi32>,
        %bitcast3A_643 = vector.bitcast %gather3A_486 : vector<16xi32> to vector<32xbf16>
        %bitcast3A_644 = vector.bitcast %gather3A_483 : vector<16xi32> to vector<32xbf16>
        %sub3A_645 = arith.subf %bitcast3A_643, %bitcast3A_644 : vector<32xbf16>
        %mul3A_646 = arith.mulf %sub3A_645, %pack3A_479 : vector<32xbf16>
        %bitcast3A_647 = vector.bitcast %mul3A_646 : vector<32xbf16> to vector<16xi32>
        %shift_left3A_648 = arith.constant 16 : i32
        %shift_left3A_649 = vector.broadcast %shift_left3A_648 : i32 to vector<16xi32>
        %shift_left3A_650 = arith.shli %gather3A_483, %shift_left3A_649 : vector<16xi32>
        %bitcast3A_651 = vector.bitcast %shift_left3A_650 : vector<16xi32> to vector<16xf32>
        %and3A_652 = vector.broadcast %scan3A_47 : i32 to vector<16xi32>
        %and3A_653 = arith.andi %gather3A_483, %and3A_652 : vector<16xi32>
        %bitcast3A_654 = vector.bitcast %and3A_653 : vector<16xi32> to vector<16xf32>
        %shift_left3A_655 = arith.constant 16 : i32
        %shift_left3A_656 = vector.broadcast %shift_left3A_655 : i32 to vector<16xi32>
        %shift_left3A_657 = arith.shli %bitcast3A_647, %shift_left3A_656 : vector<16xi32>
        %bitcast3A_658 = vector.bitcast %shift_left3A_657 : vector<16xi32> to vector<16xf32>
        %and3A_659 = vector.broadcast %scan3A_47 : i32 to vector<16xi32>
        %and3A_660 = arith.andi %bitcast3A_647, %and3A_659 : vector<16xi32>
        %bitcast3A_661 = vector.bitcast %and3A_660 : vector<16xi32> to vector<16xf32>
        %add3A_662 = arith.addf %bitcast3A_651, %bitcast3A_658 : vector<16xf32>
        %add3A_663 = arith.constant 3 : i32
        %add3A_664 = arith.addi %add3A_136, %add3A_663 : i32
        %swap3A_665 = arith.index_cast %add3A_664 : i32 to index
        %swap3A_666 = arith.constant 0 : index
        %swap3A_667 = tpu.vector_load %arg9[%swap3A_665, %swap3A_666] {strides = array<i32>} : memref<384x128xf32, #tpu.memory_space<vmem>>, vector<16xf32>,
        tpu.vector_store %arg9[%swap3A_665, %swap3A_666], %add3A_662 {strides = array<i32>} : memref<384x128xf32, #tpu.memory_space<vmem>>, vector<16xf32>,
        %add3A_668 = arith.addf %bitcast3A_654, %bitcast3A_661 : vector<16xf32>
        %add3A_669 = arith.constant 3 : i32
        %add3A_670 = arith.addi %add3A_136, %add3A_669 : i32
        %swap3A_671 = arith.index_cast %add3A_670 : i32 to index
        %swap3A_672 = arith.constant 64 : index
        %swap3A_673 = tpu.vector_load %arg9[%swap3A_671, %swap3A_672] {strides = array<i32>} : memref<384x128xf32, #tpu.memory_space<vmem>>, vector<16xf32>,
        tpu.vector_store %arg9[%swap3A_671, %swap3A_672], %add3A_668 {strides = array<i32>} : memref<384x128xf32, #tpu.memory_space<vmem>>, vector<16xf32>,
        %gather3A_674 = arith.constant 16 : i32
        %gather3A_675 = tpu.memref_slice %arg5[%gather3A_674] : memref<65536xi32, #tpu.memory_space<vmem>> -> memref<65488xi32, #tpu.memory_space<vmem>>
        %gather3A_676 = tpu.vector_load_idx %gather3A_675[%add3A_636] : memref<65488xi32, #tpu.memory_space<vmem>>[vector<16xi32>], vector<16xi32>,
        %gather3A_677 = arith.constant 80 : i32
        %gather3A_678 = tpu.memref_slice %arg5[%gather3A_677] : memref<65536xi32, #tpu.memory_space<vmem>> -> memref<65424xi32, #tpu.memory_space<vmem>>
        %gather3A_679 = tpu.vector_load_idx %gather3A_678[%add3A_636] : memref<65424xi32, #tpu.memory_space<vmem>>[vector<16xi32>], vector<16xi32>,
        %bitcast3A_680 = vector.bitcast %gather3A_523 : vector<16xi32> to vector<32xbf16>
        %bitcast3A_681 = vector.bitcast %gather3A_520 : vector<16xi32> to vector<32xbf16>
        %sub3A_682 = arith.subf %bitcast3A_680, %bitcast3A_681 : vector<32xbf16>
        %mul3A_683 = arith.mulf %sub3A_682, %pack3A_479 : vector<32xbf16>
        %bitcast3A_684 = vector.bitcast %mul3A_683 : vector<32xbf16> to vector<16xi32>
        %shift_left3A_685 = arith.constant 16 : i32
        %shift_left3A_686 = vector.broadcast %shift_left3A_685 : i32 to vector<16xi32>
        %shift_left3A_687 = arith.shli %gather3A_520, %shift_left3A_686 : vector<16xi32>
        %bitcast3A_688 = vector.bitcast %shift_left3A_687 : vector<16xi32> to vector<16xf32>
        %and3A_689 = vector.broadcast %scan3A_47 : i32 to vector<16xi32>
        %and3A_690 = arith.andi %gather3A_520, %and3A_689 : vector<16xi32>
        %bitcast3A_691 = vector.bitcast %and3A_690 : vector<16xi32> to vector<16xf32>
        %shift_left3A_692 = arith.constant 16 : i32
        %shift_left3A_693 = vector.broadcast %shift_left3A_692 : i32 to vector<16xi32>
        %shift_left3A_694 = arith.shli %bitcast3A_684, %shift_left3A_693 : vector<16xi32>
        %bitcast3A_695 = vector.bitcast %shift_left3A_694 : vector<16xi32> to vector<16xf32>
        %and3A_696 = vector.broadcast %scan3A_47 : i32 to vector<16xi32>
        %and3A_697 = arith.andi %bitcast3A_684, %and3A_696 : vector<16xi32>
        %bitcast3A_698 = vector.bitcast %and3A_697 : vector<16xi32> to vector<16xf32>
        %add3A_699 = arith.addf %bitcast3A_688, %bitcast3A_695 : vector<16xf32>
        %add3A_700 = arith.constant 3 : i32
        %add3A_701 = arith.addi %add3A_136, %add3A_700 : i32
        %swap3A_702 = arith.index_cast %add3A_701 : i32 to index
        %swap3A_703 = arith.constant 16 : index
        %swap3A_704 = tpu.vector_load %arg9[%swap3A_702, %swap3A_703] {strides = array<i32>} : memref<384x128xf32, #tpu.memory_space<vmem>>, vector<16xf32>,
        tpu.vector_store %arg9[%swap3A_702, %swap3A_703], %add3A_699 {strides = array<i32>} : memref<384x128xf32, #tpu.memory_space<vmem>>, vector<16xf32>,
        %add3A_705 = arith.addf %bitcast3A_691, %bitcast3A_698 : vector<16xf32>
        %add3A_706 = arith.constant 3 : i32
        %add3A_707 = arith.addi %add3A_136, %add3A_706 : i32
        %swap3A_708 = arith.index_cast %add3A_707 : i32 to index
        %swap3A_709 = arith.constant 80 : index
        %swap3A_710 = tpu.vector_load %arg9[%swap3A_708, %swap3A_709] {strides = array<i32>} : memref<384x128xf32, #tpu.memory_space<vmem>>, vector<16xf32>,
        tpu.vector_store %arg9[%swap3A_708, %swap3A_709], %add3A_705 {strides = array<i32>} : memref<384x128xf32, #tpu.memory_space<vmem>>, vector<16xf32>,
        %gather3A_711 = arith.constant 32 : i32
        %gather3A_712 = tpu.memref_slice %arg5[%gather3A_711] : memref<65536xi32, #tpu.memory_space<vmem>> -> memref<65488xi32, #tpu.memory_space<vmem>>
        %gather3A_713 = tpu.vector_load_idx %gather3A_712[%add3A_636] : memref<65488xi32, #tpu.memory_space<vmem>>[vector<16xi32>], vector<16xi32>,
        %gather3A_714 = arith.constant 96 : i32
        %gather3A_715 = tpu.memref_slice %arg5[%gather3A_714] : memref<65536xi32, #tpu.memory_space<vmem>> -> memref<65424xi32, #tpu.memory_space<vmem>>
        %gather3A_716 = tpu.vector_load_idx %gather3A_715[%add3A_636] : memref<65424xi32, #tpu.memory_space<vmem>>[vector<16xi32>], vector<16xi32>,
        %bitcast3A_717 = vector.bitcast %gather3A_560 : vector<16xi32> to vector<32xbf16>
        %bitcast3A_718 = vector.bitcast %gather3A_557 : vector<16xi32> to vector<32xbf16>
        %sub3A_719 = arith.subf %bitcast3A_717, %bitcast3A_718 : vector<32xbf16>
        %mul3A_720 = arith.mulf %sub3A_719, %pack3A_479 : vector<32xbf16>
        %bitcast3A_721 = vector.bitcast %mul3A_720 : vector<32xbf16> to vector<16xi32>
        %shift_left3A_722 = arith.constant 16 : i32
        %shift_left3A_723 = vector.broadcast %shift_left3A_722 : i32 to vector<16xi32>
        %shift_left3A_724 = arith.shli %gather3A_557, %shift_left3A_723 : vector<16xi32>
        %bitcast3A_725 = vector.bitcast %shift_left3A_724 : vector<16xi32> to vector<16xf32>
        %and3A_726 = vector.broadcast %scan3A_47 : i32 to vector<16xi32>
        %and3A_727 = arith.andi %gather3A_557, %and3A_726 : vector<16xi32>
        %bitcast3A_728 = vector.bitcast %and3A_727 : vector<16xi32> to vector<16xf32>
        %shift_left3A_729 = arith.constant 16 : i32
        %shift_left3A_730 = vector.broadcast %shift_left3A_729 : i32 to vector<16xi32>
        %shift_left3A_731 = arith.shli %bitcast3A_721, %shift_left3A_730 : vector<16xi32>
        %bitcast3A_732 = vector.bitcast %shift_left3A_731 : vector<16xi32> to vector<16xf32>
        %and3A_733 = vector.broadcast %scan3A_47 : i32 to vector<16xi32>
        %and3A_734 = arith.andi %bitcast3A_721, %and3A_733 : vector<16xi32>
        %bitcast3A_735 = vector.bitcast %and3A_734 : vector<16xi32> to vector<16xf32>
        %add3A_736 = arith.addf %bitcast3A_725, %bitcast3A_732 : vector<16xf32>
        %add3A_737 = arith.constant 3 : i32
        %add3A_738 = arith.addi %add3A_136, %add3A_737 : i32
        %swap3A_739 = arith.index_cast %add3A_738 : i32 to index
        %swap3A_740 = arith.constant 32 : index
        %swap3A_741 = tpu.vector_load %arg9[%swap3A_739, %swap3A_740] {strides = array<i32>} : memref<384x128xf32, #tpu.memory_space<vmem>>, vector<16xf32>,
        tpu.vector_store %arg9[%swap3A_739, %swap3A_740], %add3A_736 {strides = array<i32>} : memref<384x128xf32, #tpu.memory_space<vmem>>, vector<16xf32>,
        %add3A_742 = arith.addf %bitcast3A_728, %bitcast3A_735 : vector<16xf32>
        %add3A_743 = arith.constant 3 : i32
        %add3A_744 = arith.addi %add3A_136, %add3A_743 : i32
        %swap3A_745 = arith.index_cast %add3A_744 : i32 to index
        %swap3A_746 = arith.constant 96 : index
        %swap3A_747 = tpu.vector_load %arg9[%swap3A_745, %swap3A_746] {strides = array<i32>} : memref<384x128xf32, #tpu.memory_space<vmem>>, vector<16xf32>,
        tpu.vector_store %arg9[%swap3A_745, %swap3A_746], %add3A_742 {strides = array<i32>} : memref<384x128xf32, #tpu.memory_space<vmem>>, vector<16xf32>,
        %gather3A_748 = arith.constant 48 : i32
        %gather3A_749 = tpu.memref_slice %arg5[%gather3A_748] : memref<65536xi32, #tpu.memory_space<vmem>> -> memref<65488xi32, #tpu.memory_space<vmem>>
        %gather3A_750 = tpu.vector_load_idx %gather3A_749[%add3A_636] : memref<65488xi32, #tpu.memory_space<vmem>>[vector<16xi32>], vector<16xi32>,
        %gather3A_751 = arith.constant 112 : i32
        %gather3A_752 = tpu.memref_slice %arg5[%gather3A_751] : memref<65536xi32, #tpu.memory_space<vmem>> -> memref<65424xi32, #tpu.memory_space<vmem>>
        %gather3A_753 = tpu.vector_load_idx %gather3A_752[%add3A_636] : memref<65424xi32, #tpu.memory_space<vmem>>[vector<16xi32>], vector<16xi32>,
        %bitcast3A_754 = vector.bitcast %gather3A_597 : vector<16xi32> to vector<32xbf16>
        %bitcast3A_755 = vector.bitcast %gather3A_594 : vector<16xi32> to vector<32xbf16>
        %sub3A_756 = arith.subf %bitcast3A_754, %bitcast3A_755 : vector<32xbf16>
        %mul3A_757 = arith.mulf %sub3A_756, %pack3A_479 : vector<32xbf16>
        %bitcast3A_758 = vector.bitcast %mul3A_757 : vector<32xbf16> to vector<16xi32>
        %shift_left3A_759 = arith.constant 16 : i32
        %shift_left3A_760 = vector.broadcast %shift_left3A_759 : i32 to vector<16xi32>
        %shift_left3A_761 = arith.shli %gather3A_594, %shift_left3A_760 : vector<16xi32>
        %bitcast3A_762 = vector.bitcast %shift_left3A_761 : vector<16xi32> to vector<16xf32>
        %and3A_763 = vector.broadcast %scan3A_47 : i32 to vector<16xi32>
        %and3A_764 = arith.andi %gather3A_594, %and3A_763 : vector<16xi32>
        %bitcast3A_765 = vector.bitcast %and3A_764 : vector<16xi32> to vector<16xf32>
        %shift_left3A_766 = arith.constant 16 : i32
        %shift_left3A_767 = vector.broadcast %shift_left3A_766 : i32 to vector<16xi32>
        %shift_left3A_768 = arith.shli %bitcast3A_758, %shift_left3A_767 : vector<16xi32>
        %bitcast3A_769 = vector.bitcast %shift_left3A_768 : vector<16xi32> to vector<16xf32>
        %and3A_770 = vector.broadcast %scan3A_47 : i32 to vector<16xi32>
        %and3A_771 = arith.andi %bitcast3A_758, %and3A_770 : vector<16xi32>
        %bitcast3A_772 = vector.bitcast %and3A_771 : vector<16xi32> to vector<16xf32>
        %add3A_773 = arith.addf %bitcast3A_762, %bitcast3A_769 : vector<16xf32>
        %add3A_774 = arith.constant 3 : i32
        %add3A_775 = arith.addi %add3A_136, %add3A_774 : i32
        %swap3A_776 = arith.index_cast %add3A_775 : i32 to index
        %swap3A_777 = arith.constant 48 : index
        %swap3A_778 = tpu.vector_load %arg9[%swap3A_776, %swap3A_777] {strides = array<i32>} : memref<384x128xf32, #tpu.memory_space<vmem>>, vector<16xf32>,
        tpu.vector_store %arg9[%swap3A_776, %swap3A_777], %add3A_773 {strides = array<i32>} : memref<384x128xf32, #tpu.memory_space<vmem>>, vector<16xf32>,
        %add3A_779 = arith.addf %bitcast3A_765, %bitcast3A_772 : vector<16xf32>
        %add3A_780 = arith.constant 3 : i32
        %add3A_781 = arith.addi %add3A_136, %add3A_780 : i32
        %swap3A_782 = arith.index_cast %add3A_781 : i32 to index
        %swap3A_783 = arith.constant 112 : index
        %swap3A_784 = tpu.vector_load %arg9[%swap3A_782, %swap3A_783] {strides = array<i32>} : memref<384x128xf32, #tpu.memory_space<vmem>>, vector<16xf32>,
        tpu.vector_store %arg9[%swap3A_782, %swap3A_783], %add3A_779 {strides = array<i32>} : memref<384x128xf32, #tpu.memory_space<vmem>>, vector<16xf32>,
        %slice3A_785 = vector.extract_strided_slice %get3A_131 {offsets = [5], sizes = [1], strides = [1]} : vector<16xi32> to vector<1xi32>
        %squeeze3A_786 = vector.extract %slice3A_785[0] : i32 from vector<1xi32>
        %broadcast_in_dim3A_787 = vector.broadcast %squeeze3A_786 : i32 to vector<16xi32>
        %slice3A_788 = vector.extract_strided_slice %get3A_133 {offsets = [5], sizes = [1], strides = [1]} : vector<16xf32> to vector<1xf32>
        %squeeze3A_789 = vector.extract %slice3A_788[0] : f32 from vector<1xf32>
        %broadcast_in_dim3A_790 = vector.broadcast %squeeze3A_789 : f32 to vector<16xf32>
        %pack3A_791 = tpu.pack_subelements %broadcast_in_dim3A_790, %broadcast_in_dim3A_790 {pack_format = #tpu.pack_format<interleaved>, positions = array<i32: 0, 1>} : vector<16xf32>, vector<16xf32> -> vector<32xbf16>
        %add3A_792 = arith.addi %broadcast_in_dim3A_787, %iota3A : vector<16xi32>
        %gather3A_793 = arith.constant 0 : i32
        %gather3A_794 = tpu.memref_slice %arg5[%gather3A_793] : memref<65536xi32, #tpu.memory_space<vmem>> -> memref<65488xi32, #tpu.memory_space<vmem>>
        %gather3A_795 = tpu.vector_load_idx %gather3A_794[%add3A_792] : memref<65488xi32, #tpu.memory_space<vmem>>[vector<16xi32>], vector<16xi32>,
        %gather3A_796 = arith.constant 64 : i32
        %gather3A_797 = tpu.memref_slice %arg5[%gather3A_796] : memref<65536xi32, #tpu.memory_space<vmem>> -> memref<65424xi32, #tpu.memory_space<vmem>>
        %gather3A_798 = tpu.vector_load_idx %gather3A_797[%add3A_792] : memref<65424xi32, #tpu.memory_space<vmem>>[vector<16xi32>], vector<16xi32>,
        %bitcast3A_799 = vector.bitcast %gather3A_642 : vector<16xi32> to vector<32xbf16>
        %bitcast3A_800 = vector.bitcast %gather3A_639 : vector<16xi32> to vector<32xbf16>
        %sub3A_801 = arith.subf %bitcast3A_799, %bitcast3A_800 : vector<32xbf16>
        %mul3A_802 = arith.mulf %sub3A_801, %pack3A_635 : vector<32xbf16>
        %bitcast3A_803 = vector.bitcast %mul3A_802 : vector<32xbf16> to vector<16xi32>
        %shift_left3A_804 = arith.constant 16 : i32
        %shift_left3A_805 = vector.broadcast %shift_left3A_804 : i32 to vector<16xi32>
        %shift_left3A_806 = arith.shli %gather3A_639, %shift_left3A_805 : vector<16xi32>
        %bitcast3A_807 = vector.bitcast %shift_left3A_806 : vector<16xi32> to vector<16xf32>
        %and3A_808 = vector.broadcast %scan3A_47 : i32 to vector<16xi32>
        %and3A_809 = arith.andi %gather3A_639, %and3A_808 : vector<16xi32>
        %bitcast3A_810 = vector.bitcast %and3A_809 : vector<16xi32> to vector<16xf32>
        %shift_left3A_811 = arith.constant 16 : i32
        %shift_left3A_812 = vector.broadcast %shift_left3A_811 : i32 to vector<16xi32>
        %shift_left3A_813 = arith.shli %bitcast3A_803, %shift_left3A_812 : vector<16xi32>
        %bitcast3A_814 = vector.bitcast %shift_left3A_813 : vector<16xi32> to vector<16xf32>
        %and3A_815 = vector.broadcast %scan3A_47 : i32 to vector<16xi32>
        %and3A_816 = arith.andi %bitcast3A_803, %and3A_815 : vector<16xi32>
        %bitcast3A_817 = vector.bitcast %and3A_816 : vector<16xi32> to vector<16xf32>
        %add3A_818 = arith.addf %bitcast3A_807, %bitcast3A_814 : vector<16xf32>
        %add3A_819 = arith.constant 4 : i32
        %add3A_820 = arith.addi %add3A_136, %add3A_819 : i32
        %swap3A_821 = arith.index_cast %add3A_820 : i32 to index
        %swap3A_822 = arith.constant 0 : index
        %swap3A_823 = tpu.vector_load %arg9[%swap3A_821, %swap3A_822] {strides = array<i32>} : memref<384x128xf32, #tpu.memory_space<vmem>>, vector<16xf32>,
        tpu.vector_store %arg9[%swap3A_821, %swap3A_822], %add3A_818 {strides = array<i32>} : memref<384x128xf32, #tpu.memory_space<vmem>>, vector<16xf32>,
        %add3A_824 = arith.addf %bitcast3A_810, %bitcast3A_817 : vector<16xf32>
        %add3A_825 = arith.constant 4 : i32
        %add3A_826 = arith.addi %add3A_136, %add3A_825 : i32
        %swap3A_827 = arith.index_cast %add3A_826 : i32 to index
        %swap3A_828 = arith.constant 64 : index
        %swap3A_829 = tpu.vector_load %arg9[%swap3A_827, %swap3A_828] {strides = array<i32>} : memref<384x128xf32, #tpu.memory_space<vmem>>, vector<16xf32>,
        tpu.vector_store %arg9[%swap3A_827, %swap3A_828], %add3A_824 {strides = array<i32>} : memref<384x128xf32, #tpu.memory_space<vmem>>, vector<16xf32>,
        %gather3A_830 = arith.constant 16 : i32
        %gather3A_831 = tpu.memref_slice %arg5[%gather3A_830] : memref<65536xi32, #tpu.memory_space<vmem>> -> memref<65488xi32, #tpu.memory_space<vmem>>
        %gather3A_832 = tpu.vector_load_idx %gather3A_831[%add3A_792] : memref<65488xi32, #tpu.memory_space<vmem>>[vector<16xi32>], vector<16xi32>,
        %gather3A_833 = arith.constant 80 : i32
        %gather3A_834 = tpu.memref_slice %arg5[%gather3A_833] : memref<65536xi32, #tpu.memory_space<vmem>> -> memref<65424xi32, #tpu.memory_space<vmem>>
        %gather3A_835 = tpu.vector_load_idx %gather3A_834[%add3A_792] : memref<65424xi32, #tpu.memory_space<vmem>>[vector<16xi32>], vector<16xi32>,
        %bitcast3A_836 = vector.bitcast %gather3A_679 : vector<16xi32> to vector<32xbf16>
        %bitcast3A_837 = vector.bitcast %gather3A_676 : vector<16xi32> to vector<32xbf16>
        %sub3A_838 = arith.subf %bitcast3A_836, %bitcast3A_837 : vector<32xbf16>
        %mul3A_839 = arith.mulf %sub3A_838, %pack3A_635 : vector<32xbf16>
        %bitcast3A_840 = vector.bitcast %mul3A_839 : vector<32xbf16> to vector<16xi32>
        %shift_left3A_841 = arith.constant 16 : i32
        %shift_left3A_842 = vector.broadcast %shift_left3A_841 : i32 to vector<16xi32>
        %shift_left3A_843 = arith.shli %gather3A_676, %shift_left3A_842 : vector<16xi32>
        %bitcast3A_844 = vector.bitcast %shift_left3A_843 : vector<16xi32> to vector<16xf32>
        %and3A_845 = vector.broadcast %scan3A_47 : i32 to vector<16xi32>
        %and3A_846 = arith.andi %gather3A_676, %and3A_845 : vector<16xi32>
        %bitcast3A_847 = vector.bitcast %and3A_846 : vector<16xi32> to vector<16xf32>
        %shift_left3A_848 = arith.constant 16 : i32
        %shift_left3A_849 = vector.broadcast %shift_left3A_848 : i32 to vector<16xi32>
        %shift_left3A_850 = arith.shli %bitcast3A_840, %shift_left3A_849 : vector<16xi32>
        %bitcast3A_851 = vector.bitcast %shift_left3A_850 : vector<16xi32> to vector<16xf32>
        %and3A_852 = vector.broadcast %scan3A_47 : i32 to vector<16xi32>
        %and3A_853 = arith.andi %bitcast3A_840, %and3A_852 : vector<16xi32>
        %bitcast3A_854 = vector.bitcast %and3A_853 : vector<16xi32> to vector<16xf32>
        %add3A_855 = arith.addf %bitcast3A_844, %bitcast3A_851 : vector<16xf32>
        %add3A_856 = arith.constant 4 : i32
        %add3A_857 = arith.addi %add3A_136, %add3A_856 : i32
        %swap3A_858 = arith.index_cast %add3A_857 : i32 to index
        %swap3A_859 = arith.constant 16 : index
        %swap3A_860 = tpu.vector_load %arg9[%swap3A_858, %swap3A_859] {strides = array<i32>} : memref<384x128xf32, #tpu.memory_space<vmem>>, vector<16xf32>,
        tpu.vector_store %arg9[%swap3A_858, %swap3A_859], %add3A_855 {strides = array<i32>} : memref<384x128xf32, #tpu.memory_space<vmem>>, vector<16xf32>,
        %add3A_861 = arith.addf %bitcast3A_847, %bitcast3A_854 : vector<16xf32>
        %add3A_862 = arith.constant 4 : i32
        %add3A_863 = arith.addi %add3A_136, %add3A_862 : i32
        %swap3A_864 = arith.index_cast %add3A_863 : i32 to index
        %swap3A_865 = arith.constant 80 : index
        %swap3A_866 = tpu.vector_load %arg9[%swap3A_864, %swap3A_865] {strides = array<i32>} : memref<384x128xf32, #tpu.memory_space<vmem>>, vector<16xf32>,
        tpu.vector_store %arg9[%swap3A_864, %swap3A_865], %add3A_861 {strides = array<i32>} : memref<384x128xf32, #tpu.memory_space<vmem>>, vector<16xf32>,
        %gather3A_867 = arith.constant 32 : i32
        %gather3A_868 = tpu.memref_slice %arg5[%gather3A_867] : memref<65536xi32, #tpu.memory_space<vmem>> -> memref<65488xi32, #tpu.memory_space<vmem>>
        %gather3A_869 = tpu.vector_load_idx %gather3A_868[%add3A_792] : memref<65488xi32, #tpu.memory_space<vmem>>[vector<16xi32>], vector<16xi32>,
        %gather3A_870 = arith.constant 96 : i32
        %gather3A_871 = tpu.memref_slice %arg5[%gather3A_870] : memref<65536xi32, #tpu.memory_space<vmem>> -> memref<65424xi32, #tpu.memory_space<vmem>>
        %gather3A_872 = tpu.vector_load_idx %gather3A_871[%add3A_792] : memref<65424xi32, #tpu.memory_space<vmem>>[vector<16xi32>], vector<16xi32>,
        %bitcast3A_873 = vector.bitcast %gather3A_716 : vector<16xi32> to vector<32xbf16>
        %bitcast3A_874 = vector.bitcast %gather3A_713 : vector<16xi32> to vector<32xbf16>
        %sub3A_875 = arith.subf %bitcast3A_873, %bitcast3A_874 : vector<32xbf16>
        %mul3A_876 = arith.mulf %sub3A_875, %pack3A_635 : vector<32xbf16>
        %bitcast3A_877 = vector.bitcast %mul3A_876 : vector<32xbf16> to vector<16xi32>
        %shift_left3A_878 = arith.constant 16 : i32
        %shift_left3A_879 = vector.broadcast %shift_left3A_878 : i32 to vector<16xi32>
        %shift_left3A_880 = arith.shli %gather3A_713, %shift_left3A_879 : vector<16xi32>
        %bitcast3A_881 = vector.bitcast %shift_left3A_880 : vector<16xi32> to vector<16xf32>
        %and3A_882 = vector.broadcast %scan3A_47 : i32 to vector<16xi32>
        %and3A_883 = arith.andi %gather3A_713, %and3A_882 : vector<16xi32>
        %bitcast3A_884 = vector.bitcast %and3A_883 : vector<16xi32> to vector<16xf32>
        %shift_left3A_885 = arith.constant 16 : i32
        %shift_left3A_886 = vector.broadcast %shift_left3A_885 : i32 to vector<16xi32>
        %shift_left3A_887 = arith.shli %bitcast3A_877, %shift_left3A_886 : vector<16xi32>
        %bitcast3A_888 = vector.bitcast %shift_left3A_887 : vector<16xi32> to vector<16xf32>
        %and3A_889 = vector.broadcast %scan3A_47 : i32 to vector<16xi32>
        %and3A_890 = arith.andi %bitcast3A_877, %and3A_889 : vector<16xi32>
        %bitcast3A_891 = vector.bitcast %and3A_890 : vector<16xi32> to vector<16xf32>
        %add3A_892 = arith.addf %bitcast3A_881, %bitcast3A_888 : vector<16xf32>
        %add3A_893 = arith.constant 4 : i32
        %add3A_894 = arith.addi %add3A_136, %add3A_893 : i32
        %swap3A_895 = arith.index_cast %add3A_894 : i32 to index
        %swap3A_896 = arith.constant 32 : index
        %swap3A_897 = tpu.vector_load %arg9[%swap3A_895, %swap3A_896] {strides = array<i32>} : memref<384x128xf32, #tpu.memory_space<vmem>>, vector<16xf32>,
        tpu.vector_store %arg9[%swap3A_895, %swap3A_896], %add3A_892 {strides = array<i32>} : memref<384x128xf32, #tpu.memory_space<vmem>>, vector<16xf32>,
        %add3A_898 = arith.addf %bitcast3A_884, %bitcast3A_891 : vector<16xf32>
        %add3A_899 = arith.constant 4 : i32
        %add3A_900 = arith.addi %add3A_136, %add3A_899 : i32
        %swap3A_901 = arith.index_cast %add3A_900 : i32 to index
        %swap3A_902 = arith.constant 96 : index
        %swap3A_903 = tpu.vector_load %arg9[%swap3A_901, %swap3A_902] {strides = array<i32>} : memref<384x128xf32, #tpu.memory_space<vmem>>, vector<16xf32>,
        tpu.vector_store %arg9[%swap3A_901, %swap3A_902], %add3A_898 {strides = array<i32>} : memref<384x128xf32, #tpu.memory_space<vmem>>, vector<16xf32>,
        %gather3A_904 = arith.constant 48 : i32
        %gather3A_905 = tpu.memref_slice %arg5[%gather3A_904] : memref<65536xi32, #tpu.memory_space<vmem>> -> memref<65488xi32, #tpu.memory_space<vmem>>
        %gather3A_906 = tpu.vector_load_idx %gather3A_905[%add3A_792] : memref<65488xi32, #tpu.memory_space<vmem>>[vector<16xi32>], vector<16xi32>,
        %gather3A_907 = arith.constant 112 : i32
        %gather3A_908 = tpu.memref_slice %arg5[%gather3A_907] : memref<65536xi32, #tpu.memory_space<vmem>> -> memref<65424xi32, #tpu.memory_space<vmem>>
        %gather3A_909 = tpu.vector_load_idx %gather3A_908[%add3A_792] : memref<65424xi32, #tpu.memory_space<vmem>>[vector<16xi32>], vector<16xi32>,
        %bitcast3A_910 = vector.bitcast %gather3A_753 : vector<16xi32> to vector<32xbf16>
        %bitcast3A_911 = vector.bitcast %gather3A_750 : vector<16xi32> to vector<32xbf16>
        %sub3A_912 = arith.subf %bitcast3A_910, %bitcast3A_911 : vector<32xbf16>
        %mul3A_913 = arith.mulf %sub3A_912, %pack3A_635 : vector<32xbf16>
        %bitcast3A_914 = vector.bitcast %mul3A_913 : vector<32xbf16> to vector<16xi32>
        %shift_left3A_915 = arith.constant 16 : i32
        %shift_left3A_916 = vector.broadcast %shift_left3A_915 : i32 to vector<16xi32>
        %shift_left3A_917 = arith.shli %gather3A_750, %shift_left3A_916 : vector<16xi32>
        %bitcast3A_918 = vector.bitcast %shift_left3A_917 : vector<16xi32> to vector<16xf32>
        %and3A_919 = vector.broadcast %scan3A_47 : i32 to vector<16xi32>
        %and3A_920 = arith.andi %gather3A_750, %and3A_919 : vector<16xi32>
        %bitcast3A_921 = vector.bitcast %and3A_920 : vector<16xi32> to vector<16xf32>
        %shift_left3A_922 = arith.constant 16 : i32
        %shift_left3A_923 = vector.broadcast %shift_left3A_922 : i32 to vector<16xi32>
        %shift_left3A_924 = arith.shli %bitcast3A_914, %shift_left3A_923 : vector<16xi32>
        %bitcast3A_925 = vector.bitcast %shift_left3A_924 : vector<16xi32> to vector<16xf32>
        %and3A_926 = vector.broadcast %scan3A_47 : i32 to vector<16xi32>
        %and3A_927 = arith.andi %bitcast3A_914, %and3A_926 : vector<16xi32>
        %bitcast3A_928 = vector.bitcast %and3A_927 : vector<16xi32> to vector<16xf32>
        %add3A_929 = arith.addf %bitcast3A_918, %bitcast3A_925 : vector<16xf32>
        %add3A_930 = arith.constant 4 : i32
        %add3A_931 = arith.addi %add3A_136, %add3A_930 : i32
        %swap3A_932 = arith.index_cast %add3A_931 : i32 to index
        %swap3A_933 = arith.constant 48 : index
        %swap3A_934 = tpu.vector_load %arg9[%swap3A_932, %swap3A_933] {strides = array<i32>} : memref<384x128xf32, #tpu.memory_space<vmem>>, vector<16xf32>,
        tpu.vector_store %arg9[%swap3A_932, %swap3A_933], %add3A_929 {strides = array<i32>} : memref<384x128xf32, #tpu.memory_space<vmem>>, vector<16xf32>,
        %add3A_935 = arith.addf %bitcast3A_921, %bitcast3A_928 : vector<16xf32>
        %add3A_936 = arith.constant 4 : i32
        %add3A_937 = arith.addi %add3A_136, %add3A_936 : i32
        %swap3A_938 = arith.index_cast %add3A_937 : i32 to index
        %swap3A_939 = arith.constant 112 : index
        %swap3A_940 = tpu.vector_load %arg9[%swap3A_938, %swap3A_939] {strides = array<i32>} : memref<384x128xf32, #tpu.memory_space<vmem>>, vector<16xf32>,
        tpu.vector_store %arg9[%swap3A_938, %swap3A_939], %add3A_935 {strides = array<i32>} : memref<384x128xf32, #tpu.memory_space<vmem>>, vector<16xf32>,
        %slice3A_941 = vector.extract_strided_slice %get3A_131 {offsets = [6], sizes = [1], strides = [1]} : vector<16xi32> to vector<1xi32>
        %squeeze3A_942 = vector.extract %slice3A_941[0] : i32 from vector<1xi32>
        %broadcast_in_dim3A_943 = vector.broadcast %squeeze3A_942 : i32 to vector<16xi32>
        %slice3A_944 = vector.extract_strided_slice %get3A_133 {offsets = [6], sizes = [1], strides = [1]} : vector<16xf32> to vector<1xf32>
        %squeeze3A_945 = vector.extract %slice3A_944[0] : f32 from vector<1xf32>
        %broadcast_in_dim3A_946 = vector.broadcast %squeeze3A_945 : f32 to vector<16xf32>
        %pack3A_947 = tpu.pack_subelements %broadcast_in_dim3A_946, %broadcast_in_dim3A_946 {pack_format = #tpu.pack_format<interleaved>, positions = array<i32: 0, 1>} : vector<16xf32>, vector<16xf32> -> vector<32xbf16>
        %add3A_948 = arith.addi %broadcast_in_dim3A_943, %iota3A : vector<16xi32>
        %gather3A_949 = arith.constant 0 : i32
        %gather3A_950 = tpu.memref_slice %arg5[%gather3A_949] : memref<65536xi32, #tpu.memory_space<vmem>> -> memref<65488xi32, #tpu.memory_space<vmem>>
        %gather3A_951 = tpu.vector_load_idx %gather3A_950[%add3A_948] : memref<65488xi32, #tpu.memory_space<vmem>>[vector<16xi32>], vector<16xi32>,
        %gather3A_952 = arith.constant 64 : i32
        %gather3A_953 = tpu.memref_slice %arg5[%gather3A_952] : memref<65536xi32, #tpu.memory_space<vmem>> -> memref<65424xi32, #tpu.memory_space<vmem>>
        %gather3A_954 = tpu.vector_load_idx %gather3A_953[%add3A_948] : memref<65424xi32, #tpu.memory_space<vmem>>[vector<16xi32>], vector<16xi32>,
        %bitcast3A_955 = vector.bitcast %gather3A_798 : vector<16xi32> to vector<32xbf16>
        %bitcast3A_956 = vector.bitcast %gather3A_795 : vector<16xi32> to vector<32xbf16>
        %sub3A_957 = arith.subf %bitcast3A_955, %bitcast3A_956 : vector<32xbf16>
        %mul3A_958 = arith.mulf %sub3A_957, %pack3A_791 : vector<32xbf16>
        %bitcast3A_959 = vector.bitcast %mul3A_958 : vector<32xbf16> to vector<16xi32>
        %shift_left3A_960 = arith.constant 16 : i32
        %shift_left3A_961 = vector.broadcast %shift_left3A_960 : i32 to vector<16xi32>
        %shift_left3A_962 = arith.shli %gather3A_795, %shift_left3A_961 : vector<16xi32>
        %bitcast3A_963 = vector.bitcast %shift_left3A_962 : vector<16xi32> to vector<16xf32>
        %and3A_964 = vector.broadcast %scan3A_47 : i32 to vector<16xi32>
        %and3A_965 = arith.andi %gather3A_795, %and3A_964 : vector<16xi32>
        %bitcast3A_966 = vector.bitcast %and3A_965 : vector<16xi32> to vector<16xf32>
        %shift_left3A_967 = arith.constant 16 : i32
        %shift_left3A_968 = vector.broadcast %shift_left3A_967 : i32 to vector<16xi32>
        %shift_left3A_969 = arith.shli %bitcast3A_959, %shift_left3A_968 : vector<16xi32>
        %bitcast3A_970 = vector.bitcast %shift_left3A_969 : vector<16xi32> to vector<16xf32>
        %and3A_971 = vector.broadcast %scan3A_47 : i32 to vector<16xi32>
        %and3A_972 = arith.andi %bitcast3A_959, %and3A_971 : vector<16xi32>
        %bitcast3A_973 = vector.bitcast %and3A_972 : vector<16xi32> to vector<16xf32>
        %add3A_974 = arith.addf %bitcast3A_963, %bitcast3A_970 : vector<16xf32>
        %add3A_975 = arith.constant 5 : i32
        %add3A_976 = arith.addi %add3A_136, %add3A_975 : i32
        %swap3A_977 = arith.index_cast %add3A_976 : i32 to index
        %swap3A_978 = arith.constant 0 : index
        %swap3A_979 = tpu.vector_load %arg9[%swap3A_977, %swap3A_978] {strides = array<i32>} : memref<384x128xf32, #tpu.memory_space<vmem>>, vector<16xf32>,
        tpu.vector_store %arg9[%swap3A_977, %swap3A_978], %add3A_974 {strides = array<i32>} : memref<384x128xf32, #tpu.memory_space<vmem>>, vector<16xf32>,
        %add3A_980 = arith.addf %bitcast3A_966, %bitcast3A_973 : vector<16xf32>
        %add3A_981 = arith.constant 5 : i32
        %add3A_982 = arith.addi %add3A_136, %add3A_981 : i32
        %swap3A_983 = arith.index_cast %add3A_982 : i32 to index
        %swap3A_984 = arith.constant 64 : index
        %swap3A_985 = tpu.vector_load %arg9[%swap3A_983, %swap3A_984] {strides = array<i32>} : memref<384x128xf32, #tpu.memory_space<vmem>>, vector<16xf32>,
        tpu.vector_store %arg9[%swap3A_983, %swap3A_984], %add3A_980 {strides = array<i32>} : memref<384x128xf32, #tpu.memory_space<vmem>>, vector<16xf32>,
        %gather3A_986 = arith.constant 16 : i32
        %gather3A_987 = tpu.memref_slice %arg5[%gather3A_986] : memref<65536xi32, #tpu.memory_space<vmem>> -> memref<65488xi32, #tpu.memory_space<vmem>>
        %gather3A_988 = tpu.vector_load_idx %gather3A_987[%add3A_948] : memref<65488xi32, #tpu.memory_space<vmem>>[vector<16xi32>], vector<16xi32>,
        %gather3A_989 = arith.constant 80 : i32
        %gather3A_990 = tpu.memref_slice %arg5[%gather3A_989] : memref<65536xi32, #tpu.memory_space<vmem>> -> memref<65424xi32, #tpu.memory_space<vmem>>
        %gather3A_991 = tpu.vector_load_idx %gather3A_990[%add3A_948] : memref<65424xi32, #tpu.memory_space<vmem>>[vector<16xi32>], vector<16xi32>,
        %bitcast3A_992 = vector.bitcast %gather3A_835 : vector<16xi32> to vector<32xbf16>
        %bitcast3A_993 = vector.bitcast %gather3A_832 : vector<16xi32> to vector<32xbf16>
        %sub3A_994 = arith.subf %bitcast3A_992, %bitcast3A_993 : vector<32xbf16>
        %mul3A_995 = arith.mulf %sub3A_994, %pack3A_791 : vector<32xbf16>
        %bitcast3A_996 = vector.bitcast %mul3A_995 : vector<32xbf16> to vector<16xi32>
        %shift_left3A_997 = arith.constant 16 : i32
        %shift_left3A_998 = vector.broadcast %shift_left3A_997 : i32 to vector<16xi32>
        %shift_left3A_999 = arith.shli %gather3A_832, %shift_left3A_998 : vector<16xi32>
        %bitcast3A_1000 = vector.bitcast %shift_left3A_999 : vector<16xi32> to vector<16xf32>
        %and3A_1001 = vector.broadcast %scan3A_47 : i32 to vector<16xi32>
        %and3A_1002 = arith.andi %gather3A_832, %and3A_1001 : vector<16xi32>
        %bitcast3A_1003 = vector.bitcast %and3A_1002 : vector<16xi32> to vector<16xf32>
        %shift_left3A_1004 = arith.constant 16 : i32
        %shift_left3A_1005 = vector.broadcast %shift_left3A_1004 : i32 to vector<16xi32>
        %shift_left3A_1006 = arith.shli %bitcast3A_996, %shift_left3A_1005 : vector<16xi32>
        %bitcast3A_1007 = vector.bitcast %shift_left3A_1006 : vector<16xi32> to vector<16xf32>
        %and3A_1008 = vector.broadcast %scan3A_47 : i32 to vector<16xi32>
        %and3A_1009 = arith.andi %bitcast3A_996, %and3A_1008 : vector<16xi32>
        %bitcast3A_1010 = vector.bitcast %and3A_1009 : vector<16xi32> to vector<16xf32>
        %add3A_1011 = arith.addf %bitcast3A_1000, %bitcast3A_1007 : vector<16xf32>
        %add3A_1012 = arith.constant 5 : i32
        %add3A_1013 = arith.addi %add3A_136, %add3A_1012 : i32
        %swap3A_1014 = arith.index_cast %add3A_1013 : i32 to index
        %swap3A_1015 = arith.constant 16 : index
        %swap3A_1016 = tpu.vector_load %arg9[%swap3A_1014, %swap3A_1015] {strides = array<i32>} : memref<384x128xf32, #tpu.memory_space<vmem>>, vector<16xf32>,
        tpu.vector_store %arg9[%swap3A_1014, %swap3A_1015], %add3A_1011 {strides = array<i32>} : memref<384x128xf32, #tpu.memory_space<vmem>>, vector<16xf32>,
        %add3A_1017 = arith.addf %bitcast3A_1003, %bitcast3A_1010 : vector<16xf32>
        %add3A_1018 = arith.constant 5 : i32
        %add3A_1019 = arith.addi %add3A_136, %add3A_1018 : i32
        %swap3A_1020 = arith.index_cast %add3A_1019 : i32 to index
        %swap3A_1021 = arith.constant 80 : index
        %swap3A_1022 = tpu.vector_load %arg9[%swap3A_1020, %swap3A_1021] {strides = array<i32>} : memref<384x128xf32, #tpu.memory_space<vmem>>, vector<16xf32>,
        tpu.vector_store %arg9[%swap3A_1020, %swap3A_1021], %add3A_1017 {strides = array<i32>} : memref<384x128xf32, #tpu.memory_space<vmem>>, vector<16xf32>,
        %gather3A_1023 = arith.constant 32 : i32
        %gather3A_1024 = tpu.memref_slice %arg5[%gather3A_1023] : memref<65536xi32, #tpu.memory_space<vmem>> -> memref<65488xi32, #tpu.memory_space<vmem>>
        %gather3A_1025 = tpu.vector_load_idx %gather3A_1024[%add3A_948] : memref<65488xi32, #tpu.memory_space<vmem>>[vector<16xi32>], vector<16xi32>,
        %gather3A_1026 = arith.constant 96 : i32
        %gather3A_1027 = tpu.memref_slice %arg5[%gather3A_1026] : memref<65536xi32, #tpu.memory_space<vmem>> -> memref<65424xi32, #tpu.memory_space<vmem>>
        %gather3A_1028 = tpu.vector_load_idx %gather3A_1027[%add3A_948] : memref<65424xi32, #tpu.memory_space<vmem>>[vector<16xi32>], vector<16xi32>,
        %bitcast3A_1029 = vector.bitcast %gather3A_872 : vector<16xi32> to vector<32xbf16>
        %bitcast3A_1030 = vector.bitcast %gather3A_869 : vector<16xi32> to vector<32xbf16>
        %sub3A_1031 = arith.subf %bitcast3A_1029, %bitcast3A_1030 : vector<32xbf16>
        %mul3A_1032 = arith.mulf %sub3A_1031, %pack3A_791 : vector<32xbf16>
        %bitcast3A_1033 = vector.bitcast %mul3A_1032 : vector<32xbf16> to vector<16xi32>
        %shift_left3A_1034 = arith.constant 16 : i32
        %shift_left3A_1035 = vector.broadcast %shift_left3A_1034 : i32 to vector<16xi32>
        %shift_left3A_1036 = arith.shli %gather3A_869, %shift_left3A_1035 : vector<16xi32>
        %bitcast3A_1037 = vector.bitcast %shift_left3A_1036 : vector<16xi32> to vector<16xf32>
        %and3A_1038 = vector.broadcast %scan3A_47 : i32 to vector<16xi32>
        %and3A_1039 = arith.andi %gather3A_869, %and3A_1038 : vector<16xi32>
        %bitcast3A_1040 = vector.bitcast %and3A_1039 : vector<16xi32> to vector<16xf32>
        %shift_left3A_1041 = arith.constant 16 : i32
        %shift_left3A_1042 = vector.broadcast %shift_left3A_1041 : i32 to vector<16xi32>
        %shift_left3A_1043 = arith.shli %bitcast3A_1033, %shift_left3A_1042 : vector<16xi32>
        %bitcast3A_1044 = vector.bitcast %shift_left3A_1043 : vector<16xi32> to vector<16xf32>
        %and3A_1045 = vector.broadcast %scan3A_47 : i32 to vector<16xi32>
        %and3A_1046 = arith.andi %bitcast3A_1033, %and3A_1045 : vector<16xi32>
        %bitcast3A_1047 = vector.bitcast %and3A_1046 : vector<16xi32> to vector<16xf32>
        %add3A_1048 = arith.addf %bitcast3A_1037, %bitcast3A_1044 : vector<16xf32>
        %add3A_1049 = arith.constant 5 : i32
        %add3A_1050 = arith.addi %add3A_136, %add3A_1049 : i32
        %swap3A_1051 = arith.index_cast %add3A_1050 : i32 to index
        %swap3A_1052 = arith.constant 32 : index
        %swap3A_1053 = tpu.vector_load %arg9[%swap3A_1051, %swap3A_1052] {strides = array<i32>} : memref<384x128xf32, #tpu.memory_space<vmem>>, vector<16xf32>,
        tpu.vector_store %arg9[%swap3A_1051, %swap3A_1052], %add3A_1048 {strides = array<i32>} : memref<384x128xf32, #tpu.memory_space<vmem>>, vector<16xf32>,
        %add3A_1054 = arith.addf %bitcast3A_1040, %bitcast3A_1047 : vector<16xf32>
        %add3A_1055 = arith.constant 5 : i32
        %add3A_1056 = arith.addi %add3A_136, %add3A_1055 : i32
        %swap3A_1057 = arith.index_cast %add3A_1056 : i32 to index
        %swap3A_1058 = arith.constant 96 : index
        %swap3A_1059 = tpu.vector_load %arg9[%swap3A_1057, %swap3A_1058] {strides = array<i32>} : memref<384x128xf32, #tpu.memory_space<vmem>>, vector<16xf32>,
        tpu.vector_store %arg9[%swap3A_1057, %swap3A_1058], %add3A_1054 {strides = array<i32>} : memref<384x128xf32, #tpu.memory_space<vmem>>, vector<16xf32>,
        %gather3A_1060 = arith.constant 48 : i32
        %gather3A_1061 = tpu.memref_slice %arg5[%gather3A_1060] : memref<65536xi32, #tpu.memory_space<vmem>> -> memref<65488xi32, #tpu.memory_space<vmem>>
        %gather3A_1062 = tpu.vector_load_idx %gather3A_1061[%add3A_948] : memref<65488xi32, #tpu.memory_space<vmem>>[vector<16xi32>], vector<16xi32>,
        %gather3A_1063 = arith.constant 112 : i32
        %gather3A_1064 = tpu.memref_slice %arg5[%gather3A_1063] : memref<65536xi32, #tpu.memory_space<vmem>> -> memref<65424xi32, #tpu.memory_space<vmem>>
        %gather3A_1065 = tpu.vector_load_idx %gather3A_1064[%add3A_948] : memref<65424xi32, #tpu.memory_space<vmem>>[vector<16xi32>], vector<16xi32>,
        %bitcast3A_1066 = vector.bitcast %gather3A_909 : vector<16xi32> to vector<32xbf16>
        %bitcast3A_1067 = vector.bitcast %gather3A_906 : vector<16xi32> to vector<32xbf16>
        %sub3A_1068 = arith.subf %bitcast3A_1066, %bitcast3A_1067 : vector<32xbf16>
        %mul3A_1069 = arith.mulf %sub3A_1068, %pack3A_791 : vector<32xbf16>
        %bitcast3A_1070 = vector.bitcast %mul3A_1069 : vector<32xbf16> to vector<16xi32>
        %shift_left3A_1071 = arith.constant 16 : i32
        %shift_left3A_1072 = vector.broadcast %shift_left3A_1071 : i32 to vector<16xi32>
        %shift_left3A_1073 = arith.shli %gather3A_906, %shift_left3A_1072 : vector<16xi32>
        %bitcast3A_1074 = vector.bitcast %shift_left3A_1073 : vector<16xi32> to vector<16xf32>
        %and3A_1075 = vector.broadcast %scan3A_47 : i32 to vector<16xi32>
        %and3A_1076 = arith.andi %gather3A_906, %and3A_1075 : vector<16xi32>
        %bitcast3A_1077 = vector.bitcast %and3A_1076 : vector<16xi32> to vector<16xf32>
        %shift_left3A_1078 = arith.constant 16 : i32
        %shift_left3A_1079 = vector.broadcast %shift_left3A_1078 : i32 to vector<16xi32>
        %shift_left3A_1080 = arith.shli %bitcast3A_1070, %shift_left3A_1079 : vector<16xi32>
        %bitcast3A_1081 = vector.bitcast %shift_left3A_1080 : vector<16xi32> to vector<16xf32>
        %and3A_1082 = vector.broadcast %scan3A_47 : i32 to vector<16xi32>
        %and3A_1083 = arith.andi %bitcast3A_1070, %and3A_1082 : vector<16xi32>
        %bitcast3A_1084 = vector.bitcast %and3A_1083 : vector<16xi32> to vector<16xf32>
        %add3A_1085 = arith.addf %bitcast3A_1074, %bitcast3A_1081 : vector<16xf32>
        %add3A_1086 = arith.constant 5 : i32
        %add3A_1087 = arith.addi %add3A_136, %add3A_1086 : i32
        %swap3A_1088 = arith.index_cast %add3A_1087 : i32 to index
        %swap3A_1089 = arith.constant 48 : index
        %swap3A_1090 = tpu.vector_load %arg9[%swap3A_1088, %swap3A_1089] {strides = array<i32>} : memref<384x128xf32, #tpu.memory_space<vmem>>, vector<16xf32>,
        tpu.vector_store %arg9[%swap3A_1088, %swap3A_1089], %add3A_1085 {strides = array<i32>} : memref<384x128xf32, #tpu.memory_space<vmem>>, vector<16xf32>,
        %add3A_1091 = arith.addf %bitcast3A_1077, %bitcast3A_1084 : vector<16xf32>
        %add3A_1092 = arith.constant 5 : i32
        %add3A_1093 = arith.addi %add3A_136, %add3A_1092 : i32
        %swap3A_1094 = arith.index_cast %add3A_1093 : i32 to index
        %swap3A_1095 = arith.constant 112 : index
        %swap3A_1096 = tpu.vector_load %arg9[%swap3A_1094, %swap3A_1095] {strides = array<i32>} : memref<384x128xf32, #tpu.memory_space<vmem>>, vector<16xf32>,
        tpu.vector_store %arg9[%swap3A_1094, %swap3A_1095], %add3A_1091 {strides = array<i32>} : memref<384x128xf32, #tpu.memory_space<vmem>>, vector<16xf32>,
        %slice3A_1097 = vector.extract_strided_slice %get3A_131 {offsets = [7], sizes = [1], strides = [1]} : vector<16xi32> to vector<1xi32>
        %squeeze3A_1098 = vector.extract %slice3A_1097[0] : i32 from vector<1xi32>
        %broadcast_in_dim3A_1099 = vector.broadcast %squeeze3A_1098 : i32 to vector<16xi32>
        %slice3A_1100 = vector.extract_strided_slice %get3A_133 {offsets = [7], sizes = [1], strides = [1]} : vector<16xf32> to vector<1xf32>
        %squeeze3A_1101 = vector.extract %slice3A_1100[0] : f32 from vector<1xf32>
        %broadcast_in_dim3A_1102 = vector.broadcast %squeeze3A_1101 : f32 to vector<16xf32>
        %pack3A_1103 = tpu.pack_subelements %broadcast_in_dim3A_1102, %broadcast_in_dim3A_1102 {pack_format = #tpu.pack_format<interleaved>, positions = array<i32: 0, 1>} : vector<16xf32>, vector<16xf32> -> vector<32xbf16>
        %add3A_1104 = arith.addi %broadcast_in_dim3A_1099, %iota3A : vector<16xi32>
        %gather3A_1105 = arith.constant 0 : i32
        %gather3A_1106 = tpu.memref_slice %arg5[%gather3A_1105] : memref<65536xi32, #tpu.memory_space<vmem>> -> memref<65488xi32, #tpu.memory_space<vmem>>
        %gather3A_1107 = tpu.vector_load_idx %gather3A_1106[%add3A_1104] : memref<65488xi32, #tpu.memory_space<vmem>>[vector<16xi32>], vector<16xi32>,
        %gather3A_1108 = arith.constant 64 : i32
        %gather3A_1109 = tpu.memref_slice %arg5[%gather3A_1108] : memref<65536xi32, #tpu.memory_space<vmem>> -> memref<65424xi32, #tpu.memory_space<vmem>>
        %gather3A_1110 = tpu.vector_load_idx %gather3A_1109[%add3A_1104] : memref<65424xi32, #tpu.memory_space<vmem>>[vector<16xi32>], vector<16xi32>,
        %bitcast3A_1111 = vector.bitcast %gather3A_954 : vector<16xi32> to vector<32xbf16>
        %bitcast3A_1112 = vector.bitcast %gather3A_951 : vector<16xi32> to vector<32xbf16>
        %sub3A_1113 = arith.subf %bitcast3A_1111, %bitcast3A_1112 : vector<32xbf16>
        %mul3A_1114 = arith.mulf %sub3A_1113, %pack3A_947 : vector<32xbf16>
        %bitcast3A_1115 = vector.bitcast %mul3A_1114 : vector<32xbf16> to vector<16xi32>
        %shift_left3A_1116 = arith.constant 16 : i32
        %shift_left3A_1117 = vector.broadcast %shift_left3A_1116 : i32 to vector<16xi32>
        %shift_left3A_1118 = arith.shli %gather3A_951, %shift_left3A_1117 : vector<16xi32>
        %bitcast3A_1119 = vector.bitcast %shift_left3A_1118 : vector<16xi32> to vector<16xf32>
        %and3A_1120 = vector.broadcast %scan3A_47 : i32 to vector<16xi32>
        %and3A_1121 = arith.andi %gather3A_951, %and3A_1120 : vector<16xi32>
        %bitcast3A_1122 = vector.bitcast %and3A_1121 : vector<16xi32> to vector<16xf32>
        %shift_left3A_1123 = arith.constant 16 : i32
        %shift_left3A_1124 = vector.broadcast %shift_left3A_1123 : i32 to vector<16xi32>
        %shift_left3A_1125 = arith.shli %bitcast3A_1115, %shift_left3A_1124 : vector<16xi32>
        %bitcast3A_1126 = vector.bitcast %shift_left3A_1125 : vector<16xi32> to vector<16xf32>
        %and3A_1127 = vector.broadcast %scan3A_47 : i32 to vector<16xi32>
        %and3A_1128 = arith.andi %bitcast3A_1115, %and3A_1127 : vector<16xi32>
        %bitcast3A_1129 = vector.bitcast %and3A_1128 : vector<16xi32> to vector<16xf32>
        %add3A_1130 = arith.addf %bitcast3A_1119, %bitcast3A_1126 : vector<16xf32>
        %add3A_1131 = arith.constant 6 : i32
        %add3A_1132 = arith.addi %add3A_136, %add3A_1131 : i32
        %swap3A_1133 = arith.index_cast %add3A_1132 : i32 to index
        %swap3A_1134 = arith.constant 0 : index
        %swap3A_1135 = tpu.vector_load %arg9[%swap3A_1133, %swap3A_1134] {strides = array<i32>} : memref<384x128xf32, #tpu.memory_space<vmem>>, vector<16xf32>,
        tpu.vector_store %arg9[%swap3A_1133, %swap3A_1134], %add3A_1130 {strides = array<i32>} : memref<384x128xf32, #tpu.memory_space<vmem>>, vector<16xf32>,
        %add3A_1136 = arith.addf %bitcast3A_1122, %bitcast3A_1129 : vector<16xf32>
        %add3A_1137 = arith.constant 6 : i32
        %add3A_1138 = arith.addi %add3A_136, %add3A_1137 : i32
        %swap3A_1139 = arith.index_cast %add3A_1138 : i32 to index
        %swap3A_1140 = arith.constant 64 : index
        %swap3A_1141 = tpu.vector_load %arg9[%swap3A_1139, %swap3A_1140] {strides = array<i32>} : memref<384x128xf32, #tpu.memory_space<vmem>>, vector<16xf32>,
        tpu.vector_store %arg9[%swap3A_1139, %swap3A_1140], %add3A_1136 {strides = array<i32>} : memref<384x128xf32, #tpu.memory_space<vmem>>, vector<16xf32>,
        %gather3A_1142 = arith.constant 16 : i32
        %gather3A_1143 = tpu.memref_slice %arg5[%gather3A_1142] : memref<65536xi32, #tpu.memory_space<vmem>> -> memref<65488xi32, #tpu.memory_space<vmem>>
        %gather3A_1144 = tpu.vector_load_idx %gather3A_1143[%add3A_1104] : memref<65488xi32, #tpu.memory_space<vmem>>[vector<16xi32>], vector<16xi32>,
        %gather3A_1145 = arith.constant 80 : i32
        %gather3A_1146 = tpu.memref_slice %arg5[%gather3A_1145] : memref<65536xi32, #tpu.memory_space<vmem>> -> memref<65424xi32, #tpu.memory_space<vmem>>
        %gather3A_1147 = tpu.vector_load_idx %gather3A_1146[%add3A_1104] : memref<65424xi32, #tpu.memory_space<vmem>>[vector<16xi32>], vector<16xi32>,
        %bitcast3A_1148 = vector.bitcast %gather3A_991 : vector<16xi32> to vector<32xbf16>
        %bitcast3A_1149 = vector.bitcast %gather3A_988 : vector<16xi32> to vector<32xbf16>
        %sub3A_1150 = arith.subf %bitcast3A_1148, %bitcast3A_1149 : vector<32xbf16>
        %mul3A_1151 = arith.mulf %sub3A_1150, %pack3A_947 : vector<32xbf16>
        %bitcast3A_1152 = vector.bitcast %mul3A_1151 : vector<32xbf16> to vector<16xi32>
        %shift_left3A_1153 = arith.constant 16 : i32
        %shift_left3A_1154 = vector.broadcast %shift_left3A_1153 : i32 to vector<16xi32>
        %shift_left3A_1155 = arith.shli %gather3A_988, %shift_left3A_1154 : vector<16xi32>
        %bitcast3A_1156 = vector.bitcast %shift_left3A_1155 : vector<16xi32> to vector<16xf32>
        %and3A_1157 = vector.broadcast %scan3A_47 : i32 to vector<16xi32>
        %and3A_1158 = arith.andi %gather3A_988, %and3A_1157 : vector<16xi32>
        %bitcast3A_1159 = vector.bitcast %and3A_1158 : vector<16xi32> to vector<16xf32>
        %shift_left3A_1160 = arith.constant 16 : i32
        %shift_left3A_1161 = vector.broadcast %shift_left3A_1160 : i32 to vector<16xi32>
        %shift_left3A_1162 = arith.shli %bitcast3A_1152, %shift_left3A_1161 : vector<16xi32>
        %bitcast3A_1163 = vector.bitcast %shift_left3A_1162 : vector<16xi32> to vector<16xf32>
        %and3A_1164 = vector.broadcast %scan3A_47 : i32 to vector<16xi32>
        %and3A_1165 = arith.andi %bitcast3A_1152, %and3A_1164 : vector<16xi32>
        %bitcast3A_1166 = vector.bitcast %and3A_1165 : vector<16xi32> to vector<16xf32>
        %add3A_1167 = arith.addf %bitcast3A_1156, %bitcast3A_1163 : vector<16xf32>
        %add3A_1168 = arith.constant 6 : i32
        %add3A_1169 = arith.addi %add3A_136, %add3A_1168 : i32
        %swap3A_1170 = arith.index_cast %add3A_1169 : i32 to index
        %swap3A_1171 = arith.constant 16 : index
        %swap3A_1172 = tpu.vector_load %arg9[%swap3A_1170, %swap3A_1171] {strides = array<i32>} : memref<384x128xf32, #tpu.memory_space<vmem>>, vector<16xf32>,
        tpu.vector_store %arg9[%swap3A_1170, %swap3A_1171], %add3A_1167 {strides = array<i32>} : memref<384x128xf32, #tpu.memory_space<vmem>>, vector<16xf32>,
        %add3A_1173 = arith.addf %bitcast3A_1159, %bitcast3A_1166 : vector<16xf32>
        %add3A_1174 = arith.constant 6 : i32
        %add3A_1175 = arith.addi %add3A_136, %add3A_1174 : i32
        %swap3A_1176 = arith.index_cast %add3A_1175 : i32 to index
        %swap3A_1177 = arith.constant 80 : index
        %swap3A_1178 = tpu.vector_load %arg9[%swap3A_1176, %swap3A_1177] {strides = array<i32>} : memref<384x128xf32, #tpu.memory_space<vmem>>, vector<16xf32>,
        tpu.vector_store %arg9[%swap3A_1176, %swap3A_1177], %add3A_1173 {strides = array<i32>} : memref<384x128xf32, #tpu.memory_space<vmem>>, vector<16xf32>,
        %gather3A_1179 = arith.constant 32 : i32
        %gather3A_1180 = tpu.memref_slice %arg5[%gather3A_1179] : memref<65536xi32, #tpu.memory_space<vmem>> -> memref<65488xi32, #tpu.memory_space<vmem>>
        %gather3A_1181 = tpu.vector_load_idx %gather3A_1180[%add3A_1104] : memref<65488xi32, #tpu.memory_space<vmem>>[vector<16xi32>], vector<16xi32>,
        %gather3A_1182 = arith.constant 96 : i32
        %gather3A_1183 = tpu.memref_slice %arg5[%gather3A_1182] : memref<65536xi32, #tpu.memory_space<vmem>> -> memref<65424xi32, #tpu.memory_space<vmem>>
        %gather3A_1184 = tpu.vector_load_idx %gather3A_1183[%add3A_1104] : memref<65424xi32, #tpu.memory_space<vmem>>[vector<16xi32>], vector<16xi32>,
        %bitcast3A_1185 = vector.bitcast %gather3A_1028 : vector<16xi32> to vector<32xbf16>
        %bitcast3A_1186 = vector.bitcast %gather3A_1025 : vector<16xi32> to vector<32xbf16>
        %sub3A_1187 = arith.subf %bitcast3A_1185, %bitcast3A_1186 : vector<32xbf16>
        %mul3A_1188 = arith.mulf %sub3A_1187, %pack3A_947 : vector<32xbf16>
        %bitcast3A_1189 = vector.bitcast %mul3A_1188 : vector<32xbf16> to vector<16xi32>
        %shift_left3A_1190 = arith.constant 16 : i32
        %shift_left3A_1191 = vector.broadcast %shift_left3A_1190 : i32 to vector<16xi32>
        %shift_left3A_1192 = arith.shli %gather3A_1025, %shift_left3A_1191 : vector<16xi32>
        %bitcast3A_1193 = vector.bitcast %shift_left3A_1192 : vector<16xi32> to vector<16xf32>
        %and3A_1194 = vector.broadcast %scan3A_47 : i32 to vector<16xi32>
        %and3A_1195 = arith.andi %gather3A_1025, %and3A_1194 : vector<16xi32>
        %bitcast3A_1196 = vector.bitcast %and3A_1195 : vector<16xi32> to vector<16xf32>
        %shift_left3A_1197 = arith.constant 16 : i32
        %shift_left3A_1198 = vector.broadcast %shift_left3A_1197 : i32 to vector<16xi32>
        %shift_left3A_1199 = arith.shli %bitcast3A_1189, %shift_left3A_1198 : vector<16xi32>
        %bitcast3A_1200 = vector.bitcast %shift_left3A_1199 : vector<16xi32> to vector<16xf32>
        %and3A_1201 = vector.broadcast %scan3A_47 : i32 to vector<16xi32>
        %and3A_1202 = arith.andi %bitcast3A_1189, %and3A_1201 : vector<16xi32>
        %bitcast3A_1203 = vector.bitcast %and3A_1202 : vector<16xi32> to vector<16xf32>
        %add3A_1204 = arith.addf %bitcast3A_1193, %bitcast3A_1200 : vector<16xf32>
        %add3A_1205 = arith.constant 6 : i32
        %add3A_1206 = arith.addi %add3A_136, %add3A_1205 : i32
        %swap3A_1207 = arith.index_cast %add3A_1206 : i32 to index
        %swap3A_1208 = arith.constant 32 : index
        %swap3A_1209 = tpu.vector_load %arg9[%swap3A_1207, %swap3A_1208] {strides = array<i32>} : memref<384x128xf32, #tpu.memory_space<vmem>>, vector<16xf32>,
        tpu.vector_store %arg9[%swap3A_1207, %swap3A_1208], %add3A_1204 {strides = array<i32>} : memref<384x128xf32, #tpu.memory_space<vmem>>, vector<16xf32>,
        %add3A_1210 = arith.addf %bitcast3A_1196, %bitcast3A_1203 : vector<16xf32>
        %add3A_1211 = arith.constant 6 : i32
        %add3A_1212 = arith.addi %add3A_136, %add3A_1211 : i32
        %swap3A_1213 = arith.index_cast %add3A_1212 : i32 to index
        %swap3A_1214 = arith.constant 96 : index
        %swap3A_1215 = tpu.vector_load %arg9[%swap3A_1213, %swap3A_1214] {strides = array<i32>} : memref<384x128xf32, #tpu.memory_space<vmem>>, vector<16xf32>,
        tpu.vector_store %arg9[%swap3A_1213, %swap3A_1214], %add3A_1210 {strides = array<i32>} : memref<384x128xf32, #tpu.memory_space<vmem>>, vector<16xf32>,
        %gather3A_1216 = arith.constant 48 : i32
        %gather3A_1217 = tpu.memref_slice %arg5[%gather3A_1216] : memref<65536xi32, #tpu.memory_space<vmem>> -> memref<65488xi32, #tpu.memory_space<vmem>>
        %gather3A_1218 = tpu.vector_load_idx %gather3A_1217[%add3A_1104] : memref<65488xi32, #tpu.memory_space<vmem>>[vector<16xi32>], vector<16xi32>,
        %gather3A_1219 = arith.constant 112 : i32
        %gather3A_1220 = tpu.memref_slice %arg5[%gather3A_1219] : memref<65536xi32, #tpu.memory_space<vmem>> -> memref<65424xi32, #tpu.memory_space<vmem>>
        %gather3A_1221 = tpu.vector_load_idx %gather3A_1220[%add3A_1104] : memref<65424xi32, #tpu.memory_space<vmem>>[vector<16xi32>], vector<16xi32>,
        %bitcast3A_1222 = vector.bitcast %gather3A_1065 : vector<16xi32> to vector<32xbf16>
        %bitcast3A_1223 = vector.bitcast %gather3A_1062 : vector<16xi32> to vector<32xbf16>
        %sub3A_1224 = arith.subf %bitcast3A_1222, %bitcast3A_1223 : vector<32xbf16>
        %mul3A_1225 = arith.mulf %sub3A_1224, %pack3A_947 : vector<32xbf16>
        %bitcast3A_1226 = vector.bitcast %mul3A_1225 : vector<32xbf16> to vector<16xi32>
        %shift_left3A_1227 = arith.constant 16 : i32
        %shift_left3A_1228 = vector.broadcast %shift_left3A_1227 : i32 to vector<16xi32>
        %shift_left3A_1229 = arith.shli %gather3A_1062, %shift_left3A_1228 : vector<16xi32>
        %bitcast3A_1230 = vector.bitcast %shift_left3A_1229 : vector<16xi32> to vector<16xf32>
        %and3A_1231 = vector.broadcast %scan3A_47 : i32 to vector<16xi32>
        %and3A_1232 = arith.andi %gather3A_1062, %and3A_1231 : vector<16xi32>
        %bitcast3A_1233 = vector.bitcast %and3A_1232 : vector<16xi32> to vector<16xf32>
        %shift_left3A_1234 = arith.constant 16 : i32
        %shift_left3A_1235 = vector.broadcast %shift_left3A_1234 : i32 to vector<16xi32>
        %shift_left3A_1236 = arith.shli %bitcast3A_1226, %shift_left3A_1235 : vector<16xi32>
        %bitcast3A_1237 = vector.bitcast %shift_left3A_1236 : vector<16xi32> to vector<16xf32>
        %and3A_1238 = vector.broadcast %scan3A_47 : i32 to vector<16xi32>
        %and3A_1239 = arith.andi %bitcast3A_1226, %and3A_1238 : vector<16xi32>
        %bitcast3A_1240 = vector.bitcast %and3A_1239 : vector<16xi32> to vector<16xf32>
        %add3A_1241 = arith.addf %bitcast3A_1230, %bitcast3A_1237 : vector<16xf32>
        %add3A_1242 = arith.constant 6 : i32
        %add3A_1243 = arith.addi %add3A_136, %add3A_1242 : i32
        %swap3A_1244 = arith.index_cast %add3A_1243 : i32 to index
        %swap3A_1245 = arith.constant 48 : index
        %swap3A_1246 = tpu.vector_load %arg9[%swap3A_1244, %swap3A_1245] {strides = array<i32>} : memref<384x128xf32, #tpu.memory_space<vmem>>, vector<16xf32>,
        tpu.vector_store %arg9[%swap3A_1244, %swap3A_1245], %add3A_1241 {strides = array<i32>} : memref<384x128xf32, #tpu.memory_space<vmem>>, vector<16xf32>,
        %add3A_1247 = arith.addf %bitcast3A_1233, %bitcast3A_1240 : vector<16xf32>
        %add3A_1248 = arith.constant 6 : i32
        %add3A_1249 = arith.addi %add3A_136, %add3A_1248 : i32
        %swap3A_1250 = arith.index_cast %add3A_1249 : i32 to index
        %swap3A_1251 = arith.constant 112 : index
        %swap3A_1252 = tpu.vector_load %arg9[%swap3A_1250, %swap3A_1251] {strides = array<i32>} : memref<384x128xf32, #tpu.memory_space<vmem>>, vector<16xf32>,
        tpu.vector_store %arg9[%swap3A_1250, %swap3A_1251], %add3A_1247 {strides = array<i32>} : memref<384x128xf32, #tpu.memory_space<vmem>>, vector<16xf32>,
        %slice3A_1253 = vector.extract_strided_slice %get3A_131 {offsets = [8], sizes = [1], strides = [1]} : vector<16xi32> to vector<1xi32>
        %squeeze3A_1254 = vector.extract %slice3A_1253[0] : i32 from vector<1xi32>
        %broadcast_in_dim3A_1255 = vector.broadcast %squeeze3A_1254 : i32 to vector<16xi32>
        %slice3A_1256 = vector.extract_strided_slice %get3A_133 {offsets = [8], sizes = [1], strides = [1]} : vector<16xf32> to vector<1xf32>
        %squeeze3A_1257 = vector.extract %slice3A_1256[0] : f32 from vector<1xf32>
        %broadcast_in_dim3A_1258 = vector.broadcast %squeeze3A_1257 : f32 to vector<16xf32>
        %pack3A_1259 = tpu.pack_subelements %broadcast_in_dim3A_1258, %broadcast_in_dim3A_1258 {pack_format = #tpu.pack_format<interleaved>, positions = array<i32: 0, 1>} : vector<16xf32>, vector<16xf32> -> vector<32xbf16>
        %add3A_1260 = arith.addi %broadcast_in_dim3A_1255, %iota3A : vector<16xi32>
        %gather3A_1261 = arith.constant 0 : i32
        %gather3A_1262 = tpu.memref_slice %arg5[%gather3A_1261] : memref<65536xi32, #tpu.memory_space<vmem>> -> memref<65488xi32, #tpu.memory_space<vmem>>
        %gather3A_1263 = tpu.vector_load_idx %gather3A_1262[%add3A_1260] : memref<65488xi32, #tpu.memory_space<vmem>>[vector<16xi32>], vector<16xi32>,
        %gather3A_1264 = arith.constant 64 : i32
        %gather3A_1265 = tpu.memref_slice %arg5[%gather3A_1264] : memref<65536xi32, #tpu.memory_space<vmem>> -> memref<65424xi32, #tpu.memory_space<vmem>>
        %gather3A_1266 = tpu.vector_load_idx %gather3A_1265[%add3A_1260] : memref<65424xi32, #tpu.memory_space<vmem>>[vector<16xi32>], vector<16xi32>,
        %bitcast3A_1267 = vector.bitcast %gather3A_1110 : vector<16xi32> to vector<32xbf16>
        %bitcast3A_1268 = vector.bitcast %gather3A_1107 : vector<16xi32> to vector<32xbf16>
        %sub3A_1269 = arith.subf %bitcast3A_1267, %bitcast3A_1268 : vector<32xbf16>
        %mul3A_1270 = arith.mulf %sub3A_1269, %pack3A_1103 : vector<32xbf16>
        %bitcast3A_1271 = vector.bitcast %mul3A_1270 : vector<32xbf16> to vector<16xi32>
        %shift_left3A_1272 = arith.constant 16 : i32
        %shift_left3A_1273 = vector.broadcast %shift_left3A_1272 : i32 to vector<16xi32>
        %shift_left3A_1274 = arith.shli %gather3A_1107, %shift_left3A_1273 : vector<16xi32>
        %bitcast3A_1275 = vector.bitcast %shift_left3A_1274 : vector<16xi32> to vector<16xf32>
        %and3A_1276 = vector.broadcast %scan3A_47 : i32 to vector<16xi32>
        %and3A_1277 = arith.andi %gather3A_1107, %and3A_1276 : vector<16xi32>
        %bitcast3A_1278 = vector.bitcast %and3A_1277 : vector<16xi32> to vector<16xf32>
        %shift_left3A_1279 = arith.constant 16 : i32
        %shift_left3A_1280 = vector.broadcast %shift_left3A_1279 : i32 to vector<16xi32>
        %shift_left3A_1281 = arith.shli %bitcast3A_1271, %shift_left3A_1280 : vector<16xi32>
        %bitcast3A_1282 = vector.bitcast %shift_left3A_1281 : vector<16xi32> to vector<16xf32>
        %and3A_1283 = vector.broadcast %scan3A_47 : i32 to vector<16xi32>
        %and3A_1284 = arith.andi %bitcast3A_1271, %and3A_1283 : vector<16xi32>
        %bitcast3A_1285 = vector.bitcast %and3A_1284 : vector<16xi32> to vector<16xf32>
        %add3A_1286 = arith.addf %bitcast3A_1275, %bitcast3A_1282 : vector<16xf32>
        %add3A_1287 = arith.constant 7 : i32
        %add3A_1288 = arith.addi %add3A_136, %add3A_1287 : i32
        %swap3A_1289 = arith.index_cast %add3A_1288 : i32 to index
        %swap3A_1290 = arith.constant 0 : index
        %swap3A_1291 = tpu.vector_load %arg9[%swap3A_1289, %swap3A_1290] {strides = array<i32>} : memref<384x128xf32, #tpu.memory_space<vmem>>, vector<16xf32>,
        tpu.vector_store %arg9[%swap3A_1289, %swap3A_1290], %add3A_1286 {strides = array<i32>} : memref<384x128xf32, #tpu.memory_space<vmem>>, vector<16xf32>,
        %add3A_1292 = arith.addf %bitcast3A_1278, %bitcast3A_1285 : vector<16xf32>
        %add3A_1293 = arith.constant 7 : i32
        %add3A_1294 = arith.addi %add3A_136, %add3A_1293 : i32
        %swap3A_1295 = arith.index_cast %add3A_1294 : i32 to index
        %swap3A_1296 = arith.constant 64 : index
        %swap3A_1297 = tpu.vector_load %arg9[%swap3A_1295, %swap3A_1296] {strides = array<i32>} : memref<384x128xf32, #tpu.memory_space<vmem>>, vector<16xf32>,
        tpu.vector_store %arg9[%swap3A_1295, %swap3A_1296], %add3A_1292 {strides = array<i32>} : memref<384x128xf32, #tpu.memory_space<vmem>>, vector<16xf32>,
        %gather3A_1298 = arith.constant 16 : i32
        %gather3A_1299 = tpu.memref_slice %arg5[%gather3A_1298] : memref<65536xi32, #tpu.memory_space<vmem>> -> memref<65488xi32, #tpu.memory_space<vmem>>
        %gather3A_1300 = tpu.vector_load_idx %gather3A_1299[%add3A_1260] : memref<65488xi32, #tpu.memory_space<vmem>>[vector<16xi32>], vector<16xi32>,
        %gather3A_1301 = arith.constant 80 : i32
        %gather3A_1302 = tpu.memref_slice %arg5[%gather3A_1301] : memref<65536xi32, #tpu.memory_space<vmem>> -> memref<65424xi32, #tpu.memory_space<vmem>>
        %gather3A_1303 = tpu.vector_load_idx %gather3A_1302[%add3A_1260] : memref<65424xi32, #tpu.memory_space<vmem>>[vector<16xi32>], vector<16xi32>,
        %bitcast3A_1304 = vector.bitcast %gather3A_1147 : vector<16xi32> to vector<32xbf16>
        %bitcast3A_1305 = vector.bitcast %gather3A_1144 : vector<16xi32> to vector<32xbf16>
        %sub3A_1306 = arith.subf %bitcast3A_1304, %bitcast3A_1305 : vector<32xbf16>
        %mul3A_1307 = arith.mulf %sub3A_1306, %pack3A_1103 : vector<32xbf16>
        %bitcast3A_1308 = vector.bitcast %mul3A_1307 : vector<32xbf16> to vector<16xi32>
        %shift_left3A_1309 = arith.constant 16 : i32
        %shift_left3A_1310 = vector.broadcast %shift_left3A_1309 : i32 to vector<16xi32>
        %shift_left3A_1311 = arith.shli %gather3A_1144, %shift_left3A_1310 : vector<16xi32>
        %bitcast3A_1312 = vector.bitcast %shift_left3A_1311 : vector<16xi32> to vector<16xf32>
        %and3A_1313 = vector.broadcast %scan3A_47 : i32 to vector<16xi32>
        %and3A_1314 = arith.andi %gather3A_1144, %and3A_1313 : vector<16xi32>
        %bitcast3A_1315 = vector.bitcast %and3A_1314 : vector<16xi32> to vector<16xf32>
        %shift_left3A_1316 = arith.constant 16 : i32
        %shift_left3A_1317 = vector.broadcast %shift_left3A_1316 : i32 to vector<16xi32>
        %shift_left3A_1318 = arith.shli %bitcast3A_1308, %shift_left3A_1317 : vector<16xi32>
        %bitcast3A_1319 = vector.bitcast %shift_left3A_1318 : vector<16xi32> to vector<16xf32>
        %and3A_1320 = vector.broadcast %scan3A_47 : i32 to vector<16xi32>
        %and3A_1321 = arith.andi %bitcast3A_1308, %and3A_1320 : vector<16xi32>
        %bitcast3A_1322 = vector.bitcast %and3A_1321 : vector<16xi32> to vector<16xf32>
        %add3A_1323 = arith.addf %bitcast3A_1312, %bitcast3A_1319 : vector<16xf32>
        %add3A_1324 = arith.constant 7 : i32
        %add3A_1325 = arith.addi %add3A_136, %add3A_1324 : i32
        %swap3A_1326 = arith.index_cast %add3A_1325 : i32 to index
        %swap3A_1327 = arith.constant 16 : index
        %swap3A_1328 = tpu.vector_load %arg9[%swap3A_1326, %swap3A_1327] {strides = array<i32>} : memref<384x128xf32, #tpu.memory_space<vmem>>, vector<16xf32>,
        tpu.vector_store %arg9[%swap3A_1326, %swap3A_1327], %add3A_1323 {strides = array<i32>} : memref<384x128xf32, #tpu.memory_space<vmem>>, vector<16xf32>,
        %add3A_1329 = arith.addf %bitcast3A_1315, %bitcast3A_1322 : vector<16xf32>
        %add3A_1330 = arith.constant 7 : i32
        %add3A_1331 = arith.addi %add3A_136, %add3A_1330 : i32
        %swap3A_1332 = arith.index_cast %add3A_1331 : i32 to index
        %swap3A_1333 = arith.constant 80 : index
        %swap3A_1334 = tpu.vector_load %arg9[%swap3A_1332, %swap3A_1333] {strides = array<i32>} : memref<384x128xf32, #tpu.memory_space<vmem>>, vector<16xf32>,
        tpu.vector_store %arg9[%swap3A_1332, %swap3A_1333], %add3A_1329 {strides = array<i32>} : memref<384x128xf32, #tpu.memory_space<vmem>>, vector<16xf32>,
        %gather3A_1335 = arith.constant 32 : i32
        %gather3A_1336 = tpu.memref_slice %arg5[%gather3A_1335] : memref<65536xi32, #tpu.memory_space<vmem>> -> memref<65488xi32, #tpu.memory_space<vmem>>
        %gather3A_1337 = tpu.vector_load_idx %gather3A_1336[%add3A_1260] : memref<65488xi32, #tpu.memory_space<vmem>>[vector<16xi32>], vector<16xi32>,
        %gather3A_1338 = arith.constant 96 : i32
        %gather3A_1339 = tpu.memref_slice %arg5[%gather3A_1338] : memref<65536xi32, #tpu.memory_space<vmem>> -> memref<65424xi32, #tpu.memory_space<vmem>>
        %gather3A_1340 = tpu.vector_load_idx %gather3A_1339[%add3A_1260] : memref<65424xi32, #tpu.memory_space<vmem>>[vector<16xi32>], vector<16xi32>,
        %bitcast3A_1341 = vector.bitcast %gather3A_1184 : vector<16xi32> to vector<32xbf16>
        %bitcast3A_1342 = vector.bitcast %gather3A_1181 : vector<16xi32> to vector<32xbf16>
        %sub3A_1343 = arith.subf %bitcast3A_1341, %bitcast3A_1342 : vector<32xbf16>
        %mul3A_1344 = arith.mulf %sub3A_1343, %pack3A_1103 : vector<32xbf16>
        %bitcast3A_1345 = vector.bitcast %mul3A_1344 : vector<32xbf16> to vector<16xi32>
        %shift_left3A_1346 = arith.constant 16 : i32
        %shift_left3A_1347 = vector.broadcast %shift_left3A_1346 : i32 to vector<16xi32>
        %shift_left3A_1348 = arith.shli %gather3A_1181, %shift_left3A_1347 : vector<16xi32>
        %bitcast3A_1349 = vector.bitcast %shift_left3A_1348 : vector<16xi32> to vector<16xf32>
        %and3A_1350 = vector.broadcast %scan3A_47 : i32 to vector<16xi32>
        %and3A_1351 = arith.andi %gather3A_1181, %and3A_1350 : vector<16xi32>
        %bitcast3A_1352 = vector.bitcast %and3A_1351 : vector<16xi32> to vector<16xf32>
        %shift_left3A_1353 = arith.constant 16 : i32
        %shift_left3A_1354 = vector.broadcast %shift_left3A_1353 : i32 to vector<16xi32>
        %shift_left3A_1355 = arith.shli %bitcast3A_1345, %shift_left3A_1354 : vector<16xi32>
        %bitcast3A_1356 = vector.bitcast %shift_left3A_1355 : vector<16xi32> to vector<16xf32>
        %and3A_1357 = vector.broadcast %scan3A_47 : i32 to vector<16xi32>
        %and3A_1358 = arith.andi %bitcast3A_1345, %and3A_1357 : vector<16xi32>
        %bitcast3A_1359 = vector.bitcast %and3A_1358 : vector<16xi32> to vector<16xf32>
        %add3A_1360 = arith.addf %bitcast3A_1349, %bitcast3A_1356 : vector<16xf32>
        %add3A_1361 = arith.constant 7 : i32
        %add3A_1362 = arith.addi %add3A_136, %add3A_1361 : i32
        %swap3A_1363 = arith.index_cast %add3A_1362 : i32 to index
        %swap3A_1364 = arith.constant 32 : index
        %swap3A_1365 = tpu.vector_load %arg9[%swap3A_1363, %swap3A_1364] {strides = array<i32>} : memref<384x128xf32, #tpu.memory_space<vmem>>, vector<16xf32>,
        tpu.vector_store %arg9[%swap3A_1363, %swap3A_1364], %add3A_1360 {strides = array<i32>} : memref<384x128xf32, #tpu.memory_space<vmem>>, vector<16xf32>,
        %add3A_1366 = arith.addf %bitcast3A_1352, %bitcast3A_1359 : vector<16xf32>
        %add3A_1367 = arith.constant 7 : i32
        %add3A_1368 = arith.addi %add3A_136, %add3A_1367 : i32
        %swap3A_1369 = arith.index_cast %add3A_1368 : i32 to index
        %swap3A_1370 = arith.constant 96 : index
        %swap3A_1371 = tpu.vector_load %arg9[%swap3A_1369, %swap3A_1370] {strides = array<i32>} : memref<384x128xf32, #tpu.memory_space<vmem>>, vector<16xf32>,
        tpu.vector_store %arg9[%swap3A_1369, %swap3A_1370], %add3A_1366 {strides = array<i32>} : memref<384x128xf32, #tpu.memory_space<vmem>>, vector<16xf32>,
        %gather3A_1372 = arith.constant 48 : i32
        %gather3A_1373 = tpu.memref_slice %arg5[%gather3A_1372] : memref<65536xi32, #tpu.memory_space<vmem>> -> memref<65488xi32, #tpu.memory_space<vmem>>
        %gather3A_1374 = tpu.vector_load_idx %gather3A_1373[%add3A_1260] : memref<65488xi32, #tpu.memory_space<vmem>>[vector<16xi32>], vector<16xi32>,
        %gather3A_1375 = arith.constant 112 : i32
        %gather3A_1376 = tpu.memref_slice %arg5[%gather3A_1375] : memref<65536xi32, #tpu.memory_space<vmem>> -> memref<65424xi32, #tpu.memory_space<vmem>>
        %gather3A_1377 = tpu.vector_load_idx %gather3A_1376[%add3A_1260] : memref<65424xi32, #tpu.memory_space<vmem>>[vector<16xi32>], vector<16xi32>,
        %bitcast3A_1378 = vector.bitcast %gather3A_1221 : vector<16xi32> to vector<32xbf16>
        %bitcast3A_1379 = vector.bitcast %gather3A_1218 : vector<16xi32> to vector<32xbf16>
        %sub3A_1380 = arith.subf %bitcast3A_1378, %bitcast3A_1379 : vector<32xbf16>
        %mul3A_1381 = arith.mulf %sub3A_1380, %pack3A_1103 : vector<32xbf16>
        %bitcast3A_1382 = vector.bitcast %mul3A_1381 : vector<32xbf16> to vector<16xi32>
        %shift_left3A_1383 = arith.constant 16 : i32
        %shift_left3A_1384 = vector.broadcast %shift_left3A_1383 : i32 to vector<16xi32>
        %shift_left3A_1385 = arith.shli %gather3A_1218, %shift_left3A_1384 : vector<16xi32>
        %bitcast3A_1386 = vector.bitcast %shift_left3A_1385 : vector<16xi32> to vector<16xf32>
        %and3A_1387 = vector.broadcast %scan3A_47 : i32 to vector<16xi32>
        %and3A_1388 = arith.andi %gather3A_1218, %and3A_1387 : vector<16xi32>
        %bitcast3A_1389 = vector.bitcast %and3A_1388 : vector<16xi32> to vector<16xf32>
        %shift_left3A_1390 = arith.constant 16 : i32
        %shift_left3A_1391 = vector.broadcast %shift_left3A_1390 : i32 to vector<16xi32>
        %shift_left3A_1392 = arith.shli %bitcast3A_1382, %shift_left3A_1391 : vector<16xi32>
        %bitcast3A_1393 = vector.bitcast %shift_left3A_1392 : vector<16xi32> to vector<16xf32>
        %and3A_1394 = vector.broadcast %scan3A_47 : i32 to vector<16xi32>
        %and3A_1395 = arith.andi %bitcast3A_1382, %and3A_1394 : vector<16xi32>
        %bitcast3A_1396 = vector.bitcast %and3A_1395 : vector<16xi32> to vector<16xf32>
        %add3A_1397 = arith.addf %bitcast3A_1386, %bitcast3A_1393 : vector<16xf32>
        %add3A_1398 = arith.constant 7 : i32
        %add3A_1399 = arith.addi %add3A_136, %add3A_1398 : i32
        %swap3A_1400 = arith.index_cast %add3A_1399 : i32 to index
        %swap3A_1401 = arith.constant 48 : index
        %swap3A_1402 = tpu.vector_load %arg9[%swap3A_1400, %swap3A_1401] {strides = array<i32>} : memref<384x128xf32, #tpu.memory_space<vmem>>, vector<16xf32>,
        tpu.vector_store %arg9[%swap3A_1400, %swap3A_1401], %add3A_1397 {strides = array<i32>} : memref<384x128xf32, #tpu.memory_space<vmem>>, vector<16xf32>,
        %add3A_1403 = arith.addf %bitcast3A_1389, %bitcast3A_1396 : vector<16xf32>
        %add3A_1404 = arith.constant 7 : i32
        %add3A_1405 = arith.addi %add3A_136, %add3A_1404 : i32
        %swap3A_1406 = arith.index_cast %add3A_1405 : i32 to index
        %swap3A_1407 = arith.constant 112 : index
        %swap3A_1408 = tpu.vector_load %arg9[%swap3A_1406, %swap3A_1407] {strides = array<i32>} : memref<384x128xf32, #tpu.memory_space<vmem>>, vector<16xf32>,
        tpu.vector_store %arg9[%swap3A_1406, %swap3A_1407], %add3A_1403 {strides = array<i32>} : memref<384x128xf32, #tpu.memory_space<vmem>>, vector<16xf32>,
        %slice3A_1409 = vector.extract_strided_slice %get3A_131 {offsets = [9], sizes = [1], strides = [1]} : vector<16xi32> to vector<1xi32>
        %squeeze3A_1410 = vector.extract %slice3A_1409[0] : i32 from vector<1xi32>
        %broadcast_in_dim3A_1411 = vector.broadcast %squeeze3A_1410 : i32 to vector<16xi32>
        %slice3A_1412 = vector.extract_strided_slice %get3A_133 {offsets = [9], sizes = [1], strides = [1]} : vector<16xf32> to vector<1xf32>
        %squeeze3A_1413 = vector.extract %slice3A_1412[0] : f32 from vector<1xf32>
        %broadcast_in_dim3A_1414 = vector.broadcast %squeeze3A_1413 : f32 to vector<16xf32>
        %pack3A_1415 = tpu.pack_subelements %broadcast_in_dim3A_1414, %broadcast_in_dim3A_1414 {pack_format = #tpu.pack_format<interleaved>, positions = array<i32: 0, 1>} : vector<16xf32>, vector<16xf32> -> vector<32xbf16>
        %add3A_1416 = arith.addi %broadcast_in_dim3A_1411, %iota3A : vector<16xi32>
        %gather3A_1417 = arith.constant 0 : i32
        %gather3A_1418 = tpu.memref_slice %arg5[%gather3A_1417] : memref<65536xi32, #tpu.memory_space<vmem>> -> memref<65488xi32, #tpu.memory_space<vmem>>
        %gather3A_1419 = tpu.vector_load_idx %gather3A_1418[%add3A_1416] : memref<65488xi32, #tpu.memory_space<vmem>>[vector<16xi32>], vector<16xi32>,
        %gather3A_1420 = arith.constant 64 : i32
        %gather3A_1421 = tpu.memref_slice %arg5[%gather3A_1420] : memref<65536xi32, #tpu.memory_space<vmem>> -> memref<65424xi32, #tpu.memory_space<vmem>>
        %gather3A_1422 = tpu.vector_load_idx %gather3A_1421[%add3A_1416] : memref<65424xi32, #tpu.memory_space<vmem>>[vector<16xi32>], vector<16xi32>,
        %bitcast3A_1423 = vector.bitcast %gather3A_1266 : vector<16xi32> to vector<32xbf16>
        %bitcast3A_1424 = vector.bitcast %gather3A_1263 : vector<16xi32> to vector<32xbf16>
        %sub3A_1425 = arith.subf %bitcast3A_1423, %bitcast3A_1424 : vector<32xbf16>
        %mul3A_1426 = arith.mulf %sub3A_1425, %pack3A_1259 : vector<32xbf16>
        %bitcast3A_1427 = vector.bitcast %mul3A_1426 : vector<32xbf16> to vector<16xi32>
        %shift_left3A_1428 = arith.constant 16 : i32
        %shift_left3A_1429 = vector.broadcast %shift_left3A_1428 : i32 to vector<16xi32>
        %shift_left3A_1430 = arith.shli %gather3A_1263, %shift_left3A_1429 : vector<16xi32>
        %bitcast3A_1431 = vector.bitcast %shift_left3A_1430 : vector<16xi32> to vector<16xf32>
        %and3A_1432 = vector.broadcast %scan3A_47 : i32 to vector<16xi32>
        %and3A_1433 = arith.andi %gather3A_1263, %and3A_1432 : vector<16xi32>
        %bitcast3A_1434 = vector.bitcast %and3A_1433 : vector<16xi32> to vector<16xf32>
        %shift_left3A_1435 = arith.constant 16 : i32
        %shift_left3A_1436 = vector.broadcast %shift_left3A_1435 : i32 to vector<16xi32>
        %shift_left3A_1437 = arith.shli %bitcast3A_1427, %shift_left3A_1436 : vector<16xi32>
        %bitcast3A_1438 = vector.bitcast %shift_left3A_1437 : vector<16xi32> to vector<16xf32>
        %and3A_1439 = vector.broadcast %scan3A_47 : i32 to vector<16xi32>
        %and3A_1440 = arith.andi %bitcast3A_1427, %and3A_1439 : vector<16xi32>
        %bitcast3A_1441 = vector.bitcast %and3A_1440 : vector<16xi32> to vector<16xf32>
        %add3A_1442 = arith.addf %bitcast3A_1431, %bitcast3A_1438 : vector<16xf32>
        %add3A_1443 = arith.constant 8 : i32
        %add3A_1444 = arith.addi %add3A_136, %add3A_1443 : i32
        %swap3A_1445 = arith.index_cast %add3A_1444 : i32 to index
        %swap3A_1446 = arith.constant 0 : index
        %swap3A_1447 = tpu.vector_load %arg9[%swap3A_1445, %swap3A_1446] {strides = array<i32>} : memref<384x128xf32, #tpu.memory_space<vmem>>, vector<16xf32>,
        tpu.vector_store %arg9[%swap3A_1445, %swap3A_1446], %add3A_1442 {strides = array<i32>} : memref<384x128xf32, #tpu.memory_space<vmem>>, vector<16xf32>,
        %add3A_1448 = arith.addf %bitcast3A_1434, %bitcast3A_1441 : vector<16xf32>
        %add3A_1449 = arith.constant 8 : i32
        %add3A_1450 = arith.addi %add3A_136, %add3A_1449 : i32
        %swap3A_1451 = arith.index_cast %add3A_1450 : i32 to index
        %swap3A_1452 = arith.constant 64 : index
        %swap3A_1453 = tpu.vector_load %arg9[%swap3A_1451, %swap3A_1452] {strides = array<i32>} : memref<384x128xf32, #tpu.memory_space<vmem>>, vector<16xf32>,
        tpu.vector_store %arg9[%swap3A_1451, %swap3A_1452], %add3A_1448 {strides = array<i32>} : memref<384x128xf32, #tpu.memory_space<vmem>>, vector<16xf32>,
        %gather3A_1454 = arith.constant 16 : i32
        %gather3A_1455 = tpu.memref_slice %arg5[%gather3A_1454] : memref<65536xi32, #tpu.memory_space<vmem>> -> memref<65488xi32, #tpu.memory_space<vmem>>
        %gather3A_1456 = tpu.vector_load_idx %gather3A_1455[%add3A_1416] : memref<65488xi32, #tpu.memory_space<vmem>>[vector<16xi32>], vector<16xi32>,
        %gather3A_1457 = arith.constant 80 : i32
        %gather3A_1458 = tpu.memref_slice %arg5[%gather3A_1457] : memref<65536xi32, #tpu.memory_space<vmem>> -> memref<65424xi32, #tpu.memory_space<vmem>>
        %gather3A_1459 = tpu.vector_load_idx %gather3A_1458[%add3A_1416] : memref<65424xi32, #tpu.memory_space<vmem>>[vector<16xi32>], vector<16xi32>,
        %bitcast3A_1460 = vector.bitcast %gather3A_1303 : vector<16xi32> to vector<32xbf16>
        %bitcast3A_1461 = vector.bitcast %gather3A_1300 : vector<16xi32> to vector<32xbf16>
        %sub3A_1462 = arith.subf %bitcast3A_1460, %bitcast3A_1461 : vector<32xbf16>
        %mul3A_1463 = arith.mulf %sub3A_1462, %pack3A_1259 : vector<32xbf16>
        %bitcast3A_1464 = vector.bitcast %mul3A_1463 : vector<32xbf16> to vector<16xi32>
        %shift_left3A_1465 = arith.constant 16 : i32
        %shift_left3A_1466 = vector.broadcast %shift_left3A_1465 : i32 to vector<16xi32>
        %shift_left3A_1467 = arith.shli %gather3A_1300, %shift_left3A_1466 : vector<16xi32>
        %bitcast3A_1468 = vector.bitcast %shift_left3A_1467 : vector<16xi32> to vector<16xf32>
        %and3A_1469 = vector.broadcast %scan3A_47 : i32 to vector<16xi32>
        %and3A_1470 = arith.andi %gather3A_1300, %and3A_1469 : vector<16xi32>
        %bitcast3A_1471 = vector.bitcast %and3A_1470 : vector<16xi32> to vector<16xf32>
        %shift_left3A_1472 = arith.constant 16 : i32
        %shift_left3A_1473 = vector.broadcast %shift_left3A_1472 : i32 to vector<16xi32>
        %shift_left3A_1474 = arith.shli %bitcast3A_1464, %shift_left3A_1473 : vector<16xi32>
        %bitcast3A_1475 = vector.bitcast %shift_left3A_1474 : vector<16xi32> to vector<16xf32>
        %and3A_1476 = vector.broadcast %scan3A_47 : i32 to vector<16xi32>
        %and3A_1477 = arith.andi %bitcast3A_1464, %and3A_1476 : vector<16xi32>
        %bitcast3A_1478 = vector.bitcast %and3A_1477 : vector<16xi32> to vector<16xf32>
        %add3A_1479 = arith.addf %bitcast3A_1468, %bitcast3A_1475 : vector<16xf32>
        %add3A_1480 = arith.constant 8 : i32
        %add3A_1481 = arith.addi %add3A_136, %add3A_1480 : i32
        %swap3A_1482 = arith.index_cast %add3A_1481 : i32 to index
        %swap3A_1483 = arith.constant 16 : index
        %swap3A_1484 = tpu.vector_load %arg9[%swap3A_1482, %swap3A_1483] {strides = array<i32>} : memref<384x128xf32, #tpu.memory_space<vmem>>, vector<16xf32>,
        tpu.vector_store %arg9[%swap3A_1482, %swap3A_1483], %add3A_1479 {strides = array<i32>} : memref<384x128xf32, #tpu.memory_space<vmem>>, vector<16xf32>,
        %add3A_1485 = arith.addf %bitcast3A_1471, %bitcast3A_1478 : vector<16xf32>
        %add3A_1486 = arith.constant 8 : i32
        %add3A_1487 = arith.addi %add3A_136, %add3A_1486 : i32
        %swap3A_1488 = arith.index_cast %add3A_1487 : i32 to index
        %swap3A_1489 = arith.constant 80 : index
        %swap3A_1490 = tpu.vector_load %arg9[%swap3A_1488, %swap3A_1489] {strides = array<i32>} : memref<384x128xf32, #tpu.memory_space<vmem>>, vector<16xf32>,
        tpu.vector_store %arg9[%swap3A_1488, %swap3A_1489], %add3A_1485 {strides = array<i32>} : memref<384x128xf32, #tpu.memory_space<vmem>>, vector<16xf32>,
        %gather3A_1491 = arith.constant 32 : i32
        %gather3A_1492 = tpu.memref_slice %arg5[%gather3A_1491] : memref<65536xi32, #tpu.memory_space<vmem>> -> memref<65488xi32, #tpu.memory_space<vmem>>
        %gather3A_1493 = tpu.vector_load_idx %gather3A_1492[%add3A_1416] : memref<65488xi32, #tpu.memory_space<vmem>>[vector<16xi32>], vector<16xi32>,
        %gather3A_1494 = arith.constant 96 : i32
        %gather3A_1495 = tpu.memref_slice %arg5[%gather3A_1494] : memref<65536xi32, #tpu.memory_space<vmem>> -> memref<65424xi32, #tpu.memory_space<vmem>>
        %gather3A_1496 = tpu.vector_load_idx %gather3A_1495[%add3A_1416] : memref<65424xi32, #tpu.memory_space<vmem>>[vector<16xi32>], vector<16xi32>,
        %bitcast3A_1497 = vector.bitcast %gather3A_1340 : vector<16xi32> to vector<32xbf16>
        %bitcast3A_1498 = vector.bitcast %gather3A_1337 : vector<16xi32> to vector<32xbf16>
        %sub3A_1499 = arith.subf %bitcast3A_1497, %bitcast3A_1498 : vector<32xbf16>
        %mul3A_1500 = arith.mulf %sub3A_1499, %pack3A_1259 : vector<32xbf16>
        %bitcast3A_1501 = vector.bitcast %mul3A_1500 : vector<32xbf16> to vector<16xi32>
        %shift_left3A_1502 = arith.constant 16 : i32
        %shift_left3A_1503 = vector.broadcast %shift_left3A_1502 : i32 to vector<16xi32>
        %shift_left3A_1504 = arith.shli %gather3A_1337, %shift_left3A_1503 : vector<16xi32>
        %bitcast3A_1505 = vector.bitcast %shift_left3A_1504 : vector<16xi32> to vector<16xf32>
        %and3A_1506 = vector.broadcast %scan3A_47 : i32 to vector<16xi32>
        %and3A_1507 = arith.andi %gather3A_1337, %and3A_1506 : vector<16xi32>
        %bitcast3A_1508 = vector.bitcast %and3A_1507 : vector<16xi32> to vector<16xf32>
        %shift_left3A_1509 = arith.constant 16 : i32
        %shift_left3A_1510 = vector.broadcast %shift_left3A_1509 : i32 to vector<16xi32>
        %shift_left3A_1511 = arith.shli %bitcast3A_1501, %shift_left3A_1510 : vector<16xi32>
        %bitcast3A_1512 = vector.bitcast %shift_left3A_1511 : vector<16xi32> to vector<16xf32>
        %and3A_1513 = vector.broadcast %scan3A_47 : i32 to vector<16xi32>
        %and3A_1514 = arith.andi %bitcast3A_1501, %and3A_1513 : vector<16xi32>
        %bitcast3A_1515 = vector.bitcast %and3A_1514 : vector<16xi32> to vector<16xf32>
        %add3A_1516 = arith.addf %bitcast3A_1505, %bitcast3A_1512 : vector<16xf32>
        %add3A_1517 = arith.constant 8 : i32
        %add3A_1518 = arith.addi %add3A_136, %add3A_1517 : i32
        %swap3A_1519 = arith.index_cast %add3A_1518 : i32 to index
        %swap3A_1520 = arith.constant 32 : index
        %swap3A_1521 = tpu.vector_load %arg9[%swap3A_1519, %swap3A_1520] {strides = array<i32>} : memref<384x128xf32, #tpu.memory_space<vmem>>, vector<16xf32>,
        tpu.vector_store %arg9[%swap3A_1519, %swap3A_1520], %add3A_1516 {strides = array<i32>} : memref<384x128xf32, #tpu.memory_space<vmem>>, vector<16xf32>,
        %add3A_1522 = arith.addf %bitcast3A_1508, %bitcast3A_1515 : vector<16xf32>
        %add3A_1523 = arith.constant 8 : i32
        %add3A_1524 = arith.addi %add3A_136, %add3A_1523 : i32
        %swap3A_1525 = arith.index_cast %add3A_1524 : i32 to index
        %swap3A_1526 = arith.constant 96 : index
        %swap3A_1527 = tpu.vector_load %arg9[%swap3A_1525, %swap3A_1526] {strides = array<i32>} : memref<384x128xf32, #tpu.memory_space<vmem>>, vector<16xf32>,
        tpu.vector_store %arg9[%swap3A_1525, %swap3A_1526], %add3A_1522 {strides = array<i32>} : memref<384x128xf32, #tpu.memory_space<vmem>>, vector<16xf32>,
        %gather3A_1528 = arith.constant 48 : i32
        %gather3A_1529 = tpu.memref_slice %arg5[%gather3A_1528] : memref<65536xi32, #tpu.memory_space<vmem>> -> memref<65488xi32, #tpu.memory_space<vmem>>
        %gather3A_1530 = tpu.vector_load_idx %gather3A_1529[%add3A_1416] : memref<65488xi32, #tpu.memory_space<vmem>>[vector<16xi32>], vector<16xi32>,
        %gather3A_1531 = arith.constant 112 : i32
        %gather3A_1532 = tpu.memref_slice %arg5[%gather3A_1531] : memref<65536xi32, #tpu.memory_space<vmem>> -> memref<65424xi32, #tpu.memory_space<vmem>>
        %gather3A_1533 = tpu.vector_load_idx %gather3A_1532[%add3A_1416] : memref<65424xi32, #tpu.memory_space<vmem>>[vector<16xi32>], vector<16xi32>,
        %bitcast3A_1534 = vector.bitcast %gather3A_1377 : vector<16xi32> to vector<32xbf16>
        %bitcast3A_1535 = vector.bitcast %gather3A_1374 : vector<16xi32> to vector<32xbf16>
        %sub3A_1536 = arith.subf %bitcast3A_1534, %bitcast3A_1535 : vector<32xbf16>
        %mul3A_1537 = arith.mulf %sub3A_1536, %pack3A_1259 : vector<32xbf16>
        %bitcast3A_1538 = vector.bitcast %mul3A_1537 : vector<32xbf16> to vector<16xi32>
        %shift_left3A_1539 = arith.constant 16 : i32
        %shift_left3A_1540 = vector.broadcast %shift_left3A_1539 : i32 to vector<16xi32>
        %shift_left3A_1541 = arith.shli %gather3A_1374, %shift_left3A_1540 : vector<16xi32>
        %bitcast3A_1542 = vector.bitcast %shift_left3A_1541 : vector<16xi32> to vector<16xf32>
        %and3A_1543 = vector.broadcast %scan3A_47 : i32 to vector<16xi32>
        %and3A_1544 = arith.andi %gather3A_1374, %and3A_1543 : vector<16xi32>
        %bitcast3A_1545 = vector.bitcast %and3A_1544 : vector<16xi32> to vector<16xf32>
        %shift_left3A_1546 = arith.constant 16 : i32
        %shift_left3A_1547 = vector.broadcast %shift_left3A_1546 : i32 to vector<16xi32>
        %shift_left3A_1548 = arith.shli %bitcast3A_1538, %shift_left3A_1547 : vector<16xi32>
        %bitcast3A_1549 = vector.bitcast %shift_left3A_1548 : vector<16xi32> to vector<16xf32>
        %and3A_1550 = vector.broadcast %scan3A_47 : i32 to vector<16xi32>
        %and3A_1551 = arith.andi %bitcast3A_1538, %and3A_1550 : vector<16xi32>
        %bitcast3A_1552 = vector.bitcast %and3A_1551 : vector<16xi32> to vector<16xf32>
        %add3A_1553 = arith.addf %bitcast3A_1542, %bitcast3A_1549 : vector<16xf32>
        %add3A_1554 = arith.constant 8 : i32
        %add3A_1555 = arith.addi %add3A_136, %add3A_1554 : i32
        %swap3A_1556 = arith.index_cast %add3A_1555 : i32 to index
        %swap3A_1557 = arith.constant 48 : index
        %swap3A_1558 = tpu.vector_load %arg9[%swap3A_1556, %swap3A_1557] {strides = array<i32>} : memref<384x128xf32, #tpu.memory_space<vmem>>, vector<16xf32>,
        tpu.vector_store %arg9[%swap3A_1556, %swap3A_1557], %add3A_1553 {strides = array<i32>} : memref<384x128xf32, #tpu.memory_space<vmem>>, vector<16xf32>,
        %add3A_1559 = arith.addf %bitcast3A_1545, %bitcast3A_1552 : vector<16xf32>
        %add3A_1560 = arith.constant 8 : i32
        %add3A_1561 = arith.addi %add3A_136, %add3A_1560 : i32
        %swap3A_1562 = arith.index_cast %add3A_1561 : i32 to index
        %swap3A_1563 = arith.constant 112 : index
        %swap3A_1564 = tpu.vector_load %arg9[%swap3A_1562, %swap3A_1563] {strides = array<i32>} : memref<384x128xf32, #tpu.memory_space<vmem>>, vector<16xf32>,
        tpu.vector_store %arg9[%swap3A_1562, %swap3A_1563], %add3A_1559 {strides = array<i32>} : memref<384x128xf32, #tpu.memory_space<vmem>>, vector<16xf32>,
        %slice3A_1565 = vector.extract_strided_slice %get3A_131 {offsets = [10], sizes = [1], strides = [1]} : vector<16xi32> to vector<1xi32>
        %squeeze3A_1566 = vector.extract %slice3A_1565[0] : i32 from vector<1xi32>
        %broadcast_in_dim3A_1567 = vector.broadcast %squeeze3A_1566 : i32 to vector<16xi32>
        %slice3A_1568 = vector.extract_strided_slice %get3A_133 {offsets = [10], sizes = [1], strides = [1]} : vector<16xf32> to vector<1xf32>
        %squeeze3A_1569 = vector.extract %slice3A_1568[0] : f32 from vector<1xf32>
        %broadcast_in_dim3A_1570 = vector.broadcast %squeeze3A_1569 : f32 to vector<16xf32>
        %pack3A_1571 = tpu.pack_subelements %broadcast_in_dim3A_1570, %broadcast_in_dim3A_1570 {pack_format = #tpu.pack_format<interleaved>, positions = array<i32: 0, 1>} : vector<16xf32>, vector<16xf32> -> vector<32xbf16>
        %add3A_1572 = arith.addi %broadcast_in_dim3A_1567, %iota3A : vector<16xi32>
        %gather3A_1573 = arith.constant 0 : i32
        %gather3A_1574 = tpu.memref_slice %arg5[%gather3A_1573] : memref<65536xi32, #tpu.memory_space<vmem>> -> memref<65488xi32, #tpu.memory_space<vmem>>
        %gather3A_1575 = tpu.vector_load_idx %gather3A_1574[%add3A_1572] : memref<65488xi32, #tpu.memory_space<vmem>>[vector<16xi32>], vector<16xi32>,
        %gather3A_1576 = arith.constant 64 : i32
        %gather3A_1577 = tpu.memref_slice %arg5[%gather3A_1576] : memref<65536xi32, #tpu.memory_space<vmem>> -> memref<65424xi32, #tpu.memory_space<vmem>>
        %gather3A_1578 = tpu.vector_load_idx %gather3A_1577[%add3A_1572] : memref<65424xi32, #tpu.memory_space<vmem>>[vector<16xi32>], vector<16xi32>,
        %bitcast3A_1579 = vector.bitcast %gather3A_1422 : vector<16xi32> to vector<32xbf16>
        %bitcast3A_1580 = vector.bitcast %gather3A_1419 : vector<16xi32> to vector<32xbf16>
        %sub3A_1581 = arith.subf %bitcast3A_1579, %bitcast3A_1580 : vector<32xbf16>
        %mul3A_1582 = arith.mulf %sub3A_1581, %pack3A_1415 : vector<32xbf16>
        %bitcast3A_1583 = vector.bitcast %mul3A_1582 : vector<32xbf16> to vector<16xi32>
        %shift_left3A_1584 = arith.constant 16 : i32
        %shift_left3A_1585 = vector.broadcast %shift_left3A_1584 : i32 to vector<16xi32>
        %shift_left3A_1586 = arith.shli %gather3A_1419, %shift_left3A_1585 : vector<16xi32>
        %bitcast3A_1587 = vector.bitcast %shift_left3A_1586 : vector<16xi32> to vector<16xf32>
        %and3A_1588 = vector.broadcast %scan3A_47 : i32 to vector<16xi32>
        %and3A_1589 = arith.andi %gather3A_1419, %and3A_1588 : vector<16xi32>
        %bitcast3A_1590 = vector.bitcast %and3A_1589 : vector<16xi32> to vector<16xf32>
        %shift_left3A_1591 = arith.constant 16 : i32
        %shift_left3A_1592 = vector.broadcast %shift_left3A_1591 : i32 to vector<16xi32>
        %shift_left3A_1593 = arith.shli %bitcast3A_1583, %shift_left3A_1592 : vector<16xi32>
        %bitcast3A_1594 = vector.bitcast %shift_left3A_1593 : vector<16xi32> to vector<16xf32>
        %and3A_1595 = vector.broadcast %scan3A_47 : i32 to vector<16xi32>
        %and3A_1596 = arith.andi %bitcast3A_1583, %and3A_1595 : vector<16xi32>
        %bitcast3A_1597 = vector.bitcast %and3A_1596 : vector<16xi32> to vector<16xf32>
        %add3A_1598 = arith.addf %bitcast3A_1587, %bitcast3A_1594 : vector<16xf32>
        %add3A_1599 = arith.constant 9 : i32
        %add3A_1600 = arith.addi %add3A_136, %add3A_1599 : i32
        %swap3A_1601 = arith.index_cast %add3A_1600 : i32 to index
        %swap3A_1602 = arith.constant 0 : index
        %swap3A_1603 = tpu.vector_load %arg9[%swap3A_1601, %swap3A_1602] {strides = array<i32>} : memref<384x128xf32, #tpu.memory_space<vmem>>, vector<16xf32>,
        tpu.vector_store %arg9[%swap3A_1601, %swap3A_1602], %add3A_1598 {strides = array<i32>} : memref<384x128xf32, #tpu.memory_space<vmem>>, vector<16xf32>,
        %add3A_1604 = arith.addf %bitcast3A_1590, %bitcast3A_1597 : vector<16xf32>
        %add3A_1605 = arith.constant 9 : i32
        %add3A_1606 = arith.addi %add3A_136, %add3A_1605 : i32
        %swap3A_1607 = arith.index_cast %add3A_1606 : i32 to index
        %swap3A_1608 = arith.constant 64 : index
        %swap3A_1609 = tpu.vector_load %arg9[%swap3A_1607, %swap3A_1608] {strides = array<i32>} : memref<384x128xf32, #tpu.memory_space<vmem>>, vector<16xf32>,
        tpu.vector_store %arg9[%swap3A_1607, %swap3A_1608], %add3A_1604 {strides = array<i32>} : memref<384x128xf32, #tpu.memory_space<vmem>>, vector<16xf32>,
        %gather3A_1610 = arith.constant 16 : i32
        %gather3A_1611 = tpu.memref_slice %arg5[%gather3A_1610] : memref<65536xi32, #tpu.memory_space<vmem>> -> memref<65488xi32, #tpu.memory_space<vmem>>
        %gather3A_1612 = tpu.vector_load_idx %gather3A_1611[%add3A_1572] : memref<65488xi32, #tpu.memory_space<vmem>>[vector<16xi32>], vector<16xi32>,
        %gather3A_1613 = arith.constant 80 : i32
        %gather3A_1614 = tpu.memref_slice %arg5[%gather3A_1613] : memref<65536xi32, #tpu.memory_space<vmem>> -> memref<65424xi32, #tpu.memory_space<vmem>>
        %gather3A_1615 = tpu.vector_load_idx %gather3A_1614[%add3A_1572] : memref<65424xi32, #tpu.memory_space<vmem>>[vector<16xi32>], vector<16xi32>,
        %bitcast3A_1616 = vector.bitcast %gather3A_1459 : vector<16xi32> to vector<32xbf16>
        %bitcast3A_1617 = vector.bitcast %gather3A_1456 : vector<16xi32> to vector<32xbf16>
        %sub3A_1618 = arith.subf %bitcast3A_1616, %bitcast3A_1617 : vector<32xbf16>
        %mul3A_1619 = arith.mulf %sub3A_1618, %pack3A_1415 : vector<32xbf16>
        %bitcast3A_1620 = vector.bitcast %mul3A_1619 : vector<32xbf16> to vector<16xi32>
        %shift_left3A_1621 = arith.constant 16 : i32
        %shift_left3A_1622 = vector.broadcast %shift_left3A_1621 : i32 to vector<16xi32>
        %shift_left3A_1623 = arith.shli %gather3A_1456, %shift_left3A_1622 : vector<16xi32>
        %bitcast3A_1624 = vector.bitcast %shift_left3A_1623 : vector<16xi32> to vector<16xf32>
        %and3A_1625 = vector.broadcast %scan3A_47 : i32 to vector<16xi32>
        %and3A_1626 = arith.andi %gather3A_1456, %and3A_1625 : vector<16xi32>
        %bitcast3A_1627 = vector.bitcast %and3A_1626 : vector<16xi32> to vector<16xf32>
        %shift_left3A_1628 = arith.constant 16 : i32
        %shift_left3A_1629 = vector.broadcast %shift_left3A_1628 : i32 to vector<16xi32>
        %shift_left3A_1630 = arith.shli %bitcast3A_1620, %shift_left3A_1629 : vector<16xi32>
        %bitcast3A_1631 = vector.bitcast %shift_left3A_1630 : vector<16xi32> to vector<16xf32>
        %and3A_1632 = vector.broadcast %scan3A_47 : i32 to vector<16xi32>
        %and3A_1633 = arith.andi %bitcast3A_1620, %and3A_1632 : vector<16xi32>
        %bitcast3A_1634 = vector.bitcast %and3A_1633 : vector<16xi32> to vector<16xf32>
        %add3A_1635 = arith.addf %bitcast3A_1624, %bitcast3A_1631 : vector<16xf32>
        %add3A_1636 = arith.constant 9 : i32
        %add3A_1637 = arith.addi %add3A_136, %add3A_1636 : i32
        %swap3A_1638 = arith.index_cast %add3A_1637 : i32 to index
        %swap3A_1639 = arith.constant 16 : index
        %swap3A_1640 = tpu.vector_load %arg9[%swap3A_1638, %swap3A_1639] {strides = array<i32>} : memref<384x128xf32, #tpu.memory_space<vmem>>, vector<16xf32>,
        tpu.vector_store %arg9[%swap3A_1638, %swap3A_1639], %add3A_1635 {strides = array<i32>} : memref<384x128xf32, #tpu.memory_space<vmem>>, vector<16xf32>,
        %add3A_1641 = arith.addf %bitcast3A_1627, %bitcast3A_1634 : vector<16xf32>
        %add3A_1642 = arith.constant 9 : i32
        %add3A_1643 = arith.addi %add3A_136, %add3A_1642 : i32
        %swap3A_1644 = arith.index_cast %add3A_1643 : i32 to index
        %swap3A_1645 = arith.constant 80 : index
        %swap3A_1646 = tpu.vector_load %arg9[%swap3A_1644, %swap3A_1645] {strides = array<i32>} : memref<384x128xf32, #tpu.memory_space<vmem>>, vector<16xf32>,
        tpu.vector_store %arg9[%swap3A_1644, %swap3A_1645], %add3A_1641 {strides = array<i32>} : memref<384x128xf32, #tpu.memory_space<vmem>>, vector<16xf32>,
        %gather3A_1647 = arith.constant 32 : i32
        %gather3A_1648 = tpu.memref_slice %arg5[%gather3A_1647] : memref<65536xi32, #tpu.memory_space<vmem>> -> memref<65488xi32, #tpu.memory_space<vmem>>
        %gather3A_1649 = tpu.vector_load_idx %gather3A_1648[%add3A_1572] : memref<65488xi32, #tpu.memory_space<vmem>>[vector<16xi32>], vector<16xi32>,
        %gather3A_1650 = arith.constant 96 : i32
        %gather3A_1651 = tpu.memref_slice %arg5[%gather3A_1650] : memref<65536xi32, #tpu.memory_space<vmem>> -> memref<65424xi32, #tpu.memory_space<vmem>>
        %gather3A_1652 = tpu.vector_load_idx %gather3A_1651[%add3A_1572] : memref<65424xi32, #tpu.memory_space<vmem>>[vector<16xi32>], vector<16xi32>,
        %bitcast3A_1653 = vector.bitcast %gather3A_1496 : vector<16xi32> to vector<32xbf16>
        %bitcast3A_1654 = vector.bitcast %gather3A_1493 : vector<16xi32> to vector<32xbf16>
        %sub3A_1655 = arith.subf %bitcast3A_1653, %bitcast3A_1654 : vector<32xbf16>
        %mul3A_1656 = arith.mulf %sub3A_1655, %pack3A_1415 : vector<32xbf16>
        %bitcast3A_1657 = vector.bitcast %mul3A_1656 : vector<32xbf16> to vector<16xi32>
        %shift_left3A_1658 = arith.constant 16 : i32
        %shift_left3A_1659 = vector.broadcast %shift_left3A_1658 : i32 to vector<16xi32>
        %shift_left3A_1660 = arith.shli %gather3A_1493, %shift_left3A_1659 : vector<16xi32>
        %bitcast3A_1661 = vector.bitcast %shift_left3A_1660 : vector<16xi32> to vector<16xf32>
        %and3A_1662 = vector.broadcast %scan3A_47 : i32 to vector<16xi32>
        %and3A_1663 = arith.andi %gather3A_1493, %and3A_1662 : vector<16xi32>
        %bitcast3A_1664 = vector.bitcast %and3A_1663 : vector<16xi32> to vector<16xf32>
        %shift_left3A_1665 = arith.constant 16 : i32
        %shift_left3A_1666 = vector.broadcast %shift_left3A_1665 : i32 to vector<16xi32>
        %shift_left3A_1667 = arith.shli %bitcast3A_1657, %shift_left3A_1666 : vector<16xi32>
        %bitcast3A_1668 = vector.bitcast %shift_left3A_1667 : vector<16xi32> to vector<16xf32>
        %and3A_1669 = vector.broadcast %scan3A_47 : i32 to vector<16xi32>
        %and3A_1670 = arith.andi %bitcast3A_1657, %and3A_1669 : vector<16xi32>
        %bitcast3A_1671 = vector.bitcast %and3A_1670 : vector<16xi32> to vector<16xf32>
        %add3A_1672 = arith.addf %bitcast3A_1661, %bitcast3A_1668 : vector<16xf32>
        %add3A_1673 = arith.constant 9 : i32
        %add3A_1674 = arith.addi %add3A_136, %add3A_1673 : i32
        %swap3A_1675 = arith.index_cast %add3A_1674 : i32 to index
        %swap3A_1676 = arith.constant 32 : index
        %swap3A_1677 = tpu.vector_load %arg9[%swap3A_1675, %swap3A_1676] {strides = array<i32>} : memref<384x128xf32, #tpu.memory_space<vmem>>, vector<16xf32>,
        tpu.vector_store %arg9[%swap3A_1675, %swap3A_1676], %add3A_1672 {strides = array<i32>} : memref<384x128xf32, #tpu.memory_space<vmem>>, vector<16xf32>,
        %add3A_1678 = arith.addf %bitcast3A_1664, %bitcast3A_1671 : vector<16xf32>
        %add3A_1679 = arith.constant 9 : i32
        %add3A_1680 = arith.addi %add3A_136, %add3A_1679 : i32
        %swap3A_1681 = arith.index_cast %add3A_1680 : i32 to index
        %swap3A_1682 = arith.constant 96 : index
        %swap3A_1683 = tpu.vector_load %arg9[%swap3A_1681, %swap3A_1682] {strides = array<i32>} : memref<384x128xf32, #tpu.memory_space<vmem>>, vector<16xf32>,
        tpu.vector_store %arg9[%swap3A_1681, %swap3A_1682], %add3A_1678 {strides = array<i32>} : memref<384x128xf32, #tpu.memory_space<vmem>>, vector<16xf32>,
        %gather3A_1684 = arith.constant 48 : i32
        %gather3A_1685 = tpu.memref_slice %arg5[%gather3A_1684] : memref<65536xi32, #tpu.memory_space<vmem>> -> memref<65488xi32, #tpu.memory_space<vmem>>
        %gather3A_1686 = tpu.vector_load_idx %gather3A_1685[%add3A_1572] : memref<65488xi32, #tpu.memory_space<vmem>>[vector<16xi32>], vector<16xi32>,
        %gather3A_1687 = arith.constant 112 : i32
        %gather3A_1688 = tpu.memref_slice %arg5[%gather3A_1687] : memref<65536xi32, #tpu.memory_space<vmem>> -> memref<65424xi32, #tpu.memory_space<vmem>>
        %gather3A_1689 = tpu.vector_load_idx %gather3A_1688[%add3A_1572] : memref<65424xi32, #tpu.memory_space<vmem>>[vector<16xi32>], vector<16xi32>,
        %bitcast3A_1690 = vector.bitcast %gather3A_1533 : vector<16xi32> to vector<32xbf16>
        %bitcast3A_1691 = vector.bitcast %gather3A_1530 : vector<16xi32> to vector<32xbf16>
        %sub3A_1692 = arith.subf %bitcast3A_1690, %bitcast3A_1691 : vector<32xbf16>
        %mul3A_1693 = arith.mulf %sub3A_1692, %pack3A_1415 : vector<32xbf16>
        %bitcast3A_1694 = vector.bitcast %mul3A_1693 : vector<32xbf16> to vector<16xi32>
        %shift_left3A_1695 = arith.constant 16 : i32
        %shift_left3A_1696 = vector.broadcast %shift_left3A_1695 : i32 to vector<16xi32>
        %shift_left3A_1697 = arith.shli %gather3A_1530, %shift_left3A_1696 : vector<16xi32>
        %bitcast3A_1698 = vector.bitcast %shift_left3A_1697 : vector<16xi32> to vector<16xf32>
        %and3A_1699 = vector.broadcast %scan3A_47 : i32 to vector<16xi32>
        %and3A_1700 = arith.andi %gather3A_1530, %and3A_1699 : vector<16xi32>
        %bitcast3A_1701 = vector.bitcast %and3A_1700 : vector<16xi32> to vector<16xf32>
        %shift_left3A_1702 = arith.constant 16 : i32
        %shift_left3A_1703 = vector.broadcast %shift_left3A_1702 : i32 to vector<16xi32>
        %shift_left3A_1704 = arith.shli %bitcast3A_1694, %shift_left3A_1703 : vector<16xi32>
        %bitcast3A_1705 = vector.bitcast %shift_left3A_1704 : vector<16xi32> to vector<16xf32>
        %and3A_1706 = vector.broadcast %scan3A_47 : i32 to vector<16xi32>
        %and3A_1707 = arith.andi %bitcast3A_1694, %and3A_1706 : vector<16xi32>
        %bitcast3A_1708 = vector.bitcast %and3A_1707 : vector<16xi32> to vector<16xf32>
        %add3A_1709 = arith.addf %bitcast3A_1698, %bitcast3A_1705 : vector<16xf32>
        %add3A_1710 = arith.constant 9 : i32
        %add3A_1711 = arith.addi %add3A_136, %add3A_1710 : i32
        %swap3A_1712 = arith.index_cast %add3A_1711 : i32 to index
        %swap3A_1713 = arith.constant 48 : index
        %swap3A_1714 = tpu.vector_load %arg9[%swap3A_1712, %swap3A_1713] {strides = array<i32>} : memref<384x128xf32, #tpu.memory_space<vmem>>, vector<16xf32>,
        tpu.vector_store %arg9[%swap3A_1712, %swap3A_1713], %add3A_1709 {strides = array<i32>} : memref<384x128xf32, #tpu.memory_space<vmem>>, vector<16xf32>,
        %add3A_1715 = arith.addf %bitcast3A_1701, %bitcast3A_1708 : vector<16xf32>
        %add3A_1716 = arith.constant 9 : i32
        %add3A_1717 = arith.addi %add3A_136, %add3A_1716 : i32
        %swap3A_1718 = arith.index_cast %add3A_1717 : i32 to index
        %swap3A_1719 = arith.constant 112 : index
        %swap3A_1720 = tpu.vector_load %arg9[%swap3A_1718, %swap3A_1719] {strides = array<i32>} : memref<384x128xf32, #tpu.memory_space<vmem>>, vector<16xf32>,
        tpu.vector_store %arg9[%swap3A_1718, %swap3A_1719], %add3A_1715 {strides = array<i32>} : memref<384x128xf32, #tpu.memory_space<vmem>>, vector<16xf32>,
        %slice3A_1721 = vector.extract_strided_slice %get3A_131 {offsets = [11], sizes = [1], strides = [1]} : vector<16xi32> to vector<1xi32>
        %squeeze3A_1722 = vector.extract %slice3A_1721[0] : i32 from vector<1xi32>
        %broadcast_in_dim3A_1723 = vector.broadcast %squeeze3A_1722 : i32 to vector<16xi32>
        %slice3A_1724 = vector.extract_strided_slice %get3A_133 {offsets = [11], sizes = [1], strides = [1]} : vector<16xf32> to vector<1xf32>
        %squeeze3A_1725 = vector.extract %slice3A_1724[0] : f32 from vector<1xf32>
        %broadcast_in_dim3A_1726 = vector.broadcast %squeeze3A_1725 : f32 to vector<16xf32>
        %pack3A_1727 = tpu.pack_subelements %broadcast_in_dim3A_1726, %broadcast_in_dim3A_1726 {pack_format = #tpu.pack_format<interleaved>, positions = array<i32: 0, 1>} : vector<16xf32>, vector<16xf32> -> vector<32xbf16>
        %add3A_1728 = arith.addi %broadcast_in_dim3A_1723, %iota3A : vector<16xi32>
        %gather3A_1729 = arith.constant 0 : i32
        %gather3A_1730 = tpu.memref_slice %arg5[%gather3A_1729] : memref<65536xi32, #tpu.memory_space<vmem>> -> memref<65488xi32, #tpu.memory_space<vmem>>
        %gather3A_1731 = tpu.vector_load_idx %gather3A_1730[%add3A_1728] : memref<65488xi32, #tpu.memory_space<vmem>>[vector<16xi32>], vector<16xi32>,
        %gather3A_1732 = arith.constant 64 : i32
        %gather3A_1733 = tpu.memref_slice %arg5[%gather3A_1732] : memref<65536xi32, #tpu.memory_space<vmem>> -> memref<65424xi32, #tpu.memory_space<vmem>>
        %gather3A_1734 = tpu.vector_load_idx %gather3A_1733[%add3A_1728] : memref<65424xi32, #tpu.memory_space<vmem>>[vector<16xi32>], vector<16xi32>,
        %bitcast3A_1735 = vector.bitcast %gather3A_1578 : vector<16xi32> to vector<32xbf16>
        %bitcast3A_1736 = vector.bitcast %gather3A_1575 : vector<16xi32> to vector<32xbf16>
        %sub3A_1737 = arith.subf %bitcast3A_1735, %bitcast3A_1736 : vector<32xbf16>
        %mul3A_1738 = arith.mulf %sub3A_1737, %pack3A_1571 : vector<32xbf16>
        %bitcast3A_1739 = vector.bitcast %mul3A_1738 : vector<32xbf16> to vector<16xi32>
        %shift_left3A_1740 = arith.constant 16 : i32
        %shift_left3A_1741 = vector.broadcast %shift_left3A_1740 : i32 to vector<16xi32>
        %shift_left3A_1742 = arith.shli %gather3A_1575, %shift_left3A_1741 : vector<16xi32>
        %bitcast3A_1743 = vector.bitcast %shift_left3A_1742 : vector<16xi32> to vector<16xf32>
        %and3A_1744 = vector.broadcast %scan3A_47 : i32 to vector<16xi32>
        %and3A_1745 = arith.andi %gather3A_1575, %and3A_1744 : vector<16xi32>
        %bitcast3A_1746 = vector.bitcast %and3A_1745 : vector<16xi32> to vector<16xf32>
        %shift_left3A_1747 = arith.constant 16 : i32
        %shift_left3A_1748 = vector.broadcast %shift_left3A_1747 : i32 to vector<16xi32>
        %shift_left3A_1749 = arith.shli %bitcast3A_1739, %shift_left3A_1748 : vector<16xi32>
        %bitcast3A_1750 = vector.bitcast %shift_left3A_1749 : vector<16xi32> to vector<16xf32>
        %and3A_1751 = vector.broadcast %scan3A_47 : i32 to vector<16xi32>
        %and3A_1752 = arith.andi %bitcast3A_1739, %and3A_1751 : vector<16xi32>
        %bitcast3A_1753 = vector.bitcast %and3A_1752 : vector<16xi32> to vector<16xf32>
        %add3A_1754 = arith.addf %bitcast3A_1743, %bitcast3A_1750 : vector<16xf32>
        %add3A_1755 = arith.constant 10 : i32
        %add3A_1756 = arith.addi %add3A_136, %add3A_1755 : i32
        %swap3A_1757 = arith.index_cast %add3A_1756 : i32 to index
        %swap3A_1758 = arith.constant 0 : index
        %swap3A_1759 = tpu.vector_load %arg9[%swap3A_1757, %swap3A_1758] {strides = array<i32>} : memref<384x128xf32, #tpu.memory_space<vmem>>, vector<16xf32>,
        tpu.vector_store %arg9[%swap3A_1757, %swap3A_1758], %add3A_1754 {strides = array<i32>} : memref<384x128xf32, #tpu.memory_space<vmem>>, vector<16xf32>,
        %add3A_1760 = arith.addf %bitcast3A_1746, %bitcast3A_1753 : vector<16xf32>
        %add3A_1761 = arith.constant 10 : i32
        %add3A_1762 = arith.addi %add3A_136, %add3A_1761 : i32
        %swap3A_1763 = arith.index_cast %add3A_1762 : i32 to index
        %swap3A_1764 = arith.constant 64 : index
        %swap3A_1765 = tpu.vector_load %arg9[%swap3A_1763, %swap3A_1764] {strides = array<i32>} : memref<384x128xf32, #tpu.memory_space<vmem>>, vector<16xf32>,
        tpu.vector_store %arg9[%swap3A_1763, %swap3A_1764], %add3A_1760 {strides = array<i32>} : memref<384x128xf32, #tpu.memory_space<vmem>>, vector<16xf32>,
        %gather3A_1766 = arith.constant 16 : i32
        %gather3A_1767 = tpu.memref_slice %arg5[%gather3A_1766] : memref<65536xi32, #tpu.memory_space<vmem>> -> memref<65488xi32, #tpu.memory_space<vmem>>
        %gather3A_1768 = tpu.vector_load_idx %gather3A_1767[%add3A_1728] : memref<65488xi32, #tpu.memory_space<vmem>>[vector<16xi32>], vector<16xi32>,
        %gather3A_1769 = arith.constant 80 : i32
        %gather3A_1770 = tpu.memref_slice %arg5[%gather3A_1769] : memref<65536xi32, #tpu.memory_space<vmem>> -> memref<65424xi32, #tpu.memory_space<vmem>>
        %gather3A_1771 = tpu.vector_load_idx %gather3A_1770[%add3A_1728] : memref<65424xi32, #tpu.memory_space<vmem>>[vector<16xi32>], vector<16xi32>,
        %bitcast3A_1772 = vector.bitcast %gather3A_1615 : vector<16xi32> to vector<32xbf16>
        %bitcast3A_1773 = vector.bitcast %gather3A_1612 : vector<16xi32> to vector<32xbf16>
        %sub3A_1774 = arith.subf %bitcast3A_1772, %bitcast3A_1773 : vector<32xbf16>
        %mul3A_1775 = arith.mulf %sub3A_1774, %pack3A_1571 : vector<32xbf16>
        %bitcast3A_1776 = vector.bitcast %mul3A_1775 : vector<32xbf16> to vector<16xi32>
        %shift_left3A_1777 = arith.constant 16 : i32
        %shift_left3A_1778 = vector.broadcast %shift_left3A_1777 : i32 to vector<16xi32>
        %shift_left3A_1779 = arith.shli %gather3A_1612, %shift_left3A_1778 : vector<16xi32>
        %bitcast3A_1780 = vector.bitcast %shift_left3A_1779 : vector<16xi32> to vector<16xf32>
        %and3A_1781 = vector.broadcast %scan3A_47 : i32 to vector<16xi32>
        %and3A_1782 = arith.andi %gather3A_1612, %and3A_1781 : vector<16xi32>
        %bitcast3A_1783 = vector.bitcast %and3A_1782 : vector<16xi32> to vector<16xf32>
        %shift_left3A_1784 = arith.constant 16 : i32
        %shift_left3A_1785 = vector.broadcast %shift_left3A_1784 : i32 to vector<16xi32>
        %shift_left3A_1786 = arith.shli %bitcast3A_1776, %shift_left3A_1785 : vector<16xi32>
        %bitcast3A_1787 = vector.bitcast %shift_left3A_1786 : vector<16xi32> to vector<16xf32>
        %and3A_1788 = vector.broadcast %scan3A_47 : i32 to vector<16xi32>
        %and3A_1789 = arith.andi %bitcast3A_1776, %and3A_1788 : vector<16xi32>
        %bitcast3A_1790 = vector.bitcast %and3A_1789 : vector<16xi32> to vector<16xf32>
        %add3A_1791 = arith.addf %bitcast3A_1780, %bitcast3A_1787 : vector<16xf32>
        %add3A_1792 = arith.constant 10 : i32
        %add3A_1793 = arith.addi %add3A_136, %add3A_1792 : i32
        %swap3A_1794 = arith.index_cast %add3A_1793 : i32 to index
        %swap3A_1795 = arith.constant 16 : index
        %swap3A_1796 = tpu.vector_load %arg9[%swap3A_1794, %swap3A_1795] {strides = array<i32>} : memref<384x128xf32, #tpu.memory_space<vmem>>, vector<16xf32>,
        tpu.vector_store %arg9[%swap3A_1794, %swap3A_1795], %add3A_1791 {strides = array<i32>} : memref<384x128xf32, #tpu.memory_space<vmem>>, vector<16xf32>,
        %add3A_1797 = arith.addf %bitcast3A_1783, %bitcast3A_1790 : vector<16xf32>
        %add3A_1798 = arith.constant 10 : i32
        %add3A_1799 = arith.addi %add3A_136, %add3A_1798 : i32
        %swap3A_1800 = arith.index_cast %add3A_1799 : i32 to index
        %swap3A_1801 = arith.constant 80 : index
        %swap3A_1802 = tpu.vector_load %arg9[%swap3A_1800, %swap3A_1801] {strides = array<i32>} : memref<384x128xf32, #tpu.memory_space<vmem>>, vector<16xf32>,
        tpu.vector_store %arg9[%swap3A_1800, %swap3A_1801], %add3A_1797 {strides = array<i32>} : memref<384x128xf32, #tpu.memory_space<vmem>>, vector<16xf32>,
        %gather3A_1803 = arith.constant 32 : i32
        %gather3A_1804 = tpu.memref_slice %arg5[%gather3A_1803] : memref<65536xi32, #tpu.memory_space<vmem>> -> memref<65488xi32, #tpu.memory_space<vmem>>
        %gather3A_1805 = tpu.vector_load_idx %gather3A_1804[%add3A_1728] : memref<65488xi32, #tpu.memory_space<vmem>>[vector<16xi32>], vector<16xi32>,
        %gather3A_1806 = arith.constant 96 : i32
        %gather3A_1807 = tpu.memref_slice %arg5[%gather3A_1806] : memref<65536xi32, #tpu.memory_space<vmem>> -> memref<65424xi32, #tpu.memory_space<vmem>>
        %gather3A_1808 = tpu.vector_load_idx %gather3A_1807[%add3A_1728] : memref<65424xi32, #tpu.memory_space<vmem>>[vector<16xi32>], vector<16xi32>,
        %bitcast3A_1809 = vector.bitcast %gather3A_1652 : vector<16xi32> to vector<32xbf16>
        %bitcast3A_1810 = vector.bitcast %gather3A_1649 : vector<16xi32> to vector<32xbf16>
        %sub3A_1811 = arith.subf %bitcast3A_1809, %bitcast3A_1810 : vector<32xbf16>
        %mul3A_1812 = arith.mulf %sub3A_1811, %pack3A_1571 : vector<32xbf16>
        %bitcast3A_1813 = vector.bitcast %mul3A_1812 : vector<32xbf16> to vector<16xi32>
        %shift_left3A_1814 = arith.constant 16 : i32
        %shift_left3A_1815 = vector.broadcast %shift_left3A_1814 : i32 to vector<16xi32>
        %shift_left3A_1816 = arith.shli %gather3A_1649, %shift_left3A_1815 : vector<16xi32>
        %bitcast3A_1817 = vector.bitcast %shift_left3A_1816 : vector<16xi32> to vector<16xf32>
        %and3A_1818 = vector.broadcast %scan3A_47 : i32 to vector<16xi32>
        %and3A_1819 = arith.andi %gather3A_1649, %and3A_1818 : vector<16xi32>
        %bitcast3A_1820 = vector.bitcast %and3A_1819 : vector<16xi32> to vector<16xf32>
        %shift_left3A_1821 = arith.constant 16 : i32
        %shift_left3A_1822 = vector.broadcast %shift_left3A_1821 : i32 to vector<16xi32>
        %shift_left3A_1823 = arith.shli %bitcast3A_1813, %shift_left3A_1822 : vector<16xi32>
        %bitcast3A_1824 = vector.bitcast %shift_left3A_1823 : vector<16xi32> to vector<16xf32>
        %and3A_1825 = vector.broadcast %scan3A_47 : i32 to vector<16xi32>
        %and3A_1826 = arith.andi %bitcast3A_1813, %and3A_1825 : vector<16xi32>
        %bitcast3A_1827 = vector.bitcast %and3A_1826 : vector<16xi32> to vector<16xf32>
        %add3A_1828 = arith.addf %bitcast3A_1817, %bitcast3A_1824 : vector<16xf32>
        %add3A_1829 = arith.constant 10 : i32
        %add3A_1830 = arith.addi %add3A_136, %add3A_1829 : i32
        %swap3A_1831 = arith.index_cast %add3A_1830 : i32 to index
        %swap3A_1832 = arith.constant 32 : index
        %swap3A_1833 = tpu.vector_load %arg9[%swap3A_1831, %swap3A_1832] {strides = array<i32>} : memref<384x128xf32, #tpu.memory_space<vmem>>, vector<16xf32>,
        tpu.vector_store %arg9[%swap3A_1831, %swap3A_1832], %add3A_1828 {strides = array<i32>} : memref<384x128xf32, #tpu.memory_space<vmem>>, vector<16xf32>,
        %add3A_1834 = arith.addf %bitcast3A_1820, %bitcast3A_1827 : vector<16xf32>
        %add3A_1835 = arith.constant 10 : i32
        %add3A_1836 = arith.addi %add3A_136, %add3A_1835 : i32
        %swap3A_1837 = arith.index_cast %add3A_1836 : i32 to index
        %swap3A_1838 = arith.constant 96 : index
        %swap3A_1839 = tpu.vector_load %arg9[%swap3A_1837, %swap3A_1838] {strides = array<i32>} : memref<384x128xf32, #tpu.memory_space<vmem>>, vector<16xf32>,
        tpu.vector_store %arg9[%swap3A_1837, %swap3A_1838], %add3A_1834 {strides = array<i32>} : memref<384x128xf32, #tpu.memory_space<vmem>>, vector<16xf32>,
        %gather3A_1840 = arith.constant 48 : i32
        %gather3A_1841 = tpu.memref_slice %arg5[%gather3A_1840] : memref<65536xi32, #tpu.memory_space<vmem>> -> memref<65488xi32, #tpu.memory_space<vmem>>
        %gather3A_1842 = tpu.vector_load_idx %gather3A_1841[%add3A_1728] : memref<65488xi32, #tpu.memory_space<vmem>>[vector<16xi32>], vector<16xi32>,
        %gather3A_1843 = arith.constant 112 : i32
        %gather3A_1844 = tpu.memref_slice %arg5[%gather3A_1843] : memref<65536xi32, #tpu.memory_space<vmem>> -> memref<65424xi32, #tpu.memory_space<vmem>>
        %gather3A_1845 = tpu.vector_load_idx %gather3A_1844[%add3A_1728] : memref<65424xi32, #tpu.memory_space<vmem>>[vector<16xi32>], vector<16xi32>,
        %bitcast3A_1846 = vector.bitcast %gather3A_1689 : vector<16xi32> to vector<32xbf16>
        %bitcast3A_1847 = vector.bitcast %gather3A_1686 : vector<16xi32> to vector<32xbf16>
        %sub3A_1848 = arith.subf %bitcast3A_1846, %bitcast3A_1847 : vector<32xbf16>
        %mul3A_1849 = arith.mulf %sub3A_1848, %pack3A_1571 : vector<32xbf16>
        %bitcast3A_1850 = vector.bitcast %mul3A_1849 : vector<32xbf16> to vector<16xi32>
        %shift_left3A_1851 = arith.constant 16 : i32
        %shift_left3A_1852 = vector.broadcast %shift_left3A_1851 : i32 to vector<16xi32>
        %shift_left3A_1853 = arith.shli %gather3A_1686, %shift_left3A_1852 : vector<16xi32>
        %bitcast3A_1854 = vector.bitcast %shift_left3A_1853 : vector<16xi32> to vector<16xf32>
        %and3A_1855 = vector.broadcast %scan3A_47 : i32 to vector<16xi32>
        %and3A_1856 = arith.andi %gather3A_1686, %and3A_1855 : vector<16xi32>
        %bitcast3A_1857 = vector.bitcast %and3A_1856 : vector<16xi32> to vector<16xf32>
        %shift_left3A_1858 = arith.constant 16 : i32
        %shift_left3A_1859 = vector.broadcast %shift_left3A_1858 : i32 to vector<16xi32>
        %shift_left3A_1860 = arith.shli %bitcast3A_1850, %shift_left3A_1859 : vector<16xi32>
        %bitcast3A_1861 = vector.bitcast %shift_left3A_1860 : vector<16xi32> to vector<16xf32>
        %and3A_1862 = vector.broadcast %scan3A_47 : i32 to vector<16xi32>
        %and3A_1863 = arith.andi %bitcast3A_1850, %and3A_1862 : vector<16xi32>
        %bitcast3A_1864 = vector.bitcast %and3A_1863 : vector<16xi32> to vector<16xf32>
        %add3A_1865 = arith.addf %bitcast3A_1854, %bitcast3A_1861 : vector<16xf32>
        %add3A_1866 = arith.constant 10 : i32
        %add3A_1867 = arith.addi %add3A_136, %add3A_1866 : i32
        %swap3A_1868 = arith.index_cast %add3A_1867 : i32 to index
        %swap3A_1869 = arith.constant 48 : index
        %swap3A_1870 = tpu.vector_load %arg9[%swap3A_1868, %swap3A_1869] {strides = array<i32>} : memref<384x128xf32, #tpu.memory_space<vmem>>, vector<16xf32>,
        tpu.vector_store %arg9[%swap3A_1868, %swap3A_1869], %add3A_1865 {strides = array<i32>} : memref<384x128xf32, #tpu.memory_space<vmem>>, vector<16xf32>,
        %add3A_1871 = arith.addf %bitcast3A_1857, %bitcast3A_1864 : vector<16xf32>
        %add3A_1872 = arith.constant 10 : i32
        %add3A_1873 = arith.addi %add3A_136, %add3A_1872 : i32
        %swap3A_1874 = arith.index_cast %add3A_1873 : i32 to index
        %swap3A_1875 = arith.constant 112 : index
        %swap3A_1876 = tpu.vector_load %arg9[%swap3A_1874, %swap3A_1875] {strides = array<i32>} : memref<384x128xf32, #tpu.memory_space<vmem>>, vector<16xf32>,
        tpu.vector_store %arg9[%swap3A_1874, %swap3A_1875], %add3A_1871 {strides = array<i32>} : memref<384x128xf32, #tpu.memory_space<vmem>>, vector<16xf32>,
        %slice3A_1877 = vector.extract_strided_slice %get3A_131 {offsets = [12], sizes = [1], strides = [1]} : vector<16xi32> to vector<1xi32>
        %squeeze3A_1878 = vector.extract %slice3A_1877[0] : i32 from vector<1xi32>
        %broadcast_in_dim3A_1879 = vector.broadcast %squeeze3A_1878 : i32 to vector<16xi32>
        %slice3A_1880 = vector.extract_strided_slice %get3A_133 {offsets = [12], sizes = [1], strides = [1]} : vector<16xf32> to vector<1xf32>
        %squeeze3A_1881 = vector.extract %slice3A_1880[0] : f32 from vector<1xf32>
        %broadcast_in_dim3A_1882 = vector.broadcast %squeeze3A_1881 : f32 to vector<16xf32>
        %pack3A_1883 = tpu.pack_subelements %broadcast_in_dim3A_1882, %broadcast_in_dim3A_1882 {pack_format = #tpu.pack_format<interleaved>, positions = array<i32: 0, 1>} : vector<16xf32>, vector<16xf32> -> vector<32xbf16>
        %add3A_1884 = arith.addi %broadcast_in_dim3A_1879, %iota3A : vector<16xi32>
        %gather3A_1885 = arith.constant 0 : i32
        %gather3A_1886 = tpu.memref_slice %arg5[%gather3A_1885] : memref<65536xi32, #tpu.memory_space<vmem>> -> memref<65488xi32, #tpu.memory_space<vmem>>
        %gather3A_1887 = tpu.vector_load_idx %gather3A_1886[%add3A_1884] : memref<65488xi32, #tpu.memory_space<vmem>>[vector<16xi32>], vector<16xi32>,
        %gather3A_1888 = arith.constant 64 : i32
        %gather3A_1889 = tpu.memref_slice %arg5[%gather3A_1888] : memref<65536xi32, #tpu.memory_space<vmem>> -> memref<65424xi32, #tpu.memory_space<vmem>>
        %gather3A_1890 = tpu.vector_load_idx %gather3A_1889[%add3A_1884] : memref<65424xi32, #tpu.memory_space<vmem>>[vector<16xi32>], vector<16xi32>,
        %bitcast3A_1891 = vector.bitcast %gather3A_1734 : vector<16xi32> to vector<32xbf16>
        %bitcast3A_1892 = vector.bitcast %gather3A_1731 : vector<16xi32> to vector<32xbf16>
        %sub3A_1893 = arith.subf %bitcast3A_1891, %bitcast3A_1892 : vector<32xbf16>
        %mul3A_1894 = arith.mulf %sub3A_1893, %pack3A_1727 : vector<32xbf16>
        %bitcast3A_1895 = vector.bitcast %mul3A_1894 : vector<32xbf16> to vector<16xi32>
        %shift_left3A_1896 = arith.constant 16 : i32
        %shift_left3A_1897 = vector.broadcast %shift_left3A_1896 : i32 to vector<16xi32>
        %shift_left3A_1898 = arith.shli %gather3A_1731, %shift_left3A_1897 : vector<16xi32>
        %bitcast3A_1899 = vector.bitcast %shift_left3A_1898 : vector<16xi32> to vector<16xf32>
        %and3A_1900 = vector.broadcast %scan3A_47 : i32 to vector<16xi32>
        %and3A_1901 = arith.andi %gather3A_1731, %and3A_1900 : vector<16xi32>
        %bitcast3A_1902 = vector.bitcast %and3A_1901 : vector<16xi32> to vector<16xf32>
        %shift_left3A_1903 = arith.constant 16 : i32
        %shift_left3A_1904 = vector.broadcast %shift_left3A_1903 : i32 to vector<16xi32>
        %shift_left3A_1905 = arith.shli %bitcast3A_1895, %shift_left3A_1904 : vector<16xi32>
        %bitcast3A_1906 = vector.bitcast %shift_left3A_1905 : vector<16xi32> to vector<16xf32>
        %and3A_1907 = vector.broadcast %scan3A_47 : i32 to vector<16xi32>
        %and3A_1908 = arith.andi %bitcast3A_1895, %and3A_1907 : vector<16xi32>
        %bitcast3A_1909 = vector.bitcast %and3A_1908 : vector<16xi32> to vector<16xf32>
        %add3A_1910 = arith.addf %bitcast3A_1899, %bitcast3A_1906 : vector<16xf32>
        %add3A_1911 = arith.constant 11 : i32
        %add3A_1912 = arith.addi %add3A_136, %add3A_1911 : i32
        %swap3A_1913 = arith.index_cast %add3A_1912 : i32 to index
        %swap3A_1914 = arith.constant 0 : index
        %swap3A_1915 = tpu.vector_load %arg9[%swap3A_1913, %swap3A_1914] {strides = array<i32>} : memref<384x128xf32, #tpu.memory_space<vmem>>, vector<16xf32>,
        tpu.vector_store %arg9[%swap3A_1913, %swap3A_1914], %add3A_1910 {strides = array<i32>} : memref<384x128xf32, #tpu.memory_space<vmem>>, vector<16xf32>,
        %add3A_1916 = arith.addf %bitcast3A_1902, %bitcast3A_1909 : vector<16xf32>
        %add3A_1917 = arith.constant 11 : i32
        %add3A_1918 = arith.addi %add3A_136, %add3A_1917 : i32
        %swap3A_1919 = arith.index_cast %add3A_1918 : i32 to index
        %swap3A_1920 = arith.constant 64 : index
        %swap3A_1921 = tpu.vector_load %arg9[%swap3A_1919, %swap3A_1920] {strides = array<i32>} : memref<384x128xf32, #tpu.memory_space<vmem>>, vector<16xf32>,
        tpu.vector_store %arg9[%swap3A_1919, %swap3A_1920], %add3A_1916 {strides = array<i32>} : memref<384x128xf32, #tpu.memory_space<vmem>>, vector<16xf32>,
        %gather3A_1922 = arith.constant 16 : i32
        %gather3A_1923 = tpu.memref_slice %arg5[%gather3A_1922] : memref<65536xi32, #tpu.memory_space<vmem>> -> memref<65488xi32, #tpu.memory_space<vmem>>
        %gather3A_1924 = tpu.vector_load_idx %gather3A_1923[%add3A_1884] : memref<65488xi32, #tpu.memory_space<vmem>>[vector<16xi32>], vector<16xi32>,
        %gather3A_1925 = arith.constant 80 : i32
        %gather3A_1926 = tpu.memref_slice %arg5[%gather3A_1925] : memref<65536xi32, #tpu.memory_space<vmem>> -> memref<65424xi32, #tpu.memory_space<vmem>>
        %gather3A_1927 = tpu.vector_load_idx %gather3A_1926[%add3A_1884] : memref<65424xi32, #tpu.memory_space<vmem>>[vector<16xi32>], vector<16xi32>,
        %bitcast3A_1928 = vector.bitcast %gather3A_1771 : vector<16xi32> to vector<32xbf16>
        %bitcast3A_1929 = vector.bitcast %gather3A_1768 : vector<16xi32> to vector<32xbf16>
        %sub3A_1930 = arith.subf %bitcast3A_1928, %bitcast3A_1929 : vector<32xbf16>
        %mul3A_1931 = arith.mulf %sub3A_1930, %pack3A_1727 : vector<32xbf16>
        %bitcast3A_1932 = vector.bitcast %mul3A_1931 : vector<32xbf16> to vector<16xi32>
        %shift_left3A_1933 = arith.constant 16 : i32
        %shift_left3A_1934 = vector.broadcast %shift_left3A_1933 : i32 to vector<16xi32>
        %shift_left3A_1935 = arith.shli %gather3A_1768, %shift_left3A_1934 : vector<16xi32>
        %bitcast3A_1936 = vector.bitcast %shift_left3A_1935 : vector<16xi32> to vector<16xf32>
        %and3A_1937 = vector.broadcast %scan3A_47 : i32 to vector<16xi32>
        %and3A_1938 = arith.andi %gather3A_1768, %and3A_1937 : vector<16xi32>
        %bitcast3A_1939 = vector.bitcast %and3A_1938 : vector<16xi32> to vector<16xf32>
        %shift_left3A_1940 = arith.constant 16 : i32
        %shift_left3A_1941 = vector.broadcast %shift_left3A_1940 : i32 to vector<16xi32>
        %shift_left3A_1942 = arith.shli %bitcast3A_1932, %shift_left3A_1941 : vector<16xi32>
        %bitcast3A_1943 = vector.bitcast %shift_left3A_1942 : vector<16xi32> to vector<16xf32>
        %and3A_1944 = vector.broadcast %scan3A_47 : i32 to vector<16xi32>
        %and3A_1945 = arith.andi %bitcast3A_1932, %and3A_1944 : vector<16xi32>
        %bitcast3A_1946 = vector.bitcast %and3A_1945 : vector<16xi32> to vector<16xf32>
        %add3A_1947 = arith.addf %bitcast3A_1936, %bitcast3A_1943 : vector<16xf32>
        %add3A_1948 = arith.constant 11 : i32
        %add3A_1949 = arith.addi %add3A_136, %add3A_1948 : i32
        %swap3A_1950 = arith.index_cast %add3A_1949 : i32 to index
        %swap3A_1951 = arith.constant 16 : index
        %swap3A_1952 = tpu.vector_load %arg9[%swap3A_1950, %swap3A_1951] {strides = array<i32>} : memref<384x128xf32, #tpu.memory_space<vmem>>, vector<16xf32>,
        tpu.vector_store %arg9[%swap3A_1950, %swap3A_1951], %add3A_1947 {strides = array<i32>} : memref<384x128xf32, #tpu.memory_space<vmem>>, vector<16xf32>,
        %add3A_1953 = arith.addf %bitcast3A_1939, %bitcast3A_1946 : vector<16xf32>
        %add3A_1954 = arith.constant 11 : i32
        %add3A_1955 = arith.addi %add3A_136, %add3A_1954 : i32
        %swap3A_1956 = arith.index_cast %add3A_1955 : i32 to index
        %swap3A_1957 = arith.constant 80 : index
        %swap3A_1958 = tpu.vector_load %arg9[%swap3A_1956, %swap3A_1957] {strides = array<i32>} : memref<384x128xf32, #tpu.memory_space<vmem>>, vector<16xf32>,
        tpu.vector_store %arg9[%swap3A_1956, %swap3A_1957], %add3A_1953 {strides = array<i32>} : memref<384x128xf32, #tpu.memory_space<vmem>>, vector<16xf32>,
        %gather3A_1959 = arith.constant 32 : i32
        %gather3A_1960 = tpu.memref_slice %arg5[%gather3A_1959] : memref<65536xi32, #tpu.memory_space<vmem>> -> memref<65488xi32, #tpu.memory_space<vmem>>
        %gather3A_1961 = tpu.vector_load_idx %gather3A_1960[%add3A_1884] : memref<65488xi32, #tpu.memory_space<vmem>>[vector<16xi32>], vector<16xi32>,
        %gather3A_1962 = arith.constant 96 : i32
        %gather3A_1963 = tpu.memref_slice %arg5[%gather3A_1962] : memref<65536xi32, #tpu.memory_space<vmem>> -> memref<65424xi32, #tpu.memory_space<vmem>>
        %gather3A_1964 = tpu.vector_load_idx %gather3A_1963[%add3A_1884] : memref<65424xi32, #tpu.memory_space<vmem>>[vector<16xi32>], vector<16xi32>,
        %bitcast3A_1965 = vector.bitcast %gather3A_1808 : vector<16xi32> to vector<32xbf16>
        %bitcast3A_1966 = vector.bitcast %gather3A_1805 : vector<16xi32> to vector<32xbf16>
        %sub3A_1967 = arith.subf %bitcast3A_1965, %bitcast3A_1966 : vector<32xbf16>
        %mul3A_1968 = arith.mulf %sub3A_1967, %pack3A_1727 : vector<32xbf16>
        %bitcast3A_1969 = vector.bitcast %mul3A_1968 : vector<32xbf16> to vector<16xi32>
        %shift_left3A_1970 = arith.constant 16 : i32
        %shift_left3A_1971 = vector.broadcast %shift_left3A_1970 : i32 to vector<16xi32>
        %shift_left3A_1972 = arith.shli %gather3A_1805, %shift_left3A_1971 : vector<16xi32>
        %bitcast3A_1973 = vector.bitcast %shift_left3A_1972 : vector<16xi32> to vector<16xf32>
        %and3A_1974 = vector.broadcast %scan3A_47 : i32 to vector<16xi32>
        %and3A_1975 = arith.andi %gather3A_1805, %and3A_1974 : vector<16xi32>
        %bitcast3A_1976 = vector.bitcast %and3A_1975 : vector<16xi32> to vector<16xf32>
        %shift_left3A_1977 = arith.constant 16 : i32
        %shift_left3A_1978 = vector.broadcast %shift_left3A_1977 : i32 to vector<16xi32>
        %shift_left3A_1979 = arith.shli %bitcast3A_1969, %shift_left3A_1978 : vector<16xi32>
        %bitcast3A_1980 = vector.bitcast %shift_left3A_1979 : vector<16xi32> to vector<16xf32>
        %and3A_1981 = vector.broadcast %scan3A_47 : i32 to vector<16xi32>
        %and3A_1982 = arith.andi %bitcast3A_1969, %and3A_1981 : vector<16xi32>
        %bitcast3A_1983 = vector.bitcast %and3A_1982 : vector<16xi32> to vector<16xf32>
        %add3A_1984 = arith.addf %bitcast3A_1973, %bitcast3A_1980 : vector<16xf32>
        %add3A_1985 = arith.constant 11 : i32
        %add3A_1986 = arith.addi %add3A_136, %add3A_1985 : i32
        %swap3A_1987 = arith.index_cast %add3A_1986 : i32 to index
        %swap3A_1988 = arith.constant 32 : index
        %swap3A_1989 = tpu.vector_load %arg9[%swap3A_1987, %swap3A_1988] {strides = array<i32>} : memref<384x128xf32, #tpu.memory_space<vmem>>, vector<16xf32>,
        tpu.vector_store %arg9[%swap3A_1987, %swap3A_1988], %add3A_1984 {strides = array<i32>} : memref<384x128xf32, #tpu.memory_space<vmem>>, vector<16xf32>,
        %add3A_1990 = arith.addf %bitcast3A_1976, %bitcast3A_1983 : vector<16xf32>
        %add3A_1991 = arith.constant 11 : i32
        %add3A_1992 = arith.addi %add3A_136, %add3A_1991 : i32
        %swap3A_1993 = arith.index_cast %add3A_1992 : i32 to index
        %swap3A_1994 = arith.constant 96 : index
        %swap3A_1995 = tpu.vector_load %arg9[%swap3A_1993, %swap3A_1994] {strides = array<i32>} : memref<384x128xf32, #tpu.memory_space<vmem>>, vector<16xf32>,
        tpu.vector_store %arg9[%swap3A_1993, %swap3A_1994], %add3A_1990 {strides = array<i32>} : memref<384x128xf32, #tpu.memory_space<vmem>>, vector<16xf32>,
        %gather3A_1996 = arith.constant 48 : i32
        %gather3A_1997 = tpu.memref_slice %arg5[%gather3A_1996] : memref<65536xi32, #tpu.memory_space<vmem>> -> memref<65488xi32, #tpu.memory_space<vmem>>
        %gather3A_1998 = tpu.vector_load_idx %gather3A_1997[%add3A_1884] : memref<65488xi32, #tpu.memory_space<vmem>>[vector<16xi32>], vector<16xi32>,
        %gather3A_1999 = arith.constant 112 : i32
        %gather3A_2000 = tpu.memref_slice %arg5[%gather3A_1999] : memref<65536xi32, #tpu.memory_space<vmem>> -> memref<65424xi32, #tpu.memory_space<vmem>>
        %gather3A_2001 = tpu.vector_load_idx %gather3A_2000[%add3A_1884] : memref<65424xi32, #tpu.memory_space<vmem>>[vector<16xi32>], vector<16xi32>,
        %bitcast3A_2002 = vector.bitcast %gather3A_1845 : vector<16xi32> to vector<32xbf16>
        %bitcast3A_2003 = vector.bitcast %gather3A_1842 : vector<16xi32> to vector<32xbf16>
        %sub3A_2004 = arith.subf %bitcast3A_2002, %bitcast3A_2003 : vector<32xbf16>
        %mul3A_2005 = arith.mulf %sub3A_2004, %pack3A_1727 : vector<32xbf16>
        %bitcast3A_2006 = vector.bitcast %mul3A_2005 : vector<32xbf16> to vector<16xi32>
        %shift_left3A_2007 = arith.constant 16 : i32
        %shift_left3A_2008 = vector.broadcast %shift_left3A_2007 : i32 to vector<16xi32>
        %shift_left3A_2009 = arith.shli %gather3A_1842, %shift_left3A_2008 : vector<16xi32>
        %bitcast3A_2010 = vector.bitcast %shift_left3A_2009 : vector<16xi32> to vector<16xf32>
        %and3A_2011 = vector.broadcast %scan3A_47 : i32 to vector<16xi32>
        %and3A_2012 = arith.andi %gather3A_1842, %and3A_2011 : vector<16xi32>
        %bitcast3A_2013 = vector.bitcast %and3A_2012 : vector<16xi32> to vector<16xf32>
        %shift_left3A_2014 = arith.constant 16 : i32
        %shift_left3A_2015 = vector.broadcast %shift_left3A_2014 : i32 to vector<16xi32>
        %shift_left3A_2016 = arith.shli %bitcast3A_2006, %shift_left3A_2015 : vector<16xi32>
        %bitcast3A_2017 = vector.bitcast %shift_left3A_2016 : vector<16xi32> to vector<16xf32>
        %and3A_2018 = vector.broadcast %scan3A_47 : i32 to vector<16xi32>
        %and3A_2019 = arith.andi %bitcast3A_2006, %and3A_2018 : vector<16xi32>
        %bitcast3A_2020 = vector.bitcast %and3A_2019 : vector<16xi32> to vector<16xf32>
        %add3A_2021 = arith.addf %bitcast3A_2010, %bitcast3A_2017 : vector<16xf32>
        %add3A_2022 = arith.constant 11 : i32
        %add3A_2023 = arith.addi %add3A_136, %add3A_2022 : i32
        %swap3A_2024 = arith.index_cast %add3A_2023 : i32 to index
        %swap3A_2025 = arith.constant 48 : index
        %swap3A_2026 = tpu.vector_load %arg9[%swap3A_2024, %swap3A_2025] {strides = array<i32>} : memref<384x128xf32, #tpu.memory_space<vmem>>, vector<16xf32>,
        tpu.vector_store %arg9[%swap3A_2024, %swap3A_2025], %add3A_2021 {strides = array<i32>} : memref<384x128xf32, #tpu.memory_space<vmem>>, vector<16xf32>,
        %add3A_2027 = arith.addf %bitcast3A_2013, %bitcast3A_2020 : vector<16xf32>
        %add3A_2028 = arith.constant 11 : i32
        %add3A_2029 = arith.addi %add3A_136, %add3A_2028 : i32
        %swap3A_2030 = arith.index_cast %add3A_2029 : i32 to index
        %swap3A_2031 = arith.constant 112 : index
        %swap3A_2032 = tpu.vector_load %arg9[%swap3A_2030, %swap3A_2031] {strides = array<i32>} : memref<384x128xf32, #tpu.memory_space<vmem>>, vector<16xf32>,
        tpu.vector_store %arg9[%swap3A_2030, %swap3A_2031], %add3A_2027 {strides = array<i32>} : memref<384x128xf32, #tpu.memory_space<vmem>>, vector<16xf32>,
        %slice3A_2033 = vector.extract_strided_slice %get3A_131 {offsets = [13], sizes = [1], strides = [1]} : vector<16xi32> to vector<1xi32>
        %squeeze3A_2034 = vector.extract %slice3A_2033[0] : i32 from vector<1xi32>
        %broadcast_in_dim3A_2035 = vector.broadcast %squeeze3A_2034 : i32 to vector<16xi32>
        %slice3A_2036 = vector.extract_strided_slice %get3A_133 {offsets = [13], sizes = [1], strides = [1]} : vector<16xf32> to vector<1xf32>
        %squeeze3A_2037 = vector.extract %slice3A_2036[0] : f32 from vector<1xf32>
        %broadcast_in_dim3A_2038 = vector.broadcast %squeeze3A_2037 : f32 to vector<16xf32>
        %pack3A_2039 = tpu.pack_subelements %broadcast_in_dim3A_2038, %broadcast_in_dim3A_2038 {pack_format = #tpu.pack_format<interleaved>, positions = array<i32: 0, 1>} : vector<16xf32>, vector<16xf32> -> vector<32xbf16>
        %add3A_2040 = arith.addi %broadcast_in_dim3A_2035, %iota3A : vector<16xi32>
        %gather3A_2041 = arith.constant 0 : i32
        %gather3A_2042 = tpu.memref_slice %arg5[%gather3A_2041] : memref<65536xi32, #tpu.memory_space<vmem>> -> memref<65488xi32, #tpu.memory_space<vmem>>
        %gather3A_2043 = tpu.vector_load_idx %gather3A_2042[%add3A_2040] : memref<65488xi32, #tpu.memory_space<vmem>>[vector<16xi32>], vector<16xi32>,
        %gather3A_2044 = arith.constant 64 : i32
        %gather3A_2045 = tpu.memref_slice %arg5[%gather3A_2044] : memref<65536xi32, #tpu.memory_space<vmem>> -> memref<65424xi32, #tpu.memory_space<vmem>>
        %gather3A_2046 = tpu.vector_load_idx %gather3A_2045[%add3A_2040] : memref<65424xi32, #tpu.memory_space<vmem>>[vector<16xi32>], vector<16xi32>,
        %bitcast3A_2047 = vector.bitcast %gather3A_1890 : vector<16xi32> to vector<32xbf16>
        %bitcast3A_2048 = vector.bitcast %gather3A_1887 : vector<16xi32> to vector<32xbf16>
        %sub3A_2049 = arith.subf %bitcast3A_2047, %bitcast3A_2048 : vector<32xbf16>
        %mul3A_2050 = arith.mulf %sub3A_2049, %pack3A_1883 : vector<32xbf16>
        %bitcast3A_2051 = vector.bitcast %mul3A_2050 : vector<32xbf16> to vector<16xi32>
        %shift_left3A_2052 = arith.constant 16 : i32
        %shift_left3A_2053 = vector.broadcast %shift_left3A_2052 : i32 to vector<16xi32>
        %shift_left3A_2054 = arith.shli %gather3A_1887, %shift_left3A_2053 : vector<16xi32>
        %bitcast3A_2055 = vector.bitcast %shift_left3A_2054 : vector<16xi32> to vector<16xf32>
        %and3A_2056 = vector.broadcast %scan3A_47 : i32 to vector<16xi32>
        %and3A_2057 = arith.andi %gather3A_1887, %and3A_2056 : vector<16xi32>
        %bitcast3A_2058 = vector.bitcast %and3A_2057 : vector<16xi32> to vector<16xf32>
        %shift_left3A_2059 = arith.constant 16 : i32
        %shift_left3A_2060 = vector.broadcast %shift_left3A_2059 : i32 to vector<16xi32>
        %shift_left3A_2061 = arith.shli %bitcast3A_2051, %shift_left3A_2060 : vector<16xi32>
        %bitcast3A_2062 = vector.bitcast %shift_left3A_2061 : vector<16xi32> to vector<16xf32>
        %and3A_2063 = vector.broadcast %scan3A_47 : i32 to vector<16xi32>
        %and3A_2064 = arith.andi %bitcast3A_2051, %and3A_2063 : vector<16xi32>
        %bitcast3A_2065 = vector.bitcast %and3A_2064 : vector<16xi32> to vector<16xf32>
        %add3A_2066 = arith.addf %bitcast3A_2055, %bitcast3A_2062 : vector<16xf32>
        %add3A_2067 = arith.constant 12 : i32
        %add3A_2068 = arith.addi %add3A_136, %add3A_2067 : i32
        %swap3A_2069 = arith.index_cast %add3A_2068 : i32 to index
        %swap3A_2070 = arith.constant 0 : index
        %swap3A_2071 = tpu.vector_load %arg9[%swap3A_2069, %swap3A_2070] {strides = array<i32>} : memref<384x128xf32, #tpu.memory_space<vmem>>, vector<16xf32>,
        tpu.vector_store %arg9[%swap3A_2069, %swap3A_2070], %add3A_2066 {strides = array<i32>} : memref<384x128xf32, #tpu.memory_space<vmem>>, vector<16xf32>,
        %add3A_2072 = arith.addf %bitcast3A_2058, %bitcast3A_2065 : vector<16xf32>
        %add3A_2073 = arith.constant 12 : i32
        %add3A_2074 = arith.addi %add3A_136, %add3A_2073 : i32
        %swap3A_2075 = arith.index_cast %add3A_2074 : i32 to index
        %swap3A_2076 = arith.constant 64 : index
        %swap3A_2077 = tpu.vector_load %arg9[%swap3A_2075, %swap3A_2076] {strides = array<i32>} : memref<384x128xf32, #tpu.memory_space<vmem>>, vector<16xf32>,
        tpu.vector_store %arg9[%swap3A_2075, %swap3A_2076], %add3A_2072 {strides = array<i32>} : memref<384x128xf32, #tpu.memory_space<vmem>>, vector<16xf32>,
        %gather3A_2078 = arith.constant 16 : i32
        %gather3A_2079 = tpu.memref_slice %arg5[%gather3A_2078] : memref<65536xi32, #tpu.memory_space<vmem>> -> memref<65488xi32, #tpu.memory_space<vmem>>
        %gather3A_2080 = tpu.vector_load_idx %gather3A_2079[%add3A_2040] : memref<65488xi32, #tpu.memory_space<vmem>>[vector<16xi32>], vector<16xi32>,
        %gather3A_2081 = arith.constant 80 : i32
        %gather3A_2082 = tpu.memref_slice %arg5[%gather3A_2081] : memref<65536xi32, #tpu.memory_space<vmem>> -> memref<65424xi32, #tpu.memory_space<vmem>>
        %gather3A_2083 = tpu.vector_load_idx %gather3A_2082[%add3A_2040] : memref<65424xi32, #tpu.memory_space<vmem>>[vector<16xi32>], vector<16xi32>,
        %bitcast3A_2084 = vector.bitcast %gather3A_1927 : vector<16xi32> to vector<32xbf16>
        %bitcast3A_2085 = vector.bitcast %gather3A_1924 : vector<16xi32> to vector<32xbf16>
        %sub3A_2086 = arith.subf %bitcast3A_2084, %bitcast3A_2085 : vector<32xbf16>
        %mul3A_2087 = arith.mulf %sub3A_2086, %pack3A_1883 : vector<32xbf16>
        %bitcast3A_2088 = vector.bitcast %mul3A_2087 : vector<32xbf16> to vector<16xi32>
        %shift_left3A_2089 = arith.constant 16 : i32
        %shift_left3A_2090 = vector.broadcast %shift_left3A_2089 : i32 to vector<16xi32>
        %shift_left3A_2091 = arith.shli %gather3A_1924, %shift_left3A_2090 : vector<16xi32>
        %bitcast3A_2092 = vector.bitcast %shift_left3A_2091 : vector<16xi32> to vector<16xf32>
        %and3A_2093 = vector.broadcast %scan3A_47 : i32 to vector<16xi32>
        %and3A_2094 = arith.andi %gather3A_1924, %and3A_2093 : vector<16xi32>
        %bitcast3A_2095 = vector.bitcast %and3A_2094 : vector<16xi32> to vector<16xf32>
        %shift_left3A_2096 = arith.constant 16 : i32
        %shift_left3A_2097 = vector.broadcast %shift_left3A_2096 : i32 to vector<16xi32>
        %shift_left3A_2098 = arith.shli %bitcast3A_2088, %shift_left3A_2097 : vector<16xi32>
        %bitcast3A_2099 = vector.bitcast %shift_left3A_2098 : vector<16xi32> to vector<16xf32>
        %and3A_2100 = vector.broadcast %scan3A_47 : i32 to vector<16xi32>
        %and3A_2101 = arith.andi %bitcast3A_2088, %and3A_2100 : vector<16xi32>
        %bitcast3A_2102 = vector.bitcast %and3A_2101 : vector<16xi32> to vector<16xf32>
        %add3A_2103 = arith.addf %bitcast3A_2092, %bitcast3A_2099 : vector<16xf32>
        %add3A_2104 = arith.constant 12 : i32
        %add3A_2105 = arith.addi %add3A_136, %add3A_2104 : i32
        %swap3A_2106 = arith.index_cast %add3A_2105 : i32 to index
        %swap3A_2107 = arith.constant 16 : index
        %swap3A_2108 = tpu.vector_load %arg9[%swap3A_2106, %swap3A_2107] {strides = array<i32>} : memref<384x128xf32, #tpu.memory_space<vmem>>, vector<16xf32>,
        tpu.vector_store %arg9[%swap3A_2106, %swap3A_2107], %add3A_2103 {strides = array<i32>} : memref<384x128xf32, #tpu.memory_space<vmem>>, vector<16xf32>,
        %add3A_2109 = arith.addf %bitcast3A_2095, %bitcast3A_2102 : vector<16xf32>
        %add3A_2110 = arith.constant 12 : i32
        %add3A_2111 = arith.addi %add3A_136, %add3A_2110 : i32
        %swap3A_2112 = arith.index_cast %add3A_2111 : i32 to index
        %swap3A_2113 = arith.constant 80 : index
        %swap3A_2114 = tpu.vector_load %arg9[%swap3A_2112, %swap3A_2113] {strides = array<i32>} : memref<384x128xf32, #tpu.memory_space<vmem>>, vector<16xf32>,
        tpu.vector_store %arg9[%swap3A_2112, %swap3A_2113], %add3A_2109 {strides = array<i32>} : memref<384x128xf32, #tpu.memory_space<vmem>>, vector<16xf32>,
        %gather3A_2115 = arith.constant 32 : i32
        %gather3A_2116 = tpu.memref_slice %arg5[%gather3A_2115] : memref<65536xi32, #tpu.memory_space<vmem>> -> memref<65488xi32, #tpu.memory_space<vmem>>
        %gather3A_2117 = tpu.vector_load_idx %gather3A_2116[%add3A_2040] : memref<65488xi32, #tpu.memory_space<vmem>>[vector<16xi32>], vector<16xi32>,
        %gather3A_2118 = arith.constant 96 : i32
        %gather3A_2119 = tpu.memref_slice %arg5[%gather3A_2118] : memref<65536xi32, #tpu.memory_space<vmem>> -> memref<65424xi32, #tpu.memory_space<vmem>>
        %gather3A_2120 = tpu.vector_load_idx %gather3A_2119[%add3A_2040] : memref<65424xi32, #tpu.memory_space<vmem>>[vector<16xi32>], vector<16xi32>,
        %bitcast3A_2121 = vector.bitcast %gather3A_1964 : vector<16xi32> to vector<32xbf16>
        %bitcast3A_2122 = vector.bitcast %gather3A_1961 : vector<16xi32> to vector<32xbf16>
        %sub3A_2123 = arith.subf %bitcast3A_2121, %bitcast3A_2122 : vector<32xbf16>
        %mul3A_2124 = arith.mulf %sub3A_2123, %pack3A_1883 : vector<32xbf16>
        %bitcast3A_2125 = vector.bitcast %mul3A_2124 : vector<32xbf16> to vector<16xi32>
        %shift_left3A_2126 = arith.constant 16 : i32
        %shift_left3A_2127 = vector.broadcast %shift_left3A_2126 : i32 to vector<16xi32>
        %shift_left3A_2128 = arith.shli %gather3A_1961, %shift_left3A_2127 : vector<16xi32>
        %bitcast3A_2129 = vector.bitcast %shift_left3A_2128 : vector<16xi32> to vector<16xf32>
        %and3A_2130 = vector.broadcast %scan3A_47 : i32 to vector<16xi32>
        %and3A_2131 = arith.andi %gather3A_1961, %and3A_2130 : vector<16xi32>
        %bitcast3A_2132 = vector.bitcast %and3A_2131 : vector<16xi32> to vector<16xf32>
        %shift_left3A_2133 = arith.constant 16 : i32
        %shift_left3A_2134 = vector.broadcast %shift_left3A_2133 : i32 to vector<16xi32>
        %shift_left3A_2135 = arith.shli %bitcast3A_2125, %shift_left3A_2134 : vector<16xi32>
        %bitcast3A_2136 = vector.bitcast %shift_left3A_2135 : vector<16xi32> to vector<16xf32>
        %and3A_2137 = vector.broadcast %scan3A_47 : i32 to vector<16xi32>
        %and3A_2138 = arith.andi %bitcast3A_2125, %and3A_2137 : vector<16xi32>
        %bitcast3A_2139 = vector.bitcast %and3A_2138 : vector<16xi32> to vector<16xf32>
        %add3A_2140 = arith.addf %bitcast3A_2129, %bitcast3A_2136 : vector<16xf32>
        %add3A_2141 = arith.constant 12 : i32
        %add3A_2142 = arith.addi %add3A_136, %add3A_2141 : i32
        %swap3A_2143 = arith.index_cast %add3A_2142 : i32 to index
        %swap3A_2144 = arith.constant 32 : index
        %swap3A_2145 = tpu.vector_load %arg9[%swap3A_2143, %swap3A_2144] {strides = array<i32>} : memref<384x128xf32, #tpu.memory_space<vmem>>, vector<16xf32>,
        tpu.vector_store %arg9[%swap3A_2143, %swap3A_2144], %add3A_2140 {strides = array<i32>} : memref<384x128xf32, #tpu.memory_space<vmem>>, vector<16xf32>,
        %add3A_2146 = arith.addf %bitcast3A_2132, %bitcast3A_2139 : vector<16xf32>
        %add3A_2147 = arith.constant 12 : i32
        %add3A_2148 = arith.addi %add3A_136, %add3A_2147 : i32
        %swap3A_2149 = arith.index_cast %add3A_2148 : i32 to index
        %swap3A_2150 = arith.constant 96 : index
        %swap3A_2151 = tpu.vector_load %arg9[%swap3A_2149, %swap3A_2150] {strides = array<i32>} : memref<384x128xf32, #tpu.memory_space<vmem>>, vector<16xf32>,
        tpu.vector_store %arg9[%swap3A_2149, %swap3A_2150], %add3A_2146 {strides = array<i32>} : memref<384x128xf32, #tpu.memory_space<vmem>>, vector<16xf32>,
        %gather3A_2152 = arith.constant 48 : i32
        %gather3A_2153 = tpu.memref_slice %arg5[%gather3A_2152] : memref<65536xi32, #tpu.memory_space<vmem>> -> memref<65488xi32, #tpu.memory_space<vmem>>
        %gather3A_2154 = tpu.vector_load_idx %gather3A_2153[%add3A_2040] : memref<65488xi32, #tpu.memory_space<vmem>>[vector<16xi32>], vector<16xi32>,
        %gather3A_2155 = arith.constant 112 : i32
        %gather3A_2156 = tpu.memref_slice %arg5[%gather3A_2155] : memref<65536xi32, #tpu.memory_space<vmem>> -> memref<65424xi32, #tpu.memory_space<vmem>>
        %gather3A_2157 = tpu.vector_load_idx %gather3A_2156[%add3A_2040] : memref<65424xi32, #tpu.memory_space<vmem>>[vector<16xi32>], vector<16xi32>,
        %bitcast3A_2158 = vector.bitcast %gather3A_2001 : vector<16xi32> to vector<32xbf16>
        %bitcast3A_2159 = vector.bitcast %gather3A_1998 : vector<16xi32> to vector<32xbf16>
        %sub3A_2160 = arith.subf %bitcast3A_2158, %bitcast3A_2159 : vector<32xbf16>
        %mul3A_2161 = arith.mulf %sub3A_2160, %pack3A_1883 : vector<32xbf16>
        %bitcast3A_2162 = vector.bitcast %mul3A_2161 : vector<32xbf16> to vector<16xi32>
        %shift_left3A_2163 = arith.constant 16 : i32
        %shift_left3A_2164 = vector.broadcast %shift_left3A_2163 : i32 to vector<16xi32>
        %shift_left3A_2165 = arith.shli %gather3A_1998, %shift_left3A_2164 : vector<16xi32>
        %bitcast3A_2166 = vector.bitcast %shift_left3A_2165 : vector<16xi32> to vector<16xf32>
        %and3A_2167 = vector.broadcast %scan3A_47 : i32 to vector<16xi32>
        %and3A_2168 = arith.andi %gather3A_1998, %and3A_2167 : vector<16xi32>
        %bitcast3A_2169 = vector.bitcast %and3A_2168 : vector<16xi32> to vector<16xf32>
        %shift_left3A_2170 = arith.constant 16 : i32
        %shift_left3A_2171 = vector.broadcast %shift_left3A_2170 : i32 to vector<16xi32>
        %shift_left3A_2172 = arith.shli %bitcast3A_2162, %shift_left3A_2171 : vector<16xi32>
        %bitcast3A_2173 = vector.bitcast %shift_left3A_2172 : vector<16xi32> to vector<16xf32>
        %and3A_2174 = vector.broadcast %scan3A_47 : i32 to vector<16xi32>
        %and3A_2175 = arith.andi %bitcast3A_2162, %and3A_2174 : vector<16xi32>
        %bitcast3A_2176 = vector.bitcast %and3A_2175 : vector<16xi32> to vector<16xf32>
        %add3A_2177 = arith.addf %bitcast3A_2166, %bitcast3A_2173 : vector<16xf32>
        %add3A_2178 = arith.constant 12 : i32
        %add3A_2179 = arith.addi %add3A_136, %add3A_2178 : i32
        %swap3A_2180 = arith.index_cast %add3A_2179 : i32 to index
        %swap3A_2181 = arith.constant 48 : index
        %swap3A_2182 = tpu.vector_load %arg9[%swap3A_2180, %swap3A_2181] {strides = array<i32>} : memref<384x128xf32, #tpu.memory_space<vmem>>, vector<16xf32>,
        tpu.vector_store %arg9[%swap3A_2180, %swap3A_2181], %add3A_2177 {strides = array<i32>} : memref<384x128xf32, #tpu.memory_space<vmem>>, vector<16xf32>,
        %add3A_2183 = arith.addf %bitcast3A_2169, %bitcast3A_2176 : vector<16xf32>
        %add3A_2184 = arith.constant 12 : i32
        %add3A_2185 = arith.addi %add3A_136, %add3A_2184 : i32
        %swap3A_2186 = arith.index_cast %add3A_2185 : i32 to index
        %swap3A_2187 = arith.constant 112 : index
        %swap3A_2188 = tpu.vector_load %arg9[%swap3A_2186, %swap3A_2187] {strides = array<i32>} : memref<384x128xf32, #tpu.memory_space<vmem>>, vector<16xf32>,
        tpu.vector_store %arg9[%swap3A_2186, %swap3A_2187], %add3A_2183 {strides = array<i32>} : memref<384x128xf32, #tpu.memory_space<vmem>>, vector<16xf32>,
        %slice3A_2189 = vector.extract_strided_slice %get3A_131 {offsets = [14], sizes = [1], strides = [1]} : vector<16xi32> to vector<1xi32>
        %squeeze3A_2190 = vector.extract %slice3A_2189[0] : i32 from vector<1xi32>
        %broadcast_in_dim3A_2191 = vector.broadcast %squeeze3A_2190 : i32 to vector<16xi32>
        %slice3A_2192 = vector.extract_strided_slice %get3A_133 {offsets = [14], sizes = [1], strides = [1]} : vector<16xf32> to vector<1xf32>
        %squeeze3A_2193 = vector.extract %slice3A_2192[0] : f32 from vector<1xf32>
        %broadcast_in_dim3A_2194 = vector.broadcast %squeeze3A_2193 : f32 to vector<16xf32>
        %pack3A_2195 = tpu.pack_subelements %broadcast_in_dim3A_2194, %broadcast_in_dim3A_2194 {pack_format = #tpu.pack_format<interleaved>, positions = array<i32: 0, 1>} : vector<16xf32>, vector<16xf32> -> vector<32xbf16>
        %add3A_2196 = arith.addi %broadcast_in_dim3A_2191, %iota3A : vector<16xi32>
        %gather3A_2197 = arith.constant 0 : i32
        %gather3A_2198 = tpu.memref_slice %arg5[%gather3A_2197] : memref<65536xi32, #tpu.memory_space<vmem>> -> memref<65488xi32, #tpu.memory_space<vmem>>
        %gather3A_2199 = tpu.vector_load_idx %gather3A_2198[%add3A_2196] : memref<65488xi32, #tpu.memory_space<vmem>>[vector<16xi32>], vector<16xi32>,
        %gather3A_2200 = arith.constant 64 : i32
        %gather3A_2201 = tpu.memref_slice %arg5[%gather3A_2200] : memref<65536xi32, #tpu.memory_space<vmem>> -> memref<65424xi32, #tpu.memory_space<vmem>>
        %gather3A_2202 = tpu.vector_load_idx %gather3A_2201[%add3A_2196] : memref<65424xi32, #tpu.memory_space<vmem>>[vector<16xi32>], vector<16xi32>,
        %bitcast3A_2203 = vector.bitcast %gather3A_2046 : vector<16xi32> to vector<32xbf16>
        %bitcast3A_2204 = vector.bitcast %gather3A_2043 : vector<16xi32> to vector<32xbf16>
        %sub3A_2205 = arith.subf %bitcast3A_2203, %bitcast3A_2204 : vector<32xbf16>
        %mul3A_2206 = arith.mulf %sub3A_2205, %pack3A_2039 : vector<32xbf16>
        %bitcast3A_2207 = vector.bitcast %mul3A_2206 : vector<32xbf16> to vector<16xi32>
        %shift_left3A_2208 = arith.constant 16 : i32
        %shift_left3A_2209 = vector.broadcast %shift_left3A_2208 : i32 to vector<16xi32>
        %shift_left3A_2210 = arith.shli %gather3A_2043, %shift_left3A_2209 : vector<16xi32>
        %bitcast3A_2211 = vector.bitcast %shift_left3A_2210 : vector<16xi32> to vector<16xf32>
        %and3A_2212 = vector.broadcast %scan3A_47 : i32 to vector<16xi32>
        %and3A_2213 = arith.andi %gather3A_2043, %and3A_2212 : vector<16xi32>
        %bitcast3A_2214 = vector.bitcast %and3A_2213 : vector<16xi32> to vector<16xf32>
        %shift_left3A_2215 = arith.constant 16 : i32
        %shift_left3A_2216 = vector.broadcast %shift_left3A_2215 : i32 to vector<16xi32>
        %shift_left3A_2217 = arith.shli %bitcast3A_2207, %shift_left3A_2216 : vector<16xi32>
        %bitcast3A_2218 = vector.bitcast %shift_left3A_2217 : vector<16xi32> to vector<16xf32>
        %and3A_2219 = vector.broadcast %scan3A_47 : i32 to vector<16xi32>
        %and3A_2220 = arith.andi %bitcast3A_2207, %and3A_2219 : vector<16xi32>
        %bitcast3A_2221 = vector.bitcast %and3A_2220 : vector<16xi32> to vector<16xf32>
        %add3A_2222 = arith.addf %bitcast3A_2211, %bitcast3A_2218 : vector<16xf32>
        %add3A_2223 = arith.constant 13 : i32
        %add3A_2224 = arith.addi %add3A_136, %add3A_2223 : i32
        %swap3A_2225 = arith.index_cast %add3A_2224 : i32 to index
        %swap3A_2226 = arith.constant 0 : index
        %swap3A_2227 = tpu.vector_load %arg9[%swap3A_2225, %swap3A_2226] {strides = array<i32>} : memref<384x128xf32, #tpu.memory_space<vmem>>, vector<16xf32>,
        tpu.vector_store %arg9[%swap3A_2225, %swap3A_2226], %add3A_2222 {strides = array<i32>} : memref<384x128xf32, #tpu.memory_space<vmem>>, vector<16xf32>,
        %add3A_2228 = arith.addf %bitcast3A_2214, %bitcast3A_2221 : vector<16xf32>
        %add3A_2229 = arith.constant 13 : i32
        %add3A_2230 = arith.addi %add3A_136, %add3A_2229 : i32
        %swap3A_2231 = arith.index_cast %add3A_2230 : i32 to index
        %swap3A_2232 = arith.constant 64 : index
        %swap3A_2233 = tpu.vector_load %arg9[%swap3A_2231, %swap3A_2232] {strides = array<i32>} : memref<384x128xf32, #tpu.memory_space<vmem>>, vector<16xf32>,
        tpu.vector_store %arg9[%swap3A_2231, %swap3A_2232], %add3A_2228 {strides = array<i32>} : memref<384x128xf32, #tpu.memory_space<vmem>>, vector<16xf32>,
        %gather3A_2234 = arith.constant 16 : i32
        %gather3A_2235 = tpu.memref_slice %arg5[%gather3A_2234] : memref<65536xi32, #tpu.memory_space<vmem>> -> memref<65488xi32, #tpu.memory_space<vmem>>
        %gather3A_2236 = tpu.vector_load_idx %gather3A_2235[%add3A_2196] : memref<65488xi32, #tpu.memory_space<vmem>>[vector<16xi32>], vector<16xi32>,
        %gather3A_2237 = arith.constant 80 : i32
        %gather3A_2238 = tpu.memref_slice %arg5[%gather3A_2237] : memref<65536xi32, #tpu.memory_space<vmem>> -> memref<65424xi32, #tpu.memory_space<vmem>>
        %gather3A_2239 = tpu.vector_load_idx %gather3A_2238[%add3A_2196] : memref<65424xi32, #tpu.memory_space<vmem>>[vector<16xi32>], vector<16xi32>,
        %bitcast3A_2240 = vector.bitcast %gather3A_2083 : vector<16xi32> to vector<32xbf16>
        %bitcast3A_2241 = vector.bitcast %gather3A_2080 : vector<16xi32> to vector<32xbf16>
        %sub3A_2242 = arith.subf %bitcast3A_2240, %bitcast3A_2241 : vector<32xbf16>
        %mul3A_2243 = arith.mulf %sub3A_2242, %pack3A_2039 : vector<32xbf16>
        %bitcast3A_2244 = vector.bitcast %mul3A_2243 : vector<32xbf16> to vector<16xi32>
        %shift_left3A_2245 = arith.constant 16 : i32
        %shift_left3A_2246 = vector.broadcast %shift_left3A_2245 : i32 to vector<16xi32>
        %shift_left3A_2247 = arith.shli %gather3A_2080, %shift_left3A_2246 : vector<16xi32>
        %bitcast3A_2248 = vector.bitcast %shift_left3A_2247 : vector<16xi32> to vector<16xf32>
        %and3A_2249 = vector.broadcast %scan3A_47 : i32 to vector<16xi32>
        %and3A_2250 = arith.andi %gather3A_2080, %and3A_2249 : vector<16xi32>
        %bitcast3A_2251 = vector.bitcast %and3A_2250 : vector<16xi32> to vector<16xf32>
        %shift_left3A_2252 = arith.constant 16 : i32
        %shift_left3A_2253 = vector.broadcast %shift_left3A_2252 : i32 to vector<16xi32>
        %shift_left3A_2254 = arith.shli %bitcast3A_2244, %shift_left3A_2253 : vector<16xi32>
        %bitcast3A_2255 = vector.bitcast %shift_left3A_2254 : vector<16xi32> to vector<16xf32>
        %and3A_2256 = vector.broadcast %scan3A_47 : i32 to vector<16xi32>
        %and3A_2257 = arith.andi %bitcast3A_2244, %and3A_2256 : vector<16xi32>
        %bitcast3A_2258 = vector.bitcast %and3A_2257 : vector<16xi32> to vector<16xf32>
        %add3A_2259 = arith.addf %bitcast3A_2248, %bitcast3A_2255 : vector<16xf32>
        %add3A_2260 = arith.constant 13 : i32
        %add3A_2261 = arith.addi %add3A_136, %add3A_2260 : i32
        %swap3A_2262 = arith.index_cast %add3A_2261 : i32 to index
        %swap3A_2263 = arith.constant 16 : index
        %swap3A_2264 = tpu.vector_load %arg9[%swap3A_2262, %swap3A_2263] {strides = array<i32>} : memref<384x128xf32, #tpu.memory_space<vmem>>, vector<16xf32>,
        tpu.vector_store %arg9[%swap3A_2262, %swap3A_2263], %add3A_2259 {strides = array<i32>} : memref<384x128xf32, #tpu.memory_space<vmem>>, vector<16xf32>,
        %add3A_2265 = arith.addf %bitcast3A_2251, %bitcast3A_2258 : vector<16xf32>
        %add3A_2266 = arith.constant 13 : i32
        %add3A_2267 = arith.addi %add3A_136, %add3A_2266 : i32
        %swap3A_2268 = arith.index_cast %add3A_2267 : i32 to index
        %swap3A_2269 = arith.constant 80 : index
        %swap3A_2270 = tpu.vector_load %arg9[%swap3A_2268, %swap3A_2269] {strides = array<i32>} : memref<384x128xf32, #tpu.memory_space<vmem>>, vector<16xf32>,
        tpu.vector_store %arg9[%swap3A_2268, %swap3A_2269], %add3A_2265 {strides = array<i32>} : memref<384x128xf32, #tpu.memory_space<vmem>>, vector<16xf32>,
        %gather3A_2271 = arith.constant 32 : i32
        %gather3A_2272 = tpu.memref_slice %arg5[%gather3A_2271] : memref<65536xi32, #tpu.memory_space<vmem>> -> memref<65488xi32, #tpu.memory_space<vmem>>
        %gather3A_2273 = tpu.vector_load_idx %gather3A_2272[%add3A_2196] : memref<65488xi32, #tpu.memory_space<vmem>>[vector<16xi32>], vector<16xi32>,
        %gather3A_2274 = arith.constant 96 : i32
        %gather3A_2275 = tpu.memref_slice %arg5[%gather3A_2274] : memref<65536xi32, #tpu.memory_space<vmem>> -> memref<65424xi32, #tpu.memory_space<vmem>>
        %gather3A_2276 = tpu.vector_load_idx %gather3A_2275[%add3A_2196] : memref<65424xi32, #tpu.memory_space<vmem>>[vector<16xi32>], vector<16xi32>,
        %bitcast3A_2277 = vector.bitcast %gather3A_2120 : vector<16xi32> to vector<32xbf16>
        %bitcast3A_2278 = vector.bitcast %gather3A_2117 : vector<16xi32> to vector<32xbf16>
        %sub3A_2279 = arith.subf %bitcast3A_2277, %bitcast3A_2278 : vector<32xbf16>
        %mul3A_2280 = arith.mulf %sub3A_2279, %pack3A_2039 : vector<32xbf16>
        %bitcast3A_2281 = vector.bitcast %mul3A_2280 : vector<32xbf16> to vector<16xi32>
        %shift_left3A_2282 = arith.constant 16 : i32
        %shift_left3A_2283 = vector.broadcast %shift_left3A_2282 : i32 to vector<16xi32>
        %shift_left3A_2284 = arith.shli %gather3A_2117, %shift_left3A_2283 : vector<16xi32>
        %bitcast3A_2285 = vector.bitcast %shift_left3A_2284 : vector<16xi32> to vector<16xf32>
        %and3A_2286 = vector.broadcast %scan3A_47 : i32 to vector<16xi32>
        %and3A_2287 = arith.andi %gather3A_2117, %and3A_2286 : vector<16xi32>
        %bitcast3A_2288 = vector.bitcast %and3A_2287 : vector<16xi32> to vector<16xf32>
        %shift_left3A_2289 = arith.constant 16 : i32
        %shift_left3A_2290 = vector.broadcast %shift_left3A_2289 : i32 to vector<16xi32>
        %shift_left3A_2291 = arith.shli %bitcast3A_2281, %shift_left3A_2290 : vector<16xi32>
        %bitcast3A_2292 = vector.bitcast %shift_left3A_2291 : vector<16xi32> to vector<16xf32>
        %and3A_2293 = vector.broadcast %scan3A_47 : i32 to vector<16xi32>
        %and3A_2294 = arith.andi %bitcast3A_2281, %and3A_2293 : vector<16xi32>
        %bitcast3A_2295 = vector.bitcast %and3A_2294 : vector<16xi32> to vector<16xf32>
        %add3A_2296 = arith.addf %bitcast3A_2285, %bitcast3A_2292 : vector<16xf32>
        %add3A_2297 = arith.constant 13 : i32
        %add3A_2298 = arith.addi %add3A_136, %add3A_2297 : i32
        %swap3A_2299 = arith.index_cast %add3A_2298 : i32 to index
        %swap3A_2300 = arith.constant 32 : index
        %swap3A_2301 = tpu.vector_load %arg9[%swap3A_2299, %swap3A_2300] {strides = array<i32>} : memref<384x128xf32, #tpu.memory_space<vmem>>, vector<16xf32>,
        tpu.vector_store %arg9[%swap3A_2299, %swap3A_2300], %add3A_2296 {strides = array<i32>} : memref<384x128xf32, #tpu.memory_space<vmem>>, vector<16xf32>,
        %add3A_2302 = arith.addf %bitcast3A_2288, %bitcast3A_2295 : vector<16xf32>
        %add3A_2303 = arith.constant 13 : i32
        %add3A_2304 = arith.addi %add3A_136, %add3A_2303 : i32
        %swap3A_2305 = arith.index_cast %add3A_2304 : i32 to index
        %swap3A_2306 = arith.constant 96 : index
        %swap3A_2307 = tpu.vector_load %arg9[%swap3A_2305, %swap3A_2306] {strides = array<i32>} : memref<384x128xf32, #tpu.memory_space<vmem>>, vector<16xf32>,
        tpu.vector_store %arg9[%swap3A_2305, %swap3A_2306], %add3A_2302 {strides = array<i32>} : memref<384x128xf32, #tpu.memory_space<vmem>>, vector<16xf32>,
        %gather3A_2308 = arith.constant 48 : i32
        %gather3A_2309 = tpu.memref_slice %arg5[%gather3A_2308] : memref<65536xi32, #tpu.memory_space<vmem>> -> memref<65488xi32, #tpu.memory_space<vmem>>
        %gather3A_2310 = tpu.vector_load_idx %gather3A_2309[%add3A_2196] : memref<65488xi32, #tpu.memory_space<vmem>>[vector<16xi32>], vector<16xi32>,
        %gather3A_2311 = arith.constant 112 : i32
        %gather3A_2312 = tpu.memref_slice %arg5[%gather3A_2311] : memref<65536xi32, #tpu.memory_space<vmem>> -> memref<65424xi32, #tpu.memory_space<vmem>>
        %gather3A_2313 = tpu.vector_load_idx %gather3A_2312[%add3A_2196] : memref<65424xi32, #tpu.memory_space<vmem>>[vector<16xi32>], vector<16xi32>,
        %bitcast3A_2314 = vector.bitcast %gather3A_2157 : vector<16xi32> to vector<32xbf16>
        %bitcast3A_2315 = vector.bitcast %gather3A_2154 : vector<16xi32> to vector<32xbf16>
        %sub3A_2316 = arith.subf %bitcast3A_2314, %bitcast3A_2315 : vector<32xbf16>
        %mul3A_2317 = arith.mulf %sub3A_2316, %pack3A_2039 : vector<32xbf16>
        %bitcast3A_2318 = vector.bitcast %mul3A_2317 : vector<32xbf16> to vector<16xi32>
        %shift_left3A_2319 = arith.constant 16 : i32
        %shift_left3A_2320 = vector.broadcast %shift_left3A_2319 : i32 to vector<16xi32>
        %shift_left3A_2321 = arith.shli %gather3A_2154, %shift_left3A_2320 : vector<16xi32>
        %bitcast3A_2322 = vector.bitcast %shift_left3A_2321 : vector<16xi32> to vector<16xf32>
        %and3A_2323 = vector.broadcast %scan3A_47 : i32 to vector<16xi32>
        %and3A_2324 = arith.andi %gather3A_2154, %and3A_2323 : vector<16xi32>
        %bitcast3A_2325 = vector.bitcast %and3A_2324 : vector<16xi32> to vector<16xf32>
        %shift_left3A_2326 = arith.constant 16 : i32
        %shift_left3A_2327 = vector.broadcast %shift_left3A_2326 : i32 to vector<16xi32>
        %shift_left3A_2328 = arith.shli %bitcast3A_2318, %shift_left3A_2327 : vector<16xi32>
        %bitcast3A_2329 = vector.bitcast %shift_left3A_2328 : vector<16xi32> to vector<16xf32>
        %and3A_2330 = vector.broadcast %scan3A_47 : i32 to vector<16xi32>
        %and3A_2331 = arith.andi %bitcast3A_2318, %and3A_2330 : vector<16xi32>
        %bitcast3A_2332 = vector.bitcast %and3A_2331 : vector<16xi32> to vector<16xf32>
        %add3A_2333 = arith.addf %bitcast3A_2322, %bitcast3A_2329 : vector<16xf32>
        %add3A_2334 = arith.constant 13 : i32
        %add3A_2335 = arith.addi %add3A_136, %add3A_2334 : i32
        %swap3A_2336 = arith.index_cast %add3A_2335 : i32 to index
        %swap3A_2337 = arith.constant 48 : index
        %swap3A_2338 = tpu.vector_load %arg9[%swap3A_2336, %swap3A_2337] {strides = array<i32>} : memref<384x128xf32, #tpu.memory_space<vmem>>, vector<16xf32>,
        tpu.vector_store %arg9[%swap3A_2336, %swap3A_2337], %add3A_2333 {strides = array<i32>} : memref<384x128xf32, #tpu.memory_space<vmem>>, vector<16xf32>,
        %add3A_2339 = arith.addf %bitcast3A_2325, %bitcast3A_2332 : vector<16xf32>
        %add3A_2340 = arith.constant 13 : i32
        %add3A_2341 = arith.addi %add3A_136, %add3A_2340 : i32
        %swap3A_2342 = arith.index_cast %add3A_2341 : i32 to index
        %swap3A_2343 = arith.constant 112 : index
        %swap3A_2344 = tpu.vector_load %arg9[%swap3A_2342, %swap3A_2343] {strides = array<i32>} : memref<384x128xf32, #tpu.memory_space<vmem>>, vector<16xf32>,
        tpu.vector_store %arg9[%swap3A_2342, %swap3A_2343], %add3A_2339 {strides = array<i32>} : memref<384x128xf32, #tpu.memory_space<vmem>>, vector<16xf32>,
        %slice3A_2345 = vector.extract_strided_slice %get3A_131 {offsets = [15], sizes = [1], strides = [1]} : vector<16xi32> to vector<1xi32>
        %squeeze3A_2346 = vector.extract %slice3A_2345[0] : i32 from vector<1xi32>
        %broadcast_in_dim3A_2347 = vector.broadcast %squeeze3A_2346 : i32 to vector<16xi32>
        %slice3A_2348 = vector.extract_strided_slice %get3A_133 {offsets = [15], sizes = [1], strides = [1]} : vector<16xf32> to vector<1xf32>
        %squeeze3A_2349 = vector.extract %slice3A_2348[0] : f32 from vector<1xf32>
        %broadcast_in_dim3A_2350 = vector.broadcast %squeeze3A_2349 : f32 to vector<16xf32>
        %pack3A_2351 = tpu.pack_subelements %broadcast_in_dim3A_2350, %broadcast_in_dim3A_2350 {pack_format = #tpu.pack_format<interleaved>, positions = array<i32: 0, 1>} : vector<16xf32>, vector<16xf32> -> vector<32xbf16>
        %add3A_2352 = arith.addi %broadcast_in_dim3A_2347, %iota3A : vector<16xi32>
        %gather3A_2353 = arith.constant 0 : i32
        %gather3A_2354 = tpu.memref_slice %arg5[%gather3A_2353] : memref<65536xi32, #tpu.memory_space<vmem>> -> memref<65488xi32, #tpu.memory_space<vmem>>
        %gather3A_2355 = tpu.vector_load_idx %gather3A_2354[%add3A_2352] : memref<65488xi32, #tpu.memory_space<vmem>>[vector<16xi32>], vector<16xi32>,
        %gather3A_2356 = arith.constant 64 : i32
        %gather3A_2357 = tpu.memref_slice %arg5[%gather3A_2356] : memref<65536xi32, #tpu.memory_space<vmem>> -> memref<65424xi32, #tpu.memory_space<vmem>>
        %gather3A_2358 = tpu.vector_load_idx %gather3A_2357[%add3A_2352] : memref<65424xi32, #tpu.memory_space<vmem>>[vector<16xi32>], vector<16xi32>,
        %bitcast3A_2359 = vector.bitcast %gather3A_2202 : vector<16xi32> to vector<32xbf16>
        %bitcast3A_2360 = vector.bitcast %gather3A_2199 : vector<16xi32> to vector<32xbf16>
        %sub3A_2361 = arith.subf %bitcast3A_2359, %bitcast3A_2360 : vector<32xbf16>
        %mul3A_2362 = arith.mulf %sub3A_2361, %pack3A_2195 : vector<32xbf16>
        %bitcast3A_2363 = vector.bitcast %mul3A_2362 : vector<32xbf16> to vector<16xi32>
        %shift_left3A_2364 = arith.constant 16 : i32
        %shift_left3A_2365 = vector.broadcast %shift_left3A_2364 : i32 to vector<16xi32>
        %shift_left3A_2366 = arith.shli %gather3A_2199, %shift_left3A_2365 : vector<16xi32>
        %bitcast3A_2367 = vector.bitcast %shift_left3A_2366 : vector<16xi32> to vector<16xf32>
        %and3A_2368 = vector.broadcast %scan3A_47 : i32 to vector<16xi32>
        %and3A_2369 = arith.andi %gather3A_2199, %and3A_2368 : vector<16xi32>
        %bitcast3A_2370 = vector.bitcast %and3A_2369 : vector<16xi32> to vector<16xf32>
        %shift_left3A_2371 = arith.constant 16 : i32
        %shift_left3A_2372 = vector.broadcast %shift_left3A_2371 : i32 to vector<16xi32>
        %shift_left3A_2373 = arith.shli %bitcast3A_2363, %shift_left3A_2372 : vector<16xi32>
        %bitcast3A_2374 = vector.bitcast %shift_left3A_2373 : vector<16xi32> to vector<16xf32>
        %and3A_2375 = vector.broadcast %scan3A_47 : i32 to vector<16xi32>
        %and3A_2376 = arith.andi %bitcast3A_2363, %and3A_2375 : vector<16xi32>
        %bitcast3A_2377 = vector.bitcast %and3A_2376 : vector<16xi32> to vector<16xf32>
        %add3A_2378 = arith.addf %bitcast3A_2367, %bitcast3A_2374 : vector<16xf32>
        %add3A_2379 = arith.constant 14 : i32
        %add3A_2380 = arith.addi %add3A_136, %add3A_2379 : i32
        %swap3A_2381 = arith.index_cast %add3A_2380 : i32 to index
        %swap3A_2382 = arith.constant 0 : index
        %swap3A_2383 = tpu.vector_load %arg9[%swap3A_2381, %swap3A_2382] {strides = array<i32>} : memref<384x128xf32, #tpu.memory_space<vmem>>, vector<16xf32>,
        tpu.vector_store %arg9[%swap3A_2381, %swap3A_2382], %add3A_2378 {strides = array<i32>} : memref<384x128xf32, #tpu.memory_space<vmem>>, vector<16xf32>,
        %add3A_2384 = arith.addf %bitcast3A_2370, %bitcast3A_2377 : vector<16xf32>
        %add3A_2385 = arith.constant 14 : i32
        %add3A_2386 = arith.addi %add3A_136, %add3A_2385 : i32
        %swap3A_2387 = arith.index_cast %add3A_2386 : i32 to index
        %swap3A_2388 = arith.constant 64 : index
        %swap3A_2389 = tpu.vector_load %arg9[%swap3A_2387, %swap3A_2388] {strides = array<i32>} : memref<384x128xf32, #tpu.memory_space<vmem>>, vector<16xf32>,
        tpu.vector_store %arg9[%swap3A_2387, %swap3A_2388], %add3A_2384 {strides = array<i32>} : memref<384x128xf32, #tpu.memory_space<vmem>>, vector<16xf32>,
        %gather3A_2390 = arith.constant 16 : i32
        %gather3A_2391 = tpu.memref_slice %arg5[%gather3A_2390] : memref<65536xi32, #tpu.memory_space<vmem>> -> memref<65488xi32, #tpu.memory_space<vmem>>
        %gather3A_2392 = tpu.vector_load_idx %gather3A_2391[%add3A_2352] : memref<65488xi32, #tpu.memory_space<vmem>>[vector<16xi32>], vector<16xi32>,
        %gather3A_2393 = arith.constant 80 : i32
        %gather3A_2394 = tpu.memref_slice %arg5[%gather3A_2393] : memref<65536xi32, #tpu.memory_space<vmem>> -> memref<65424xi32, #tpu.memory_space<vmem>>
        %gather3A_2395 = tpu.vector_load_idx %gather3A_2394[%add3A_2352] : memref<65424xi32, #tpu.memory_space<vmem>>[vector<16xi32>], vector<16xi32>,
        %bitcast3A_2396 = vector.bitcast %gather3A_2239 : vector<16xi32> to vector<32xbf16>
        %bitcast3A_2397 = vector.bitcast %gather3A_2236 : vector<16xi32> to vector<32xbf16>
        %sub3A_2398 = arith.subf %bitcast3A_2396, %bitcast3A_2397 : vector<32xbf16>
        %mul3A_2399 = arith.mulf %sub3A_2398, %pack3A_2195 : vector<32xbf16>
        %bitcast3A_2400 = vector.bitcast %mul3A_2399 : vector<32xbf16> to vector<16xi32>
        %shift_left3A_2401 = arith.constant 16 : i32
        %shift_left3A_2402 = vector.broadcast %shift_left3A_2401 : i32 to vector<16xi32>
        %shift_left3A_2403 = arith.shli %gather3A_2236, %shift_left3A_2402 : vector<16xi32>
        %bitcast3A_2404 = vector.bitcast %shift_left3A_2403 : vector<16xi32> to vector<16xf32>
        %and3A_2405 = vector.broadcast %scan3A_47 : i32 to vector<16xi32>
        %and3A_2406 = arith.andi %gather3A_2236, %and3A_2405 : vector<16xi32>
        %bitcast3A_2407 = vector.bitcast %and3A_2406 : vector<16xi32> to vector<16xf32>
        %shift_left3A_2408 = arith.constant 16 : i32
        %shift_left3A_2409 = vector.broadcast %shift_left3A_2408 : i32 to vector<16xi32>
        %shift_left3A_2410 = arith.shli %bitcast3A_2400, %shift_left3A_2409 : vector<16xi32>
        %bitcast3A_2411 = vector.bitcast %shift_left3A_2410 : vector<16xi32> to vector<16xf32>
        %and3A_2412 = vector.broadcast %scan3A_47 : i32 to vector<16xi32>
        %and3A_2413 = arith.andi %bitcast3A_2400, %and3A_2412 : vector<16xi32>
        %bitcast3A_2414 = vector.bitcast %and3A_2413 : vector<16xi32> to vector<16xf32>
        %add3A_2415 = arith.addf %bitcast3A_2404, %bitcast3A_2411 : vector<16xf32>
        %add3A_2416 = arith.constant 14 : i32
        %add3A_2417 = arith.addi %add3A_136, %add3A_2416 : i32
        %swap3A_2418 = arith.index_cast %add3A_2417 : i32 to index
        %swap3A_2419 = arith.constant 16 : index
        %swap3A_2420 = tpu.vector_load %arg9[%swap3A_2418, %swap3A_2419] {strides = array<i32>} : memref<384x128xf32, #tpu.memory_space<vmem>>, vector<16xf32>,
        tpu.vector_store %arg9[%swap3A_2418, %swap3A_2419], %add3A_2415 {strides = array<i32>} : memref<384x128xf32, #tpu.memory_space<vmem>>, vector<16xf32>,
        %add3A_2421 = arith.addf %bitcast3A_2407, %bitcast3A_2414 : vector<16xf32>
        %add3A_2422 = arith.constant 14 : i32
        %add3A_2423 = arith.addi %add3A_136, %add3A_2422 : i32
        %swap3A_2424 = arith.index_cast %add3A_2423 : i32 to index
        %swap3A_2425 = arith.constant 80 : index
        %swap3A_2426 = tpu.vector_load %arg9[%swap3A_2424, %swap3A_2425] {strides = array<i32>} : memref<384x128xf32, #tpu.memory_space<vmem>>, vector<16xf32>,
        tpu.vector_store %arg9[%swap3A_2424, %swap3A_2425], %add3A_2421 {strides = array<i32>} : memref<384x128xf32, #tpu.memory_space<vmem>>, vector<16xf32>,
        %gather3A_2427 = arith.constant 32 : i32
        %gather3A_2428 = tpu.memref_slice %arg5[%gather3A_2427] : memref<65536xi32, #tpu.memory_space<vmem>> -> memref<65488xi32, #tpu.memory_space<vmem>>
        %gather3A_2429 = tpu.vector_load_idx %gather3A_2428[%add3A_2352] : memref<65488xi32, #tpu.memory_space<vmem>>[vector<16xi32>], vector<16xi32>,
        %gather3A_2430 = arith.constant 96 : i32
        %gather3A_2431 = tpu.memref_slice %arg5[%gather3A_2430] : memref<65536xi32, #tpu.memory_space<vmem>> -> memref<65424xi32, #tpu.memory_space<vmem>>
        %gather3A_2432 = tpu.vector_load_idx %gather3A_2431[%add3A_2352] : memref<65424xi32, #tpu.memory_space<vmem>>[vector<16xi32>], vector<16xi32>,
        %bitcast3A_2433 = vector.bitcast %gather3A_2276 : vector<16xi32> to vector<32xbf16>
        %bitcast3A_2434 = vector.bitcast %gather3A_2273 : vector<16xi32> to vector<32xbf16>
        %sub3A_2435 = arith.subf %bitcast3A_2433, %bitcast3A_2434 : vector<32xbf16>
        %mul3A_2436 = arith.mulf %sub3A_2435, %pack3A_2195 : vector<32xbf16>
        %bitcast3A_2437 = vector.bitcast %mul3A_2436 : vector<32xbf16> to vector<16xi32>
        %shift_left3A_2438 = arith.constant 16 : i32
        %shift_left3A_2439 = vector.broadcast %shift_left3A_2438 : i32 to vector<16xi32>
        %shift_left3A_2440 = arith.shli %gather3A_2273, %shift_left3A_2439 : vector<16xi32>
        %bitcast3A_2441 = vector.bitcast %shift_left3A_2440 : vector<16xi32> to vector<16xf32>
        %and3A_2442 = vector.broadcast %scan3A_47 : i32 to vector<16xi32>
        %and3A_2443 = arith.andi %gather3A_2273, %and3A_2442 : vector<16xi32>
        %bitcast3A_2444 = vector.bitcast %and3A_2443 : vector<16xi32> to vector<16xf32>
        %shift_left3A_2445 = arith.constant 16 : i32
        %shift_left3A_2446 = vector.broadcast %shift_left3A_2445 : i32 to vector<16xi32>
        %shift_left3A_2447 = arith.shli %bitcast3A_2437, %shift_left3A_2446 : vector<16xi32>
        %bitcast3A_2448 = vector.bitcast %shift_left3A_2447 : vector<16xi32> to vector<16xf32>
        %and3A_2449 = vector.broadcast %scan3A_47 : i32 to vector<16xi32>
        %and3A_2450 = arith.andi %bitcast3A_2437, %and3A_2449 : vector<16xi32>
        %bitcast3A_2451 = vector.bitcast %and3A_2450 : vector<16xi32> to vector<16xf32>
        %add3A_2452 = arith.addf %bitcast3A_2441, %bitcast3A_2448 : vector<16xf32>
        %add3A_2453 = arith.constant 14 : i32
        %add3A_2454 = arith.addi %add3A_136, %add3A_2453 : i32
        %swap3A_2455 = arith.index_cast %add3A_2454 : i32 to index
        %swap3A_2456 = arith.constant 32 : index
        %swap3A_2457 = tpu.vector_load %arg9[%swap3A_2455, %swap3A_2456] {strides = array<i32>} : memref<384x128xf32, #tpu.memory_space<vmem>>, vector<16xf32>,
        tpu.vector_store %arg9[%swap3A_2455, %swap3A_2456], %add3A_2452 {strides = array<i32>} : memref<384x128xf32, #tpu.memory_space<vmem>>, vector<16xf32>,
        %add3A_2458 = arith.addf %bitcast3A_2444, %bitcast3A_2451 : vector<16xf32>
        %add3A_2459 = arith.constant 14 : i32
        %add3A_2460 = arith.addi %add3A_136, %add3A_2459 : i32
        %swap3A_2461 = arith.index_cast %add3A_2460 : i32 to index
        %swap3A_2462 = arith.constant 96 : index
        %swap3A_2463 = tpu.vector_load %arg9[%swap3A_2461, %swap3A_2462] {strides = array<i32>} : memref<384x128xf32, #tpu.memory_space<vmem>>, vector<16xf32>,
        tpu.vector_store %arg9[%swap3A_2461, %swap3A_2462], %add3A_2458 {strides = array<i32>} : memref<384x128xf32, #tpu.memory_space<vmem>>, vector<16xf32>,
        %gather3A_2464 = arith.constant 48 : i32
        %gather3A_2465 = tpu.memref_slice %arg5[%gather3A_2464] : memref<65536xi32, #tpu.memory_space<vmem>> -> memref<65488xi32, #tpu.memory_space<vmem>>
        %gather3A_2466 = tpu.vector_load_idx %gather3A_2465[%add3A_2352] : memref<65488xi32, #tpu.memory_space<vmem>>[vector<16xi32>], vector<16xi32>,
        %gather3A_2467 = arith.constant 112 : i32
        %gather3A_2468 = tpu.memref_slice %arg5[%gather3A_2467] : memref<65536xi32, #tpu.memory_space<vmem>> -> memref<65424xi32, #tpu.memory_space<vmem>>
        %gather3A_2469 = tpu.vector_load_idx %gather3A_2468[%add3A_2352] : memref<65424xi32, #tpu.memory_space<vmem>>[vector<16xi32>], vector<16xi32>,
        %bitcast3A_2470 = vector.bitcast %gather3A_2313 : vector<16xi32> to vector<32xbf16>
        %bitcast3A_2471 = vector.bitcast %gather3A_2310 : vector<16xi32> to vector<32xbf16>
        %sub3A_2472 = arith.subf %bitcast3A_2470, %bitcast3A_2471 : vector<32xbf16>
        %mul3A_2473 = arith.mulf %sub3A_2472, %pack3A_2195 : vector<32xbf16>
        %bitcast3A_2474 = vector.bitcast %mul3A_2473 : vector<32xbf16> to vector<16xi32>
        %shift_left3A_2475 = arith.constant 16 : i32
        %shift_left3A_2476 = vector.broadcast %shift_left3A_2475 : i32 to vector<16xi32>
        %shift_left3A_2477 = arith.shli %gather3A_2310, %shift_left3A_2476 : vector<16xi32>
        %bitcast3A_2478 = vector.bitcast %shift_left3A_2477 : vector<16xi32> to vector<16xf32>
        %and3A_2479 = vector.broadcast %scan3A_47 : i32 to vector<16xi32>
        %and3A_2480 = arith.andi %gather3A_2310, %and3A_2479 : vector<16xi32>
        %bitcast3A_2481 = vector.bitcast %and3A_2480 : vector<16xi32> to vector<16xf32>
        %shift_left3A_2482 = arith.constant 16 : i32
        %shift_left3A_2483 = vector.broadcast %shift_left3A_2482 : i32 to vector<16xi32>
        %shift_left3A_2484 = arith.shli %bitcast3A_2474, %shift_left3A_2483 : vector<16xi32>
        %bitcast3A_2485 = vector.bitcast %shift_left3A_2484 : vector<16xi32> to vector<16xf32>
        %and3A_2486 = vector.broadcast %scan3A_47 : i32 to vector<16xi32>
        %and3A_2487 = arith.andi %bitcast3A_2474, %and3A_2486 : vector<16xi32>
        %bitcast3A_2488 = vector.bitcast %and3A_2487 : vector<16xi32> to vector<16xf32>
        %add3A_2489 = arith.addf %bitcast3A_2478, %bitcast3A_2485 : vector<16xf32>
        %add3A_2490 = arith.constant 14 : i32
        %add3A_2491 = arith.addi %add3A_136, %add3A_2490 : i32
        %swap3A_2492 = arith.index_cast %add3A_2491 : i32 to index
        %swap3A_2493 = arith.constant 48 : index
        %swap3A_2494 = tpu.vector_load %arg9[%swap3A_2492, %swap3A_2493] {strides = array<i32>} : memref<384x128xf32, #tpu.memory_space<vmem>>, vector<16xf32>,
        tpu.vector_store %arg9[%swap3A_2492, %swap3A_2493], %add3A_2489 {strides = array<i32>} : memref<384x128xf32, #tpu.memory_space<vmem>>, vector<16xf32>,
        %add3A_2495 = arith.addf %bitcast3A_2481, %bitcast3A_2488 : vector<16xf32>
        %add3A_2496 = arith.constant 14 : i32
        %add3A_2497 = arith.addi %add3A_136, %add3A_2496 : i32
        %swap3A_2498 = arith.index_cast %add3A_2497 : i32 to index
        %swap3A_2499 = arith.constant 112 : index
        %swap3A_2500 = tpu.vector_load %arg9[%swap3A_2498, %swap3A_2499] {strides = array<i32>} : memref<384x128xf32, #tpu.memory_space<vmem>>, vector<16xf32>,
        tpu.vector_store %arg9[%swap3A_2498, %swap3A_2499], %add3A_2495 {strides = array<i32>} : memref<384x128xf32, #tpu.memory_space<vmem>>, vector<16xf32>,
        %bitcast3A_2501 = vector.bitcast %gather3A_2358 : vector<16xi32> to vector<32xbf16>
        %bitcast3A_2502 = vector.bitcast %gather3A_2355 : vector<16xi32> to vector<32xbf16>
        %sub3A_2503 = arith.subf %bitcast3A_2501, %bitcast3A_2502 : vector<32xbf16>
        %mul3A_2504 = arith.mulf %sub3A_2503, %pack3A_2351 : vector<32xbf16>
        %bitcast3A_2505 = vector.bitcast %mul3A_2504 : vector<32xbf16> to vector<16xi32>
        %shift_left3A_2506 = arith.constant 16 : i32
        %shift_left3A_2507 = vector.broadcast %shift_left3A_2506 : i32 to vector<16xi32>
        %shift_left3A_2508 = arith.shli %gather3A_2355, %shift_left3A_2507 : vector<16xi32>
        %bitcast3A_2509 = vector.bitcast %shift_left3A_2508 : vector<16xi32> to vector<16xf32>
        %and3A_2510 = vector.broadcast %scan3A_47 : i32 to vector<16xi32>
        %and3A_2511 = arith.andi %gather3A_2355, %and3A_2510 : vector<16xi32>
        %bitcast3A_2512 = vector.bitcast %and3A_2511 : vector<16xi32> to vector<16xf32>
        %shift_left3A_2513 = arith.constant 16 : i32
        %shift_left3A_2514 = vector.broadcast %shift_left3A_2513 : i32 to vector<16xi32>
        %shift_left3A_2515 = arith.shli %bitcast3A_2505, %shift_left3A_2514 : vector<16xi32>
        %bitcast3A_2516 = vector.bitcast %shift_left3A_2515 : vector<16xi32> to vector<16xf32>
        %and3A_2517 = vector.broadcast %scan3A_47 : i32 to vector<16xi32>
        %and3A_2518 = arith.andi %bitcast3A_2505, %and3A_2517 : vector<16xi32>
        %bitcast3A_2519 = vector.bitcast %and3A_2518 : vector<16xi32> to vector<16xf32>
        %add3A_2520 = arith.addf %bitcast3A_2509, %bitcast3A_2516 : vector<16xf32>
        %add3A_2521 = arith.constant 15 : i32
        %add3A_2522 = arith.addi %add3A_136, %add3A_2521 : i32
        %swap3A_2523 = arith.index_cast %add3A_2522 : i32 to index
        %swap3A_2524 = arith.constant 0 : index
        %swap3A_2525 = tpu.vector_load %arg9[%swap3A_2523, %swap3A_2524] {strides = array<i32>} : memref<384x128xf32, #tpu.memory_space<vmem>>, vector<16xf32>,
        tpu.vector_store %arg9[%swap3A_2523, %swap3A_2524], %add3A_2520 {strides = array<i32>} : memref<384x128xf32, #tpu.memory_space<vmem>>, vector<16xf32>,
        %add3A_2526 = arith.addf %bitcast3A_2512, %bitcast3A_2519 : vector<16xf32>
        %add3A_2527 = arith.constant 15 : i32
        %add3A_2528 = arith.addi %add3A_136, %add3A_2527 : i32
        %swap3A_2529 = arith.index_cast %add3A_2528 : i32 to index
        %swap3A_2530 = arith.constant 64 : index
        %swap3A_2531 = tpu.vector_load %arg9[%swap3A_2529, %swap3A_2530] {strides = array<i32>} : memref<384x128xf32, #tpu.memory_space<vmem>>, vector<16xf32>,
        tpu.vector_store %arg9[%swap3A_2529, %swap3A_2530], %add3A_2526 {strides = array<i32>} : memref<384x128xf32, #tpu.memory_space<vmem>>, vector<16xf32>,
        %bitcast3A_2532 = vector.bitcast %gather3A_2395 : vector<16xi32> to vector<32xbf16>
        %bitcast3A_2533 = vector.bitcast %gather3A_2392 : vector<16xi32> to vector<32xbf16>
        %sub3A_2534 = arith.subf %bitcast3A_2532, %bitcast3A_2533 : vector<32xbf16>
        %mul3A_2535 = arith.mulf %sub3A_2534, %pack3A_2351 : vector<32xbf16>
        %bitcast3A_2536 = vector.bitcast %mul3A_2535 : vector<32xbf16> to vector<16xi32>
        %shift_left3A_2537 = arith.constant 16 : i32
        %shift_left3A_2538 = vector.broadcast %shift_left3A_2537 : i32 to vector<16xi32>
        %shift_left3A_2539 = arith.shli %gather3A_2392, %shift_left3A_2538 : vector<16xi32>
        %bitcast3A_2540 = vector.bitcast %shift_left3A_2539 : vector<16xi32> to vector<16xf32>
        %and3A_2541 = vector.broadcast %scan3A_47 : i32 to vector<16xi32>
        %and3A_2542 = arith.andi %gather3A_2392, %and3A_2541 : vector<16xi32>
        %bitcast3A_2543 = vector.bitcast %and3A_2542 : vector<16xi32> to vector<16xf32>
        %shift_left3A_2544 = arith.constant 16 : i32
        %shift_left3A_2545 = vector.broadcast %shift_left3A_2544 : i32 to vector<16xi32>
        %shift_left3A_2546 = arith.shli %bitcast3A_2536, %shift_left3A_2545 : vector<16xi32>
        %bitcast3A_2547 = vector.bitcast %shift_left3A_2546 : vector<16xi32> to vector<16xf32>
        %and3A_2548 = vector.broadcast %scan3A_47 : i32 to vector<16xi32>
        %and3A_2549 = arith.andi %bitcast3A_2536, %and3A_2548 : vector<16xi32>
        %bitcast3A_2550 = vector.bitcast %and3A_2549 : vector<16xi32> to vector<16xf32>
        %add3A_2551 = arith.addf %bitcast3A_2540, %bitcast3A_2547 : vector<16xf32>
        %add3A_2552 = arith.constant 15 : i32
        %add3A_2553 = arith.addi %add3A_136, %add3A_2552 : i32
        %swap3A_2554 = arith.index_cast %add3A_2553 : i32 to index
        %swap3A_2555 = arith.constant 16 : index
        %swap3A_2556 = tpu.vector_load %arg9[%swap3A_2554, %swap3A_2555] {strides = array<i32>} : memref<384x128xf32, #tpu.memory_space<vmem>>, vector<16xf32>,
        tpu.vector_store %arg9[%swap3A_2554, %swap3A_2555], %add3A_2551 {strides = array<i32>} : memref<384x128xf32, #tpu.memory_space<vmem>>, vector<16xf32>,
        %add3A_2557 = arith.addf %bitcast3A_2543, %bitcast3A_2550 : vector<16xf32>
        %add3A_2558 = arith.constant 15 : i32
        %add3A_2559 = arith.addi %add3A_136, %add3A_2558 : i32
        %swap3A_2560 = arith.index_cast %add3A_2559 : i32 to index
        %swap3A_2561 = arith.constant 80 : index
        %swap3A_2562 = tpu.vector_load %arg9[%swap3A_2560, %swap3A_2561] {strides = array<i32>} : memref<384x128xf32, #tpu.memory_space<vmem>>, vector<16xf32>,
        tpu.vector_store %arg9[%swap3A_2560, %swap3A_2561], %add3A_2557 {strides = array<i32>} : memref<384x128xf32, #tpu.memory_space<vmem>>, vector<16xf32>,
        %bitcast3A_2563 = vector.bitcast %gather3A_2432 : vector<16xi32> to vector<32xbf16>
        %bitcast3A_2564 = vector.bitcast %gather3A_2429 : vector<16xi32> to vector<32xbf16>
        %sub3A_2565 = arith.subf %bitcast3A_2563, %bitcast3A_2564 : vector<32xbf16>
        %mul3A_2566 = arith.mulf %sub3A_2565, %pack3A_2351 : vector<32xbf16>
        %bitcast3A_2567 = vector.bitcast %mul3A_2566 : vector<32xbf16> to vector<16xi32>
        %shift_left3A_2568 = arith.constant 16 : i32
        %shift_left3A_2569 = vector.broadcast %shift_left3A_2568 : i32 to vector<16xi32>
        %shift_left3A_2570 = arith.shli %gather3A_2429, %shift_left3A_2569 : vector<16xi32>
        %bitcast3A_2571 = vector.bitcast %shift_left3A_2570 : vector<16xi32> to vector<16xf32>
        %and3A_2572 = vector.broadcast %scan3A_47 : i32 to vector<16xi32>
        %and3A_2573 = arith.andi %gather3A_2429, %and3A_2572 : vector<16xi32>
        %bitcast3A_2574 = vector.bitcast %and3A_2573 : vector<16xi32> to vector<16xf32>
        %shift_left3A_2575 = arith.constant 16 : i32
        %shift_left3A_2576 = vector.broadcast %shift_left3A_2575 : i32 to vector<16xi32>
        %shift_left3A_2577 = arith.shli %bitcast3A_2567, %shift_left3A_2576 : vector<16xi32>
        %bitcast3A_2578 = vector.bitcast %shift_left3A_2577 : vector<16xi32> to vector<16xf32>
        %and3A_2579 = vector.broadcast %scan3A_47 : i32 to vector<16xi32>
        %and3A_2580 = arith.andi %bitcast3A_2567, %and3A_2579 : vector<16xi32>
        %bitcast3A_2581 = vector.bitcast %and3A_2580 : vector<16xi32> to vector<16xf32>
        %add3A_2582 = arith.addf %bitcast3A_2571, %bitcast3A_2578 : vector<16xf32>
        %add3A_2583 = arith.constant 15 : i32
        %add3A_2584 = arith.addi %add3A_136, %add3A_2583 : i32
        %swap3A_2585 = arith.index_cast %add3A_2584 : i32 to index
        %swap3A_2586 = arith.constant 32 : index
        %swap3A_2587 = tpu.vector_load %arg9[%swap3A_2585, %swap3A_2586] {strides = array<i32>} : memref<384x128xf32, #tpu.memory_space<vmem>>, vector<16xf32>,
        tpu.vector_store %arg9[%swap3A_2585, %swap3A_2586], %add3A_2582 {strides = array<i32>} : memref<384x128xf32, #tpu.memory_space<vmem>>, vector<16xf32>,
        %add3A_2588 = arith.addf %bitcast3A_2574, %bitcast3A_2581 : vector<16xf32>
        %add3A_2589 = arith.constant 15 : i32
        %add3A_2590 = arith.addi %add3A_136, %add3A_2589 : i32
        %swap3A_2591 = arith.index_cast %add3A_2590 : i32 to index
        %swap3A_2592 = arith.constant 96 : index
        %swap3A_2593 = tpu.vector_load %arg9[%swap3A_2591, %swap3A_2592] {strides = array<i32>} : memref<384x128xf32, #tpu.memory_space<vmem>>, vector<16xf32>,
        tpu.vector_store %arg9[%swap3A_2591, %swap3A_2592], %add3A_2588 {strides = array<i32>} : memref<384x128xf32, #tpu.memory_space<vmem>>, vector<16xf32>,
        %bitcast3A_2594 = vector.bitcast %gather3A_2469 : vector<16xi32> to vector<32xbf16>
        %bitcast3A_2595 = vector.bitcast %gather3A_2466 : vector<16xi32> to vector<32xbf16>
        %sub3A_2596 = arith.subf %bitcast3A_2594, %bitcast3A_2595 : vector<32xbf16>
        %mul3A_2597 = arith.mulf %sub3A_2596, %pack3A_2351 : vector<32xbf16>
        %bitcast3A_2598 = vector.bitcast %mul3A_2597 : vector<32xbf16> to vector<16xi32>
        %shift_left3A_2599 = arith.constant 16 : i32
        %shift_left3A_2600 = vector.broadcast %shift_left3A_2599 : i32 to vector<16xi32>
        %shift_left3A_2601 = arith.shli %gather3A_2466, %shift_left3A_2600 : vector<16xi32>
        %bitcast3A_2602 = vector.bitcast %shift_left3A_2601 : vector<16xi32> to vector<16xf32>
        %and3A_2603 = vector.broadcast %scan3A_47 : i32 to vector<16xi32>
        %and3A_2604 = arith.andi %gather3A_2466, %and3A_2603 : vector<16xi32>
        %bitcast3A_2605 = vector.bitcast %and3A_2604 : vector<16xi32> to vector<16xf32>
        %shift_left3A_2606 = arith.constant 16 : i32
        %shift_left3A_2607 = vector.broadcast %shift_left3A_2606 : i32 to vector<16xi32>
        %shift_left3A_2608 = arith.shli %bitcast3A_2598, %shift_left3A_2607 : vector<16xi32>
        %bitcast3A_2609 = vector.bitcast %shift_left3A_2608 : vector<16xi32> to vector<16xf32>
        %and3A_2610 = vector.broadcast %scan3A_47 : i32 to vector<16xi32>
        %and3A_2611 = arith.andi %bitcast3A_2598, %and3A_2610 : vector<16xi32>
        %bitcast3A_2612 = vector.bitcast %and3A_2611 : vector<16xi32> to vector<16xf32>
        %add3A_2613 = arith.addf %bitcast3A_2602, %bitcast3A_2609 : vector<16xf32>
        %add3A_2614 = arith.constant 15 : i32
        %add3A_2615 = arith.addi %add3A_136, %add3A_2614 : i32
        %swap3A_2616 = arith.index_cast %add3A_2615 : i32 to index
        %swap3A_2617 = arith.constant 48 : index
        %swap3A_2618 = tpu.vector_load %arg9[%swap3A_2616, %swap3A_2617] {strides = array<i32>} : memref<384x128xf32, #tpu.memory_space<vmem>>, vector<16xf32>,
        tpu.vector_store %arg9[%swap3A_2616, %swap3A_2617], %add3A_2613 {strides = array<i32>} : memref<384x128xf32, #tpu.memory_space<vmem>>, vector<16xf32>,
        %add3A_2619 = arith.addf %bitcast3A_2605, %bitcast3A_2612 : vector<16xf32>
        %add3A_2620 = arith.constant 15 : i32
        %add3A_2621 = arith.addi %add3A_136, %add3A_2620 : i32
        %swap3A_2622 = arith.index_cast %add3A_2621 : i32 to index
        %swap3A_2623 = arith.constant 112 : index
        %swap3A_2624 = tpu.vector_load %arg9[%swap3A_2622, %swap3A_2623] {strides = array<i32>} : memref<384x128xf32, #tpu.memory_space<vmem>>, vector<16xf32>,
        tpu.vector_store %arg9[%swap3A_2622, %swap3A_2623], %add3A_2619 {strides = array<i32>} : memref<384x128xf32, #tpu.memory_space<vmem>>, vector<16xf32>,
        %scan3A_2625 = arith.constant 0 : i32
        scf.yield %scan3A_2625 : i32
      }
      %scan3A_113 = arith.constant 8 : i32
      %mul3A_114 = arith.constant 128 : i32
      %mul3A_115 = arith.muli %scan3A_85, %mul3A_114 : i32
      %add3A_116 = arith.addi %mul3A_32, %mul3A_115 : i32
      %dma_start3A_117 = arith.constant 0 : i32
      %dma_start3A_118 = tpu.memref_slice %arg9[%mul3A_104, %dma_start3A_117] : memref<384x128xf32, #tpu.memory_space<vmem>> -> memref<128x128xf32, #tpu.memory_space<vmem>>
      %dma_start3A_119 = tpu.memref_slice %arg4[%add3A_116, %mul3A_34] : memref<65536x256xf32, #tpu.memory_space<hbm>> -> memref<128x128xf32, #tpu.memory_space<hbm>>
      %dma_start3A_120 = tpu.memref_slice %arg4[%add3A_116, %mul3A_34] : memref<65536x256xf32, #tpu.memory_space<hbm>> -> memref<128x128xf32, #tpu.memory_space<hbm>>
      %dma_start3A_121 = arith.constant 0 : i32
      %dma_start3A_122 = tpu.memref_slice %arg9[%mul3A_104, %dma_start3A_121] : memref<384x128xf32, #tpu.memory_space<vmem>> -> memref<128x128xf32, #tpu.memory_space<vmem>>
      tpu.enqueue_dma source(%dma_start3A_122 : memref<128x128xf32, #tpu.memory_space<vmem>>) target(%dma_start3A_120 : memref<128x128xf32, #tpu.memory_space<hbm>>) target_semaphore(%arg10 : memref<!tpu.dma_semaphore, #tpu.memory_space<semaphore_mem>>)
      %scan3A_123 = arith.constant 0 : i32
      scf.yield %scan3A_123 : i32
    }
    %scan3A_54 = arith.constant 32 : i32
    %add3A_55 = arith.constant 3712 : i32
    %add3A_56 = arith.addi %mul3A_32, %add3A_55 : i32
    %dma_wait3A_57 = arith.constant 256 : i32
    %dma_wait3A_58 = arith.constant 0 : i32
    %dma_wait3A_59 = tpu.memref_slice %arg9[%dma_wait3A_57, %dma_wait3A_58] : memref<384x128xf32, #tpu.memory_space<vmem>> -> memref<128x128xf32, #tpu.memory_space<vmem>>
    %dma_wait3A_60 = tpu.memref_slice %arg4[%add3A_56, %mul3A_34] : memref<65536x256xf32, #tpu.memory_space<hbm>> -> memref<128x128xf32, #tpu.memory_space<hbm>>
    %dma_wait3A_61 = tpu.memref_slice %arg4[%add3A_56, %mul3A_34] : memref<65536x256xf32, #tpu.memory_space<hbm>> -> memref<128x128xf32, #tpu.memory_space<hbm>>
    %dma_wait3A_62 = arith.constant 256 : i32
    %dma_wait3A_63 = arith.constant 0 : i32
    %dma_wait3A_64 = tpu.memref_slice %arg9[%dma_wait3A_62, %dma_wait3A_63] : memref<384x128xf32, #tpu.memory_space<vmem>> -> memref<128x128xf32, #tpu.memory_space<vmem>>
    tpu.wait_dma2 semaphore(%arg10 : memref<!tpu.dma_semaphore, #tpu.memory_space<semaphore_mem>>) src(%dma_wait3A_64 : memref<128x128xf32, #tpu.memory_space<vmem>>) dst(%dma_wait3A_61 : memref<128x128xf32, #tpu.memory_space<hbm>>)
    %add3A_65 = arith.constant 3840 : i32
    %add3A_66 = arith.addi %mul3A_32, %add3A_65 : i32
    %dma_wait3A_67 = arith.constant 0 : i32
    %dma_wait3A_68 = arith.constant 0 : i32
    %dma_wait3A_69 = tpu.memref_slice %arg9[%dma_wait3A_67, %dma_wait3A_68] : memref<384x128xf32, #tpu.memory_space<vmem>> -> memref<128x128xf32, #tpu.memory_space<vmem>>
    %dma_wait3A_70 = tpu.memref_slice %arg4[%add3A_66, %mul3A_34] : memref<65536x256xf32, #tpu.memory_space<hbm>> -> memref<128x128xf32, #tpu.memory_space<hbm>>
    %dma_wait3A_71 = tpu.memref_slice %arg4[%add3A_66, %mul3A_34] : memref<65536x256xf32, #tpu.memory_space<hbm>> -> memref<128x128xf32, #tpu.memory_space<hbm>>
    %dma_wait3A_72 = arith.constant 0 : i32
    %dma_wait3A_73 = arith.constant 0 : i32
    %dma_wait3A_74 = tpu.memref_slice %arg9[%dma_wait3A_72, %dma_wait3A_73] : memref<384x128xf32, #tpu.memory_space<vmem>> -> memref<128x128xf32, #tpu.memory_space<vmem>>
    tpu.wait_dma2 semaphore(%arg10 : memref<!tpu.dma_semaphore, #tpu.memory_space<semaphore_mem>>) src(%dma_wait3A_74 : memref<128x128xf32, #tpu.memory_space<vmem>>) dst(%dma_wait3A_71 : memref<128x128xf32, #tpu.memory_space<hbm>>)
    %add3A_75 = arith.constant 3968 : i32
    %add3A_76 = arith.addi %mul3A_32, %add3A_75 : i32
    %dma_wait3A_77 = arith.constant 128 : i32
    %dma_wait3A_78 = arith.constant 0 : i32
    %dma_wait3A_79 = tpu.memref_slice %arg9[%dma_wait3A_77, %dma_wait3A_78] : memref<384x128xf32, #tpu.memory_space<vmem>> -> memref<128x128xf32, #tpu.memory_space<vmem>>
    %dma_wait3A_80 = tpu.memref_slice %arg4[%add3A_76, %mul3A_34] : memref<65536x256xf32, #tpu.memory_space<hbm>> -> memref<128x128xf32, #tpu.memory_space<hbm>>
    %dma_wait3A_81 = tpu.memref_slice %arg4[%add3A_76, %mul3A_34] : memref<65536x256xf32, #tpu.memory_space<hbm>> -> memref<128x128xf32, #tpu.memory_space<hbm>>
    %dma_wait3A_82 = arith.constant 128 : i32
    %dma_wait3A_83 = arith.constant 0 : i32
    %dma_wait3A_84 = tpu.memref_slice %arg9[%dma_wait3A_82, %dma_wait3A_83] : memref<384x128xf32, #tpu.memory_space<vmem>> -> memref<128x128xf32, #tpu.memory_space<vmem>>
    tpu.wait_dma2 semaphore(%arg10 : memref<!tpu.dma_semaphore, #tpu.memory_space<semaphore_mem>>) src(%dma_wait3A_84 : memref<128x128xf32, #tpu.memory_space<vmem>>) dst(%dma_wait3A_81 : memref<128x128xf32, #tpu.memory_space<hbm>>)
    return
  }
}

</mosaic_0001>

<sc_bundles>
// kernel: kernel.3.cloned.1.call-start
scs
__scs_entry_jumppad:
0x0: {  	(pc) =	sbr.rel $0x88, $3  }
0x1: {  	(tag) =	ssettag $0x0;
	lr =	simm.s32 $0x1  }
0x2: {  	[smem:$0x3F9F] =	sst lr;
	_ =	strace $0xD0000000  }
0x3: {  	_ = 	snop  }
0x4: {  	_ = 	snop  }
0x5: {  	_ = 	snop  }
0x6: {  	_ = 	snop  }
0x7: {  	_ = 	snop  }
__scs_overlays_trampoline_lowered:
0x8: {  	[smem:$0x3FAE] =	sst s0  }
0x9: {  	[smem:$0x3FAF] =	sst s1  }
0xa: {  	[smem:$0x3FB0] =	sst s2  }
0xb: {  	[smem:$0x3FB1] =	sst s3  }
0xc: {  	[smem:$0x3FB2] =	sst s4  }
0xd: {  	[smem:$0x3FB3] =	sst s5  }
0xe: {  	[smem:$0x3FB4] =	sst s6  }
0xf: {  	[smem:$0x3FB5] =	sst s7  }
0x10: {  	[smem:$0x3FB6] =	sst s8  }
0x11: {  	[smem:$0x3FB7] =	sst s9;
	s0 =	simm.s32 @!p0 $0x0  }
0x12: {  	s1 =	sld [smem:$0x3F9D];
	s0 =	simm.s32 @p0 $0x1  }
0x13: {  	[smem:$0x3FB8] =	sst s0;
	s0 =	simm.s32 @!p1 $0x0  }
0x14: {  	s2 =	sld [smem:$0x3F9C];
	s0 =	simm.s32 @p1 $0x1  }
0x15: {  	[smem:$0x3FB9] =	sst s0;
	s0 =	simm.s32 @!p2 $0x0  }
0x16: {  	s3 =	sld [smem:$0x3FDB];
	s0 =	simm.s32 @p2 $0x1  }
0x17: {  	s4 =	simm.s32 $0x1BF5;
	[smem:$0x3FBB] =	sst s0  }
0x18: {  	s0 =	sld [smem:$0x3F9E];
	_ =	swait.ge [sflag:s4], $0x0  }
0x19: {  	s7 =	sld [smem:$0x3F9F]  }
0x1a: {  	s8 =	sadd.s32 $0xFFFFE003, lr  }
0x1b: {  	s9 =	sadd.s32 $0xFFFFFEF7, lr;
	s5 =	simm.s32 $0xFFFFFFFF;
	p2 =	slt.u32 s8, $0xFFFFF086  }
0x1c: {  	p1 =	slt.u32 s9, $0xF7A;
	s5 =	simm.s32 @!p2 $0x0  }
0x1d: {  	s5 =	simm.s32 @p1 $0x1;
	p0 =	seq.s32 s7, s2  }
0x1e: {  	s7 =	smul.u32 @!p0 $0xF7A, s2;
	p2 =	seq.s32 @!p0 s5, $0x0  }
0x1f: {  	s9 =	smul.u32 $0xF7A, s1;
	s8 =	simm.s32 @!p0 $0x1BF5;
	p2 =	por !p2, p0  }
0x20: {  	[sflag:s8] =	ssyncset.s32 @!p0 $0xFFFFF086;
	s6 =	sadd.s32 @!p0 s3, s7;
	s7 =	simm.s32 @!p0 $0x108  }
0x21: {  	s3 =	sadd.s32 s3, s9;
	s6 =	sadd.s32 @!p0 $0x88, s6;
	s7 =	simm.s32 @p2 $0x1082  }
0x22: {  	[simem:s7], [sflag:s8] =	dma.local @!p0 [hbm:s6], $0xF7A  }
0x23: {  	s9 =	sor.u32 $0xD0000000, s2;
	s6 =	simm.s32 $0x108;
	_ =	swait.ge @!p0 [sflag:s8], $0x0  }
0x24: {  	s3 =	sadd.s32 $0x88, s3;
	s6 =	simm.s32 @!p1 $0x1082;
	[sflag:s4] =	ssyncset.s32 $0xFFFFF086  }
0x25: {  	[simem:s6], [sflag:s4] =	dma.local [hbm:s3], $0xF7A  }
0x26: {  	[smem:$0x3F9F] =	sst s1;
	(tag) =	ssettag s2;
	_ =	strace s9  }
0x27: {  	s1 =	sld [smem:$0x3FAF]  }
0x28: {  	s2 =	sld [smem:$0x3FB0]  }
0x29: {  	s4 =	sld [smem:$0x3FB2]  }
0x2a: {  	p0 =	seq.s32 s5, $0x0;
	s5 =	sld [smem:$0x3FB3]  }
0x2b: {  	s6 =	sld [smem:$0x3FB4]  }
0x2c: {  	s7 =	sld [smem:$0x3FB5]  }
0x2d: {  	s3 =	simm.s32 $0x108;
	s8 =	sld [smem:$0x3FB6]  }
0x2e: {  	s3 =	simm.s32 @!p0 $0x1082;
	s9 =	sld [smem:$0x3FB7]  }
0x2f: {  	lr =	sadd.s32 s0, s3;
	s0 =	sld [smem:$0x3FAE]  }
0x30: {  	s3 =	sld [smem:$0x3FB1]  }
0x31: {  	[smem:$0x3FBA] =	sst s10  }
0x32: {  	s10 =	sld [smem:$0x3FB8];
	_ =	sdelay $0x3  }
0x33: {  	p0 =	seq.s32 s10, $0x1;
	s10 =	sld [smem:$0x3FBA];
	_ =	sdelay $0x3  }
0x34: {  	[smem:$0x3FBA] =	sst s10  }
0x35: {  	s10 =	sld [smem:$0x3FB9];
	_ =	sdelay $0x3  }
0x36: {  	p1 =	seq.s32 s10, $0x1;
	s10 =	sld [smem:$0x3FBA];
	_ =	sdelay $0x3  }
0x37: {  	[smem:$0x3FBA] =	sst s10  }
0x38: {  	s10 =	sld [smem:$0x3FBB]  }
0x39: {  	_ = 	snop;
	(pc) =	sbr.ind lr, $3  }
0x3a: {  	_ = 	snop  }
0x3b: {  	_ = 	snop  }
0x3c: {  	p2 =	seq.s32 s10, $0x1;
	s10 =	sld [smem:$0x3FBA]  }
0x3d: {  	_ =	shalt  }
0x3e: {  	_ =	shalt  }
0x3f: {  	_ =	shalt  }
0x40: {  	_ =	shalt  }
0x41: {  	_ =	shalt  }
0x42: {  	_ =	shalt  }
0x43: {  	_ =	shalt  }
0x44: {  	_ =	shalt  }
0x45: {  	_ =	shalt  }
0x46: {  	_ =	shalt  }
0x47: {  	_ =	shalt  }
0x48: {  	_ =	shalt  }
0x49: {  	_ =	shalt  }
0x4a: {  	_ =	shalt  }
0x4b: {  	_ =	shalt  }
0x4c: {  	_ =	shalt  }
0x4d: {  	_ =	shalt  }
0x4e: {  	_ =	shalt  }
0x4f: {  	_ =	shalt  }
0x50: {  	_ =	shalt  }
0x51: {  	_ =	shalt  }
0x52: {  	_ =	shalt  }
0x53: {  	_ =	shalt  }
0x54: {  	_ =	shalt  }
0x55: {  	_ =	shalt  }
0x56: {  	_ =	shalt  }
0x57: {  	_ =	shalt  }
0x58: {  	_ =	shalt  }
0x59: {  	_ =	shalt  }
0x5a: {  	_ =	shalt  }
0x5b: {  	_ =	shalt  }
0x5c: {  	_ =	shalt  }
0x5d: {  	_ =	shalt  }
0x5e: {  	_ =	shalt  }
0x5f: {  	_ =	shalt  }
0x60: {  	_ =	shalt  }
0x61: {  	_ =	shalt  }
0x62: {  	_ =	shalt  }
0x63: {  	_ =	shalt  }
0x64: {  	_ =	shalt  }
0x65: {  	_ =	shalt  }
0x66: {  	_ =	shalt  }
0x67: {  	_ =	shalt  }
0x68: {  	_ =	shalt  }
0x69: {  	_ =	shalt  }
0x6a: {  	_ =	shalt  }
0x6b: {  	_ =	shalt  }
0x6c: {  	_ =	shalt  }
0x6d: {  	_ =	shalt  }
0x6e: {  	_ =	shalt  }
0x6f: {  	_ =	shalt  }
0x70: {  	_ =	shalt  }
0x71: {  	_ =	shalt  }
0x72: {  	_ =	shalt  }
0x73: {  	_ =	shalt  }
0x74: {  	_ =	shalt  }
0x75: {  	_ =	shalt  }
0x76: {  	_ =	shalt  }
0x77: {  	_ =	shalt  }
0x78: {  	_ =	shalt  }
0x79: {  	_ =	shalt  }
0x7a: {  	_ =	shalt  }
0x7b: {  	_ =	shalt  }
0x7c: {  	_ =	shalt  }
0x7d: {  	_ =	shalt  }
0x7e: {  	_ =	shalt  }
0x7f: {  	_ =	shalt  }
0x80: {  	_ =	shalt  }
0x81: {  	_ =	shalt  }
0x82: {  	_ =	shalt  }
0x83: {  	_ =	shalt  }
0x84: {  	_ =	shalt  }
0x85: {  	_ =	shalt  }
0x86: {  	_ =	shalt  }
0x87: {  	_ =	shalt  }
.Lfunc_end0:
.L_simem_size_0:
called_computation_lowered:
.L_overlay_start_0:
0x88: {  	s2 =	sld [smem:$0x3FD9]  }
0x89: {  	s3 =	sld [smem:$0x3FFE];
	_ =	sdelay $0x1  }
0x8a: {  	s1 =	srdreg.scid  }
0x8b: {  	s0 =	sand.u32 $0x1, s1  }
0x8c: {  	s17 =	sshll.u32 s0, $0xA;
	s2 =	sadd.s32 s3, s2  }
0x8d: {  	s2 =	sadd.s32 s2, s17  }
0x8e: {  	[smem:$0x3FC6] =	sst s2  }
0x8f: {  	_ = 	snop  }
0x90: {  	s2 =	sld [smem:$0x3FC9]  }
0x91: {  	s18 =	sld [smem:$0x3FD0];
	(tm) =	ssettm $0x1  }
0x92: {  	s4 =	sld [smem:$0x3FFB];
	_ =	sdelay $0x3  }
0x93: {  	_ =	strace s4  }
0x94: {  	s4 =	sld [smem:$0x3FFC];
	_ =	sdelay $0x3  }
0x95: {  	_ =	strace s4  }
0x96: {  	s4 =	sld [smem:$0x3FFD];
	_ =	sdelay $0x3  }
0x97: {  	_ =	strace s4  }
0x98: {  	_ =	strace $0x8FFFFFFF  }
0x99: {  	s19 =	sld [smem:$0x3FDB];
	_ =	sdelay $0x1  }
0x9a: {  	s5 =	simm.s32 $_scs_section_size  }
0x9b: {  	s6 =	simm.s32 $_size__tile_overlayer_lowered;
	s7 =	simm.s32 $_tile_overlayer_lowered  }
0x9c: {  	s22 =	simm.s32 $0x1BFF;
	s21 =	sshll.u32 s7, $0x1;
	s4 =	sadd.s32 s5, s19  }
0x9d: {  	s8 =	simm.s32 $0x0;
	s20 =	sshll.u32 s6, $0x1;
	s6 =	sadd.s32 s21, s4  }
0x9e: {  	[timem:s8], [sflag:s22] =	dma.local [hbm:s6], s20  }
0x9f: {  	_ =	swait.ge [sflag:s22], s20  }
0xa0: {  	s5 =	ssub.s32 $0x0, s20;
	[sflag:s22] =	ssyncset.done $0x0  }
0xa1: {  	[sflag:s22] =	ssyncadd.s32 s5;
	_ =	sdelay $0x1  }
0xa2: {  	s23 =	simm.s32 $0x1B8B  }
0xa3: {  	_ =	swait.ge [sflag:s23], $0x1  }
0xa4: {  	[sflag:s23] =	ssyncset.done $0x0  }
0xa5: {  	s25 =	simm.s32 $0x1B8E;
	s24 =	sld [smem:$0x3FFE];
	[sflag:s23] =	ssyncadd.s32 $0xFFFFFFFF  }
0xa6: {  	s26 =	simm.s32 $execute0_lowered;
	[smem:$0x3FD2] =	sst s25  }
0xa7: {  	s6 =	sshll.u32 s26, $0x1;
	_ =	strace $0x80000046;
	[dreg:$0x1] =	wrdreg $0xFFFFFFFF  }
0xa8: {  	s28 =	simm.s32 $_size_execute0_lowered;
	s4 =	sadd.s32 s4, s6;
	[dreg:$0x0] =	wrdreg $0x0  }
0xa9: {  	s6 =	sshll.u32 s28, $0x1;
	[dreg:$0x2] =	wrdreg s4  }
0xaa: {  	[dreg:$0x3] =	wrdreg s6  }
0xab: {  	[dreg:$0x4] =	wrdreg $0xC0  }
0xac: {  	_ =	task [dreg:s8], $0x5FFFF  }
0xad: {  	[dreg:$0x1] =	wrdreg $0xFFFFFFFF  }
0xae: {  	[dreg:$0x0] =	wrdreg $0x60  }
0xaf: {  	[dreg:$0x2] =	wrdreg s2  }
0xb0: {  	[dreg:$0x3] =	wrdreg s24  }
0xb1: {  	[dreg:$0x4] =	wrdreg s18  }
0xb2: {  	[dreg:$0x5] =	wrdreg $0x9  }
0xb3: {  	_ =	task.clear_ibuf [dreg:s8], $0x6FFFF;
	_ =	strace $0x90000046  }
0xb4: {  	s29 =	simm.s32 $0x9;
	_ =	strace $0x80000048  }
0xb5: {  	_ =	swait.ge [sflag:s29], $0x1  }
0xb6: {  	[sflag:s29] =	ssyncadd.s32 $0xFFFFFFFF  }
0xb7: {  	_ =	strace $0x90000048  }
0xb8: {  	_ =	sfence  }
0xb9: {  	s30 =	sld [smem:$0x0];
	_ =	sdelay $0x2  }
0xba: {  	s31 =	sshll.u32 s1, $0xD;
	s1 =	sshrl.u32 s1, $0x2  }
0xbb: {  	s3 =	sand.u32 $0x4000, s31;
	s1 =	sadd.s32 s1, s30  }
0xbc: {  	s0 =	sor.u32 s3, s0;
	s1 =	sshll.u32 s1, $0x11  }
0xbd: {  	s0 =	sor.u32 s1, s0  }
0xbe: {  	s0 =	sadd.s32 $0x8F2B, s0  }
0xbf: {  	[sflag:s0] =	ssyncadd.remote.s32 $0x1  }
0xc0: {  	_ =	sfence.sel $0xFFFF  }
0xc1: {  	[dreg:$0x0] =	wrdreg $0xFFFFFFFF;
	(pc) =	sbr.abs _section_cstart, $3  }
0xc2: {  	[dreg:$0x1] =	wrdreg $0xFFFFFFFF  }
0xc3: {  	_ =	task.clear_ibuf [dreg:s8], $0x2FFFF;
	_ =	strace $0x9FFFFFFF  }
0xc4: {  	(tm) =	ssettm $0x7FFFFFFF  }
0xc5: {  	_ =	shalt  }
tec
execute0_lowered:
.L_overlay_start_1:
0x0: {  	(tag) =	ssettag $0x1  }
0x1: {  	s6 =	rddreg [dreg:$0x0]  }
0x2: {  	s0 =	srdreg.scid;
	s4 =	rddreg [dreg:$0x1]  }
0x3: {  	s2 =	rddreg [dreg:$0x2];
	s3 =	simm.s32 $0x0;
	s5 =	simm.s32 $0x1  }
0x4: {  	s12 =	simm.s32 $0x40;
	s13 =	simm.s32 $0x10;
	s14 =	simm.s32 $0x50  }
0x5: {  	s15 =	simm.s32 $0x20;
	s16 =	simm.s32 $0x60;
	s17 =	simm.s32 $0x30  }
0x6: {  	s18 =	simm.s32 $0x70;
	s19 =	simm.s32 $0x400;
	s20 =	simm.s32 $0x800  }
0x7: {  	s21 =	simm.s32 $0x0;
	s7 =	sand.u32 $0x1, s0;
	s0 =	stileid.u32  }
0x8: {  	[smem:$0x7FF] =	sst s3;
	s1 =	sor.u32 s7, s0;
	p0 =	seq.s32 s7, $0x1  }
0x9: {  	s8 =	ssub.s32 $0x2, s7;
	s9 =	sshll.u32 s7, $0xD;
	p1 =	seq.s32 s1, $0x0  }
0xa: {  	s7 =	sshll.u32 s7, $0xA;
	s1 =	rddreg [dreg:$0x3];
	p0 =	por !p1, !p0  }
0xb: {  	_ =	strace $0x80000047;
	s10 =	sshrl.u32 s8, $0x1;
	p0 =	por !p0, !p0  }
0xc: {  	s29 =	sadd.s32 s9, s4;
	s4 =	simm.s32 $0x1;
	s5 =	simm.s32 @!p0 $0x0  }
0xd: {  	s8 =	ssub.s32 s8, s10;
	s10 =	simm.s32 $0x3;
	s11 =	ssub.s32 s0, s5  }
0xe: {  	s8 =	smax.u32 s8, $0x1;
	s5 =	sadd.s32 $0x200, s29;
	s30 =	sshll.u32 s11, $0x9  }
0xf: {  	s31 =	sshll.u32 s11, $0x14;
	s11 =	simm.s32 $0x2;
	s9 =	sand.u32 $0x1FFFFE00, s30  }
0x10: {  	v0 =	vlaneseq.u32;
	s7 =	sor.u32 s7, s31;
	s6 =	sadd.s32 s6, s9;
	s9 =	simm.s32 $0x10000  }
.LBB2_1:
0x11: {  	[tilespmem:s3], [sflag:$0x2] =	stream.linear.gather [hbm4b:s5+s3], $0x10000, $0x38;
	[tilespmem:$0x1F000] =	vst v63  }
0x12: {  	_ = 	snop  }
0x13: {  	[tilespmem:s9], [sflag:$0x3] =	stream.linear.gather [hbm4b:s6+s3], $0x1000, $0x38;
	[tilespmem:$0x1F000] =	vst v63  }
0x14: {  	_ =	swait.ge [sflag:s10], $0x1000  }
0x15: {  	[sflag:s10] =	ssyncset.done $0x0  }
0x16: {  	s23 =	simm.s32 $0x0;
	[sflag:s10] =	ssyncadd.s32 $0xFFFFF000  }
0x17: {  	v1 =	vld [tilespmem:s23+$0x10000];
	_ =	sdelay $0x3  }
0x18: {  	s22 =	simm.s32 $0x10  }
0x19: {  	v4 =	vmul.f32 $1.023000000e+03, v1;
	v1 =	vld [tilespmem:s22+$0x10000];
	_ =	sdelay $0x1  }
0x1a: {  	v2 =	vtrunc.f32 v4  }
0x1b: {  	v2 =	vcvt.f32.s32 v2;
	_ =	sdelay $0x1  }
0x1c: {  	vm0 =	vgt.s32 v2, $0x0;
	v1 =	vmul.f32 $1.023000000e+03, v1  }
0x1d: {  	v2 =	vnsel vm0, $0x0, v2  }
0x1e: {  	s24 =	simm.s32 $0x20;
	v5 =	vmin.u32 v2, $0x3FE;
	v2 =	vtrunc.f32 v1  }
0x1f: {  	v3 =	vcvt.f32.s32 v2;
	v2 =	vld [tilespmem:s24+$0x10000]  }
0x20: {  	v6 =	vcvt.s32.f32 v5;
	_ =	sdelay $0x1  }
0x21: {  	v5 =	vshll.u32 v5, $0x6;
	v4 =	vsub.f32 v4, v6  }
0x22: {  	s25 =	simm.s32 $0xC0;
	[tilespmem:s23+$0x11000] =	vst v5;
	vm0 =	vgt.s32 v3, $0x0  }
.LBB2_2:
0x23: {  	s26 =	sshra.s32 s25, $0x2;
	p0 =	sne.s32 s25, $0x3FC0;
	s25 =	sadd.s32 $0x40, s25;
	v5 =	vmul.f32 $1.023000000e+03, v2;
	v3 =	vnsel vm0, $0x0, v3;
	[tilespmem:s23+$0x12000] =	vst v4  }
.Ltmp0:
0x24: {  	s23 =	smov.u32 s22;
	s22 =	smov.u32 s24;
	v2 =	vld [tilespmem:s26+$0x10000];
	v3 =	vmin.u32 v3, $0x3FE;
	(pc) =	sbr.rel @p0 .LBB2_2-.Ltmp0, $4  }
0x25: {  	s24 =	smov.u32 s26;
	v4 =	vtrunc.f32 v5;
	v6 =	vshll.u32 v3, $0x6;
	v7 =	vcvt.s32.f32 v3  }
0x26: {  	v3 =	vcvt.f32.s32 v4;
	[tilespmem:s23+$0x11000] =	vst v6  }
0x27: {  	v4 =	vsub.f32 v1, v7;
	v1 =	vmov v5  }
0x28: {  	vm0 =	vgt.s32 v3, $0x0  }
0x29: {  	v2 =	vmul.f32 $1.023000000e+03, v2;
	_ =	sdelay $0x1  }
0x2a: {  	v5 =	vtrunc.f32 v2  }
0x2b: {  	v5 =	vcvt.f32.s32 v5  }
0x2c: {  	v3 =	vnsel vm0, $0x0, v3  }
0x2d: {  	v3 =	vmin.u32 v3, $0x3FE;
	vm15 =	vgt.s32 v5, $0x0  }
0x2e: {  	v6 =	vcvt.s32.f32 v3;
	v5 =	vnsel vm15, $0x0, v5  }
0x2f: {  	v5 =	vmin.u32 v5, $0x3FE  }
0x30: {  	[tilespmem:s23+$0x12000] =	vst v4;
	v3 =	vshll.u32 v3, $0x6;
	v1 =	vsub.f32 v1, v6;
	v63 =	vcvt.s32.f32 v5  }
0x31: {  	[tilespmem:s22+$0x11000] =	vst v3  }
0x32: {  	[tilespmem:s22+$0x12000] =	vst v1;
	v1 =	vshll.u32 v5, $0x6;
	v2 =	vsub.f32 v2, v63  }
0x33: {  	[tilespmem:s24+$0x11000] =	vst v1  }
0x34: {  	[tilespmem:s24+$0x12000] =	vst v2  }
0x35: {  	_ =	swait.ge [sflag:s11], $0x10000  }
0x36: {  	s23 =	simm.s32 $0x12000;
	s25 =	simm.s32 $0x13000;
	[sflag:s11] =	ssyncset.done $0x0  }
0x37: {  	s22 =	simm.s32 $0x0;
	s24 =	simm.s32 $0x11000;
	[sflag:s11] =	ssyncadd.s32 $0xFFFF0000  }
.LBB2_4:
0x38: {  	s26 =	smul.u32 $0xAB, s22;
	_ =	sdelay $0x1  }
0x39: {  	s28 =	smulhi.u32 $0xAAAAAAAB, s22;
	s26 =	sshrl.u32 s26, $0x9  }
0x3a: {  	s26 =	sand.u32 $0x7F, s26  }
0x3b: {  	p0 =	slt.u32 s22, $0x3;
	s28 =	sshrl.u32 s28, $0x1;
	s26 =	smul.u32 $0x3, s26  }
0x3c: {  	s29 =	simm.s32 @!p0 $0x1;
	s28 =	smul.u32 $0xFFFD0000, s28  }
0x3d: {  	s30 =	simm.s32 $0x0;
	_ =	swait.ge @!p0 [sflag:s29], $0x4000;
	s26 =	ssub.s32 s22, s26  }
0x3e: {  	[sflag:s29] =	ssyncset.done @!p0 $0x0;
	s28 =	sshra.s32 s28, $0x2;
	s26 =	sand.u32 $0xFF, s26  }
0x3f: {  	[sflag:s29] =	ssyncadd.s32 @!p0 $0xFFFFC000;
	s28 =	sadd.s32 s28, s25;
	s26 =	sshll.u32 s26, $0xE  }
0x40: {  	s29 =	smov.u32 s23;
	v1 =	vmov s28;
	s28 =	smov.u32 s24;
	s26 =	sadd.s32 $0x13000, s26  }
.LBB2_5:
0x41: {  	v3 =	vld [tilespmem:s28+$0x0];
	_ =	sdelay $0x4  }
0x42: {  	v2 =	vbroadcast v3, $0x0;
	_ =	sdelay $0x1  }
0x43: {  	v4 =	vadd.s32 v0, v2;
	_ =	sdelay $0x3  }
0x44: {  	v2 =	vld [tilespmem:s29+$0x0]  }
0x45: {  	v5 =	vld.idx.msk [tilespmem:v4+s3+$0x0], $0xffff  }
0x46: {  	v6 =	vld.idx.msk [tilespmem:v4+s12+$0x0], $0xffff;
	_ =	sdelay $0x1  }
0x47: {  	v7 =	vld.idx.msk [tilespmem:v4+s13+$0x0], $0xffff  }
0x48: {  	v10 =	vld.idx.msk [tilespmem:v4+s14+$0x0], $0xffff  }
0x49: {  	v8 =	vbroadcast v3, $0x1;
	v9 =	vbroadcast v2, $0x0  }
0x4a: {  	v11 =	vld.idx.msk [tilespmem:v4+s15+$0x0], $0xffff;
	v6 =	vsub.bf16 v6, v5  }
0x4b: {  	v8 =	vadd.s32 v0, v8;
	v12 =	vld.idx.msk [tilespmem:v4+s16+$0x0], $0xffff;
	v9 =	vpack.i.f32.bf16 v9, v9  }
0x4c: {  	v6 =	vmul.bf16 v6, v9  }
0x4d: {  	v20 =	vbroadcast v3, $0x2;
	v13 =	vld.idx.msk [tilespmem:v4+s17+$0x0], $0xffff;
	v61 =	vbroadcast v2, $0x1;
	v10 =	vsub.bf16 v10, v7  }
0x4e: {  	v4 =	vld.idx.msk [tilespmem:v4+s18+$0x0], $0xffff;
	v14 =	vshll.u32 v5, $0x10;
	v5 =	vand.u32 $0xFFFF0000, v5;
	v15 =	vshll.u32 v6, $0x10  }
0x4f: {  	v57 =	vmul.bf16 v10, v9;
	v6 =	vand.u32 $0xFFFF0000, v6;
	v14 =	vadd.f32 v15, v14  }
0x50: {  	s31 =	sshra.s32 s30, $0x2;
	v16 =	vld.idx.msk [tilespmem:v8+s3+$0x0], $0xffff;
	v21 =	vpack.i.f32.bf16 v61, v61;
	v12 =	vsub.bf16 v12, v11;
	v5 =	vadd.f32 v6, v5  }
0x51: {  	v56 =	vld.idx.msk [tilespmem:v8+s12+$0x0], $0xffff;
	v58 =	vshll.u32 v7, $0x10;
	v7 =	vand.u32 $0xFFFF0000, v7;
	v6 =	vand.u32 $0xFFFF0000, v57;
	[tilespmem:v1+s31+$0x0 ss:$0x1] =	vst.idx.msk $0xffff, v14  }
0x52: {  	v60 =	vmul.bf16 v12, v9;
	v10 =	vshll.u32 v57, $0x10;
	v6 =	vadd.f32 v6, v7;
	[tilespmem:v1+s31+$0x40 ss:$0x1] =	vst.idx.msk $0xffff, v5  }
0x53: {  	v62 =	vshll.u32 v11, $0x10;
	v4 =	vsub.bf16 v4, v13;
	v5 =	vadd.f32 v10, v58;
	v14 =	vld.idx.msk [tilespmem:v8+s13+$0x0], $0xffff  }
0x54: {  	v11 =	vand.u32 $0xFFFF0000, v11;
	v22 =	vshll.u32 v13, $0x10;
	v7 =	vand.u32 $0xFFFF0000, v60;
	v59 =	vld.idx.msk [tilespmem:v8+s14+$0x0], $0xffff;
	[tilespmem:v1+s31+$0x50 ss:$0x1] =	vst.idx.msk $0xffff, v6  }
0x55: {  	v4 =	vmul.bf16 v4, v9;
	v63 =	vshll.u32 v60, $0x10;
	v7 =	vadd.f32 v7, v11;
	[tilespmem:v1+s31+$0x10 ss:$0x1] =	vst.idx.msk $0xffff, v5  }
0x56: {  	v24 =	vsub.bf16 v56, v16;
	v13 =	vand.u32 $0xFFFF0000, v13;
	v5 =	vadd.f32 v63, v62;
	v17 =	vld.idx.msk [tilespmem:v8+s15+$0x0], $0xffff  }
0x57: {  	v9 =	vadd.s32 v0, v20;
	v23 =	vshll.u32 v4, $0x10;
	v4 =	vand.u32 $0xFFFF0000, v4;
	v19 =	vld.idx.msk [tilespmem:v8+s16+$0x0], $0xffff;
	[tilespmem:v1+s31+$0x60 ss:$0x1] =	vst.idx.msk $0xffff, v7  }
0x58: {  	v27 =	vmul.bf16 v24, v21;
	v4 =	vadd.f32 v4, v13;
	[tilespmem:v1+s31+$0x20 ss:$0x1] =	vst.idx.msk $0xffff, v5  }
0x59: {  	v42 =	vbroadcast v3, $0x3;
	v5 =	vadd.f32 v23, v22;
	v25 =	vld.idx.msk [tilespmem:v8+s17+$0x0], $0xffff;
	v10 =	vsub.bf16 v59, v14  }
0x5a: {  	v28 =	vshll.u32 v16, $0x10;
	v31 =	vand.u32 $0xFFFF0000, v16;
	v29 =	vshll.u32 v27, $0x10;
	v26 =	vld.idx.msk [tilespmem:v8+s18+$0x0], $0xffff;
	[tilespmem:v1+s31+$0x70 ss:$0x1] =	vst.idx.msk $0xffff, v4  }
0x5b: {  	v8 =	vand.u32 $0xFFFF0000, v27;
	v4 =	vadd.f32 v29, v28;
	[tilespmem:v1+s31+$0x30 ss:$0x1] =	vst.idx.msk $0xffff, v5;
	v10 =	vmul.bf16 v10, v21  }
0x5c: {  	v37 =	vbroadcast v2, $0x2;
	v8 =	vadd.f32 v8, v31;
	v30 =	vld.idx.msk [tilespmem:v9+s3+$0x0], $0xffff;
	v6 =	vsub.bf16 v19, v17  }
0x5d: {  	v33 =	vshll.u32 v14, $0x10;
	v14 =	vand.u32 $0xFFFF0000, v14;
	v32 =	vld.idx.msk [tilespmem:v9+s12+$0x0], $0xffff;
	[tilespmem:v1+s31+$0x80 ss:$0x1] =	vst.idx.msk $0xffff, v4;
	v34 =	vshll.u32 v10, $0x10  }
0x5e: {  	[tilespmem:v1+s31+$0xC0 ss:$0x1] =	vst.idx.msk $0xffff, v8;
	v10 =	vand.u32 $0xFFFF0000, v10;
	v6 =	vmul.bf16 v6, v21;
	v4 =	vadd.f32 v34, v33  }
0x5f: {  	v11 =	vadd.s32 v0, v42;
	v35 =	vld.idx.msk [tilespmem:v9+s13+$0x0], $0xffff;
	v7 =	vsub.bf16 v26, v25;
	v10 =	vadd.f32 v10, v14  }
0x60: {  	v38 =	vshll.u32 v17, $0x10;
	v17 =	vand.u32 $0xFFFF0000, v17;
	v36 =	vld.idx.msk [tilespmem:v9+s14+$0x0], $0xffff;
	v39 =	vshll.u32 v6, $0x10;
	[tilespmem:v1+s31+$0x90 ss:$0x1] =	vst.idx.msk $0xffff, v4  }
0x61: {  	v6 =	vand.u32 $0xFFFF0000, v6;
	v7 =	vmul.bf16 v7, v21;
	[tilespmem:v1+s31+$0xD0 ss:$0x1] =	vst.idx.msk $0xffff, v10;
	v4 =	vadd.f32 v39, v38  }
0x62: {  	v43 =	vshll.u32 v25, $0x10;
	v5 =	vsub.bf16 v32, v30;
	v6 =	vadd.f32 v6, v17;
	v40 =	vld.idx.msk [tilespmem:v9+s15+$0x0], $0xffff  }
0x63: {  	v15 =	vand.u32 $0xFFFF0000, v25;
	v14 =	vpack.i.f32.bf16 v37, v37;
	v41 =	vld.idx.msk [tilespmem:v9+s16+$0x0], $0xffff;
	v44 =	vshll.u32 v7, $0x10;
	[tilespmem:v1+s31+$0xA0 ss:$0x1] =	vst.idx.msk $0xffff, v4  }
0x64: {  	v7 =	vand.u32 $0xFFFF0000, v7;
	v5 =	vmul.bf16 v5, v14;
	[tilespmem:v1+s31+$0xE0 ss:$0x1] =	vst.idx.msk $0xffff, v6;
	v4 =	vadd.f32 v44, v43  }
0x65: {  	v55 =	vbroadcast v2, $0x3;
	v8 =	vsub.bf16 v36, v35;
	v7 =	vadd.f32 v7, v15;
	v45 =	vld.idx.msk [tilespmem:v9+s17+$0x0], $0xffff  }
0x66: {  	v47 =	vshll.u32 v30, $0x10;
	v12 =	vand.u32 $0xFFFF0000, v30;
	v46 =	vld.idx.msk [tilespmem:v9+s18+$0x0], $0xffff;
	v48 =	vshll.u32 v5, $0x10;
	[tilespmem:v1+s31+$0xB0 ss:$0x1] =	vst.idx.msk $0xffff, v4  }
0x67: {  	v5 =	vand.u32 $0xFFFF0000, v5;
	v8 =	vmul.bf16 v8, v14;
	[tilespmem:v1+s31+$0xF0 ss:$0x1] =	vst.idx.msk $0xffff, v7;
	v4 =	vadd.f32 v48, v47  }
0x68: {  	v60 =	vbroadcast v3, $0x4;
	v5 =	vadd.f32 v5, v12;
	v49 =	vld.idx.msk [tilespmem:v11+s3+$0x0], $0xffff;
	v10 =	vsub.bf16 v41, v40  }
0x69: {  	v51 =	vshll.u32 v35, $0x10;
	v13 =	vand.u32 $0xFFFF0000, v35;
	v50 =	vld.idx.msk [tilespmem:v11+s12+$0x0], $0xffff;
	v52 =	vshll.u32 v8, $0x10;
	[tilespmem:v1+s31+$0x100 ss:$0x1] =	vst.idx.msk $0xffff, v4  }
0x6a: {  	v8 =	vand.u32 $0xFFFF0000, v8;
	[tilespmem:v1+s31+$0x140 ss:$0x1] =	vst.idx.msk $0xffff, v5;
	v4 =	vadd.f32 v52, v51;
	v10 =	vmul.bf16 v10, v14  }
0x6b: {  	v8 =	vadd.f32 v8, v13;
	v56 =	vshll.u32 v40, $0x10;
	v53 =	vld.idx.msk [tilespmem:v11+s13+$0x0], $0xffff;
	v6 =	vsub.bf16 v46, v45  }
0x6c: {  	v16 =	vand.u32 $0xFFFF0000, v40;
	v13 =	vpack.i.f32.bf16 v55, v55;
	v54 =	vld.idx.msk [tilespmem:v11+s14+$0x0], $0xffff;
	[tilespmem:v1+s31+$0x110 ss:$0x1] =	vst.idx.msk $0xffff, v4;
	v57 =	vshll.u32 v10, $0x10  }
0x6d: {  	[tilespmem:v1+s31+$0x150 ss:$0x1] =	vst.idx.msk $0xffff, v8;
	v10 =	vand.u32 $0xFFFF0000, v10;
	v6 =	vmul.bf16 v6, v14;
	v4 =	vadd.f32 v57, v56  }
0x6e: {  	v61 =	vshll.u32 v45, $0x10;
	v58 =	vld.idx.msk [tilespmem:v11+s15+$0x0], $0xffff;
	v7 =	vsub.bf16 v50, v49;
	v10 =	vadd.f32 v10, v16  }
0x6f: {  	v17 =	vand.u32 $0xFFFF0000, v45;
	v59 =	vld.idx.msk [tilespmem:v11+s16+$0x0], $0xffff;
	v14 =	vadd.s32 v0, v60;
	v62 =	vshll.u32 v6, $0x10;
	[tilespmem:v1+s31+$0x120 ss:$0x1] =	vst.idx.msk $0xffff, v4  }
0x70: {  	v6 =	vand.u32 $0xFFFF0000, v6;
	v7 =	vmul.bf16 v7, v13;
	[tilespmem:v1+s31+$0x160 ss:$0x1] =	vst.idx.msk $0xffff, v10;
	v4 =	vadd.f32 v62, v61  }
0x71: {  	v27 =	vbroadcast v2, $0x4;
	v5 =	vsub.bf16 v54, v53;
	v6 =	vadd.f32 v6, v17;
	v63 =	vld.idx.msk [tilespmem:v11+s17+$0x0], $0xffff  }
0x72: {  	v19 =	vshll.u32 v49, $0x10;
	v9 =	vand.u32 $0xFFFF0000, v49;
	v18 =	vld.idx.msk [tilespmem:v11+s18+$0x0], $0xffff;
	v20 =	vshll.u32 v7, $0x10;
	[tilespmem:v1+s31+$0x130 ss:$0x1] =	vst.idx.msk $0xffff, v4  }
0x73: {  	v7 =	vand.u32 $0xFFFF0000, v7;
	v5 =	vmul.bf16 v5, v13;
	[tilespmem:v1+s31+$0x170 ss:$0x1] =	vst.idx.msk $0xffff, v6;
	v4 =	vadd.f32 v20, v19  }
0x74: {  	v32 =	vbroadcast v3, $0x5;
	v8 =	vsub.bf16 v59, v58;
	v7 =	vadd.f32 v7, v9;
	v21 =	vld.idx.msk [tilespmem:v14+s3+$0x0], $0xffff  }
0x75: {  	v23 =	vshll.u32 v53, $0x10;
	v12 =	vand.u32 $0xFFFF0000, v53;
	v22 =	vld.idx.msk [tilespmem:v14+s12+$0x0], $0xffff;
	v24 =	vshll.u32 v5, $0x10;
	[tilespmem:v1+s31+$0x180 ss:$0x1] =	vst.idx.msk $0xffff, v4  }
0x76: {  	v5 =	vand.u32 $0xFFFF0000, v5;
	v8 =	vmul.bf16 v8, v13;
	[tilespmem:v1+s31+$0x1C0 ss:$0x1] =	vst.idx.msk $0xffff, v7;
	v4 =	vadd.f32 v24, v23  }
0x77: {  	v28 =	vshll.u32 v58, $0x10;
	v5 =	vadd.f32 v5, v12;
	v25 =	vld.idx.msk [tilespmem:v14+s13+$0x0], $0xffff;
	v10 =	vsub.bf16 v18, v63  }
0x78: {  	v15 =	vand.u32 $0xFFFF0000, v58;
	v12 =	vpack.i.f32.bf16 v27, v27;
	v26 =	vld.idx.msk [tilespmem:v14+s14+$0x0], $0xffff;
	v29 =	vshll.u32 v8, $0x10;
	[tilespmem:v1+s31+$0x190 ss:$0x1] =	vst.idx.msk $0xffff, v4  }
0x79: {  	v8 =	vand.u32 $0xFFFF0000, v8;
	[tilespmem:v1+s31+$0x1D0 ss:$0x1] =	vst.idx.msk $0xffff, v5;
	v4 =	vadd.f32 v29, v28;
	v10 =	vmul.bf16 v10, v13  }
0x7a: {  	v8 =	vadd.f32 v8, v15;
	v33 =	vshll.u32 v63, $0x10;
	v30 =	vld.idx.msk [tilespmem:v14+s15+$0x0], $0xffff;
	v6 =	vsub.bf16 v22, v21  }
0x7b: {  	v16 =	vand.u32 $0xFFFF0000, v63;
	v31 =	vld.idx.msk [tilespmem:v14+s16+$0x0], $0xffff;
	[tilespmem:v1+s31+$0x1A0 ss:$0x1] =	vst.idx.msk $0xffff, v4;
	v13 =	vadd.s32 v0, v32;
	v34 =	vshll.u32 v10, $0x10  }
0x7c: {  	[tilespmem:v1+s31+$0x1E0 ss:$0x1] =	vst.idx.msk $0xffff, v8;
	v10 =	vand.u32 $0xFFFF0000, v10;
	v6 =	vmul.bf16 v6, v12;
	v4 =	vadd.f32 v34, v33  }
0x7d: {  	v45 =	vbroadcast v2, $0x5;
	v35 =	vld.idx.msk [tilespmem:v14+s17+$0x0], $0xffff;
	v7 =	vsub.bf16 v26, v25;
	v10 =	vadd.f32 v10, v16  }
0x7e: {  	v37 =	vshll.u32 v21, $0x10;
	v11 =	vand.u32 $0xFFFF0000, v21;
	v36 =	vld.idx.msk [tilespmem:v14+s18+$0x0], $0xffff;
	v38 =	vshll.u32 v6, $0x10;
	[tilespmem:v1+s31+$0x1B0 ss:$0x1] =	vst.idx.msk $0xffff, v4  }
0x7f: {  	v6 =	vand.u32 $0xFFFF0000, v6;
	v7 =	vmul.bf16 v7, v12;
	[tilespmem:v1+s31+$0x1F0 ss:$0x1] =	vst.idx.msk $0xffff, v10;
	v4 =	vadd.f32 v38, v37  }
0x80: {  	v50 =	vbroadcast v3, $0x6;
	v5 =	vsub.bf16 v31, v30;
	v6 =	vadd.f32 v6, v11;
	v39 =	vld.idx.msk [tilespmem:v13+s3+$0x0], $0xffff  }
0x81: {  	v41 =	vshll.u32 v25, $0x10;
	v9 =	vand.u32 $0xFFFF0000, v25;
	v40 =	vld.idx.msk [tilespmem:v13+s12+$0x0], $0xffff;
	v42 =	vshll.u32 v7, $0x10;
	[tilespmem:v1+s31+$0x200 ss:$0x1] =	vst.idx.msk $0xffff, v4  }
0x82: {  	v7 =	vand.u32 $0xFFFF0000, v7;
	v5 =	vmul.bf16 v5, v12;
	[tilespmem:v1+s31+$0x240 ss:$0x1] =	vst.idx.msk $0xffff, v6;
	v4 =	vadd.f32 v42, v41  }
0x83: {  	v46 =	vshll.u32 v30, $0x10;
	v8 =	vsub.bf16 v36, v35;
	v7 =	vadd.f32 v7, v9;
	v43 =	vld.idx.msk [tilespmem:v13+s13+$0x0], $0xffff  }
0x84: {  	v17 =	vand.u32 $0xFFFF0000, v30;
	v51 =	vshll.u32 v35, $0x10;
	v44 =	vld.idx.msk [tilespmem:v13+s14+$0x0], $0xffff;
	v47 =	vshll.u32 v5, $0x10;
	[tilespmem:v1+s31+$0x210 ss:$0x1] =	vst.idx.msk $0xffff, v4  }
0x85: {  	v5 =	vand.u32 $0xFFFF0000, v5;
	v8 =	vmul.bf16 v8, v12;
	[tilespmem:v1+s31+$0x250 ss:$0x1] =	vst.idx.msk $0xffff, v7;
	v4 =	vadd.f32 v47, v46  }
0x86: {  	v9 =	vpack.i.f32.bf16 v45, v45;
	v5 =	vadd.f32 v5, v17;
	v48 =	vld.idx.msk [tilespmem:v13+s15+$0x0], $0xffff;
	v10 =	vsub.bf16 v40, v39  }
0x87: {  	v15 =	vand.u32 $0xFFFF0000, v35;
	v12 =	vadd.s32 v0, v50;
	v49 =	vld.idx.msk [tilespmem:v13+s16+$0x0], $0xffff;
	v52 =	vshll.u32 v8, $0x10;
	[tilespmem:v1+s31+$0x220 ss:$0x1] =	vst.idx.msk $0xffff, v4  }
0x88: {  	v8 =	vand.u32 $0xFFFF0000, v8;
	[tilespmem:v1+s31+$0x260 ss:$0x1] =	vst.idx.msk $0xffff, v5;
	v4 =	vadd.f32 v52, v51;
	v10 =	vmul.bf16 v10, v9  }
0x89: {  	v24 =	vbroadcast v3, $0x7;
	v8 =	vadd.f32 v8, v15;
	v53 =	vld.idx.msk [tilespmem:v13+s17+$0x0], $0xffff;
	v6 =	vsub.bf16 v44, v43  }
0x8a: {  	v55 =	vshll.u32 v39, $0x10;
	v14 =	vand.u32 $0xFFFF0000, v39;
	v54 =	vld.idx.msk [tilespmem:v13+s18+$0x0], $0xffff;
	[tilespmem:v1+s31+$0x230 ss:$0x1] =	vst.idx.msk $0xffff, v4;
	v56 =	vshll.u32 v10, $0x10  }
0x8b: {  	[tilespmem:v1+s31+$0x270 ss:$0x1] =	vst.idx.msk $0xffff, v8;
	v10 =	vand.u32 $0xFFFF0000, v10;
	v6 =	vmul.bf16 v6, v9;
	v4 =	vadd.f32 v56, v55  }
0x8c: {  	v63 =	vbroadcast v2, $0x6;
	v57 =	vld.idx.msk [tilespmem:v12+s3+$0x0], $0xffff;
	v7 =	vsub.bf16 v49, v48;
	v10 =	vadd.f32 v10, v14  }
0x8d: {  	v59 =	vshll.u32 v43, $0x10;
	v11 =	vand.u32 $0xFFFF0000, v43;
	v58 =	vld.idx.msk [tilespmem:v12+s12+$0x0], $0xffff;
	v60 =	vshll.u32 v6, $0x10;
	[tilespmem:v1+s31+$0x280 ss:$0x1] =	vst.idx.msk $0xffff, v4  }
0x8e: {  	v6 =	vand.u32 $0xFFFF0000, v6;
	v7 =	vmul.bf16 v7, v9;
	[tilespmem:v1+s31+$0x2C0 ss:$0x1] =	vst.idx.msk $0xffff, v10;
	v4 =	vadd.f32 v60, v59  }
0x8f: {  	v20 =	vshll.u32 v48, $0x10;
	v5 =	vsub.bf16 v54, v53;
	v6 =	vadd.f32 v6, v11;
	v61 =	vld.idx.msk [tilespmem:v12+s13+$0x0], $0xffff  }
0x90: {  	v16 =	vand.u32 $0xFFFF0000, v48;
	v25 =	vshll.u32 v53, $0x10;
	v62 =	vld.idx.msk [tilespmem:v12+s14+$0x0], $0xffff;
	v21 =	vshll.u32 v7, $0x10;
	[tilespmem:v1+s31+$0x290 ss:$0x1] =	vst.idx.msk $0xffff, v4  }
0x91: {  	v7 =	vand.u32 $0xFFFF0000, v7;
	v5 =	vmul.bf16 v5, v9;
	[tilespmem:v1+s31+$0x2D0 ss:$0x1] =	vst.idx.msk $0xffff, v6;
	v4 =	vadd.f32 v21, v20  }
0x92: {  	v11 =	vpack.i.f32.bf16 v63, v63;
	v8 =	vsub.bf16 v58, v57;
	v7 =	vadd.f32 v7, v16;
	v22 =	vld.idx.msk [tilespmem:v12+s15+$0x0], $0xffff  }
0x93: {  	v17 =	vand.u32 $0xFFFF0000, v53;
	v9 =	vadd.s32 v0, v24;
	v23 =	vld.idx.msk [tilespmem:v12+s16+$0x0], $0xffff;
	v26 =	vshll.u32 v5, $0x10;
	[tilespmem:v1+s31+$0x2A0 ss:$0x1] =	vst.idx.msk $0xffff, v4  }
0x94: {  	v5 =	vand.u32 $0xFFFF0000, v5;
	v8 =	vmul.bf16 v8, v11;
	[tilespmem:v1+s31+$0x2E0 ss:$0x1] =	vst.idx.msk $0xffff, v7;
	v4 =	vadd.f32 v26, v25  }
0x95: {  	v37 =	vbroadcast v2, $0x7;
	v5 =	vadd.f32 v5, v17;
	v27 =	vld.idx.msk [tilespmem:v12+s17+$0x0], $0xffff;
	v10 =	vsub.bf16 v62, v61  }
0x96: {  	v29 =	vshll.u32 v57, $0x10;
	v13 =	vand.u32 $0xFFFF0000, v57;
	v28 =	vld.idx.msk [tilespmem:v12+s18+$0x0], $0xffff;
	v30 =	vshll.u32 v8, $0x10;
	[tilespmem:v1+s31+$0x2B0 ss:$0x1] =	vst.idx.msk $0xffff, v4  }
0x97: {  	v8 =	vand.u32 $0xFFFF0000, v8;
	[tilespmem:v1+s31+$0x2F0 ss:$0x1] =	vst.idx.msk $0xffff, v5;
	v4 =	vadd.f32 v30, v29;
	v10 =	vmul.bf16 v10, v11  }
0x98: {  	v42 =	vbroadcast v3, $0x8;
	v8 =	vadd.f32 v8, v13;
	v31 =	vld.idx.msk [tilespmem:v9+s3+$0x0], $0xffff;
	v6 =	vsub.bf16 v23, v22  }
0x99: {  	v33 =	vshll.u32 v61, $0x10;
	v14 =	vand.u32 $0xFFFF0000, v61;
	v32 =	vld.idx.msk [tilespmem:v9+s12+$0x0], $0xffff;
	[tilespmem:v1+s31+$0x300 ss:$0x1] =	vst.idx.msk $0xffff, v4;
	v34 =	vshll.u32 v10, $0x10  }
0x9a: {  	[tilespmem:v1+s31+$0x340 ss:$0x1] =	vst.idx.msk $0xffff, v8;
	v10 =	vand.u32 $0xFFFF0000, v10;
	v6 =	vmul.bf16 v6, v11;
	v4 =	vadd.f32 v34, v33  }
0x9b: {  	v38 =	vshll.u32 v22, $0x10;
	v35 =	vld.idx.msk [tilespmem:v9+s13+$0x0], $0xffff;
	v7 =	vsub.bf16 v28, v27;
	v10 =	vadd.f32 v10, v14  }
0x9c: {  	v15 =	vand.u32 $0xFFFF0000, v22;
	v36 =	vld.idx.msk [tilespmem:v9+s14+$0x0], $0xffff;
	v43 =	vshll.u32 v27, $0x10;
	v39 =	vshll.u32 v6, $0x10;
	[tilespmem:v1+s31+$0x310 ss:$0x1] =	vst.idx.msk $0xffff, v4  }
0x9d: {  	v6 =	vand.u32 $0xFFFF0000, v6;
	v7 =	vmul.bf16 v7, v11;
	[tilespmem:v1+s31+$0x350 ss:$0x1] =	vst.idx.msk $0xffff, v10;
	v4 =	vadd.f32 v39, v38  }
0x9e: {  	v14 =	vpack.i.f32.bf16 v37, v37;
	v5 =	vsub.bf16 v32, v31;
	v6 =	vadd.f32 v6, v15;
	v40 =	vld.idx.msk [tilespmem:v9+s15+$0x0], $0xffff  }
0x9f: {  	v16 =	vand.u32 $0xFFFF0000, v27;
	v11 =	vadd.s32 v0, v42;
	v41 =	vld.idx.msk [tilespmem:v9+s16+$0x0], $0xffff;
	v44 =	vshll.u32 v7, $0x10;
	[tilespmem:v1+s31+$0x320 ss:$0x1] =	vst.idx.msk $0xffff, v4  }
0xa0: {  	v7 =	vand.u32 $0xFFFF0000, v7;
	v5 =	vmul.bf16 v5, v14;
	[tilespmem:v1+s31+$0x360 ss:$0x1] =	vst.idx.msk $0xffff, v6;
	v4 =	vadd.f32 v44, v43  }
0xa1: {  	v55 =	vbroadcast v2, $0x8;
	v8 =	vsub.bf16 v36, v35;
	v7 =	vadd.f32 v7, v16;
	v45 =	vld.idx.msk [tilespmem:v9+s17+$0x0], $0xffff  }
0xa2: {  	v47 =	vshll.u32 v31, $0x10;
	v12 =	vand.u32 $0xFFFF0000, v31;
	v46 =	vld.idx.msk [tilespmem:v9+s18+$0x0], $0xffff;
	v48 =	vshll.u32 v5, $0x10;
	[tilespmem:v1+s31+$0x330 ss:$0x1] =	vst.idx.msk $0xffff, v4  }
0xa3: {  	v5 =	vand.u32 $0xFFFF0000, v5;
	v8 =	vmul.bf16 v8, v14;
	[tilespmem:v1+s31+$0x370 ss:$0x1] =	vst.idx.msk $0xffff, v7;
	v4 =	vadd.f32 v48, v47  }
0xa4: {  	v60 =	vbroadcast v3, $0x9;
	v5 =	vadd.f32 v5, v12;
	v49 =	vld.idx.msk [tilespmem:v11+s3+$0x0], $0xffff;
	v10 =	vsub.bf16 v41, v40  }
0xa5: {  	v51 =	vshll.u32 v35, $0x10;
	v13 =	vand.u32 $0xFFFF0000, v35;
	v50 =	vld.idx.msk [tilespmem:v11+s12+$0x0], $0xffff;
	v52 =	vshll.u32 v8, $0x10;
	[tilespmem:v1+s31+$0x380 ss:$0x1] =	vst.idx.msk $0xffff, v4  }
0xa6: {  	v8 =	vand.u32 $0xFFFF0000, v8;
	[tilespmem:v1+s31+$0x3C0 ss:$0x1] =	vst.idx.msk $0xffff, v5;
	v4 =	vadd.f32 v52, v51;
	v10 =	vmul.bf16 v10, v14  }
0xa7: {  	v8 =	vadd.f32 v8, v13;
	v56 =	vshll.u32 v40, $0x10;
	v53 =	vld.idx.msk [tilespmem:v11+s13+$0x0], $0xffff;
	v6 =	vsub.bf16 v46, v45  }
0xa8: {  	v17 =	vand.u32 $0xFFFF0000, v40;
	v13 =	vpack.i.f32.bf16 v55, v55;
	v54 =	vld.idx.msk [tilespmem:v11+s14+$0x0], $0xffff;
	[tilespmem:v1+s31+$0x390 ss:$0x1] =	vst.idx.msk $0xffff, v4;
	v57 =	vshll.u32 v10, $0x10  }
0xa9: {  	[tilespmem:v1+s31+$0x3D0 ss:$0x1] =	vst.idx.msk $0xffff, v8;
	v10 =	vand.u32 $0xFFFF0000, v10;
	v6 =	vmul.bf16 v6, v14;
	v4 =	vadd.f32 v57, v56  }
0xaa: {  	v61 =	vshll.u32 v45, $0x10;
	v58 =	vld.idx.msk [tilespmem:v11+s15+$0x0], $0xffff;
	v7 =	vsub.bf16 v50, v49;
	v10 =	vadd.f32 v10, v17  }
0xab: {  	v15 =	vand.u32 $0xFFFF0000, v45;
	v59 =	vld.idx.msk [tilespmem:v11+s16+$0x0], $0xffff;
	v14 =	vadd.s32 v0, v60;
	v62 =	vshll.u32 v6, $0x10;
	[tilespmem:v1+s31+$0x3A0 ss:$0x1] =	vst.idx.msk $0xffff, v4  }
0xac: {  	v6 =	vand.u32 $0xFFFF0000, v6;
	v7 =	vmul.bf16 v7, v13;
	[tilespmem:v1+s31+$0x3E0 ss:$0x1] =	vst.idx.msk $0xffff, v10;
	v4 =	vadd.f32 v62, v61  }
0xad: {  	v27 =	vbroadcast v2, $0x9;
	v5 =	vsub.bf16 v54, v53;
	v6 =	vadd.f32 v6, v15;
	v63 =	vld.idx.msk [tilespmem:v11+s17+$0x0], $0xffff  }
0xae: {  	v19 =	vshll.u32 v49, $0x10;
	v9 =	vand.u32 $0xFFFF0000, v49;
	v18 =	vld.idx.msk [tilespmem:v11+s18+$0x0], $0xffff;
	v20 =	vshll.u32 v7, $0x10;
	[tilespmem:v1+s31+$0x3B0 ss:$0x1] =	vst.idx.msk $0xffff, v4  }
0xaf: {  	v7 =	vand.u32 $0xFFFF0000, v7;
	v5 =	vmul.bf16 v5, v13;
	[tilespmem:v1+s31+$0x3F0 ss:$0x1] =	vst.idx.msk $0xffff, v6;
	v4 =	vadd.f32 v20, v19  }
0xb0: {  	v32 =	vbroadcast v3, $0xA;
	v8 =	vsub.bf16 v59, v58;
	v7 =	vadd.f32 v7, v9;
	v21 =	vld.idx.msk [tilespmem:v14+s3+$0x0], $0xffff  }
0xb1: {  	v23 =	vshll.u32 v53, $0x10;
	v12 =	vand.u32 $0xFFFF0000, v53;
	v22 =	vld.idx.msk [tilespmem:v14+s12+$0x0], $0xffff;
	v24 =	vshll.u32 v5, $0x10;
	[tilespmem:v1+s31+$0x400 ss:$0x1] =	vst.idx.msk $0xffff, v4  }
0xb2: {  	v5 =	vand.u32 $0xFFFF0000, v5;
	v8 =	vmul.bf16 v8, v13;
	[tilespmem:v1+s31+$0x440 ss:$0x1] =	vst.idx.msk $0xffff, v7;
	v4 =	vadd.f32 v24, v23  }
0xb3: {  	v28 =	vshll.u32 v58, $0x10;
	v5 =	vadd.f32 v5, v12;
	v25 =	vld.idx.msk [tilespmem:v14+s13+$0x0], $0xffff;
	v10 =	vsub.bf16 v18, v63  }
0xb4: {  	v16 =	vand.u32 $0xFFFF0000, v58;
	v12 =	vpack.i.f32.bf16 v27, v27;
	v26 =	vld.idx.msk [tilespmem:v14+s14+$0x0], $0xffff;
	v29 =	vshll.u32 v8, $0x10;
	[tilespmem:v1+s31+$0x410 ss:$0x1] =	vst.idx.msk $0xffff, v4  }
0xb5: {  	v8 =	vand.u32 $0xFFFF0000, v8;
	[tilespmem:v1+s31+$0x450 ss:$0x1] =	vst.idx.msk $0xffff, v5;
	v4 =	vadd.f32 v29, v28;
	v10 =	vmul.bf16 v10, v13  }
0xb6: {  	v8 =	vadd.f32 v8, v16;
	v33 =	vshll.u32 v63, $0x10;
	v30 =	vld.idx.msk [tilespmem:v14+s15+$0x0], $0xffff;
	v6 =	vsub.bf16 v22, v21  }
0xb7: {  	v17 =	vand.u32 $0xFFFF0000, v63;
	v31 =	vld.idx.msk [tilespmem:v14+s16+$0x0], $0xffff;
	[tilespmem:v1+s31+$0x420 ss:$0x1] =	vst.idx.msk $0xffff, v4;
	v13 =	vadd.s32 v0, v32;
	v34 =	vshll.u32 v10, $0x10  }
0xb8: {  	[tilespmem:v1+s31+$0x460 ss:$0x1] =	vst.idx.msk $0xffff, v8;
	v10 =	vand.u32 $0xFFFF0000, v10;
	v6 =	vmul.bf16 v6, v12;
	v4 =	vadd.f32 v34, v33  }
0xb9: {  	v45 =	vbroadcast v2, $0xA;
	v35 =	vld.idx.msk [tilespmem:v14+s17+$0x0], $0xffff;
	v7 =	vsub.bf16 v26, v25;
	v10 =	vadd.f32 v10, v17  }
0xba: {  	v37 =	vshll.u32 v21, $0x10;
	v11 =	vand.u32 $0xFFFF0000, v21;
	v36 =	vld.idx.msk [tilespmem:v14+s18+$0x0], $0xffff;
	v38 =	vshll.u32 v6, $0x10;
	[tilespmem:v1+s31+$0x430 ss:$0x1] =	vst.idx.msk $0xffff, v4  }
0xbb: {  	v6 =	vand.u32 $0xFFFF0000, v6;
	v7 =	vmul.bf16 v7, v12;
	[tilespmem:v1+s31+$0x470 ss:$0x1] =	vst.idx.msk $0xffff, v10;
	v4 =	vadd.f32 v38, v37  }
0xbc: {  	v50 =	vbroadcast v3, $0xB;
	v5 =	vsub.bf16 v31, v30;
	v6 =	vadd.f32 v6, v11;
	v39 =	vld.idx.msk [tilespmem:v13+s3+$0x0], $0xffff  }
0xbd: {  	v41 =	vshll.u32 v25, $0x10;
	v9 =	vand.u32 $0xFFFF0000, v25;
	v40 =	vld.idx.msk [tilespmem:v13+s12+$0x0], $0xffff;
	v42 =	vshll.u32 v7, $0x10;
	[tilespmem:v1+s31+$0x480 ss:$0x1] =	vst.idx.msk $0xffff, v4  }
0xbe: {  	v7 =	vand.u32 $0xFFFF0000, v7;
	v5 =	vmul.bf16 v5, v12;
	[tilespmem:v1+s31+$0x4C0 ss:$0x1] =	vst.idx.msk $0xffff, v6;
	v4 =	vadd.f32 v42, v41  }
0xbf: {  	v46 =	vshll.u32 v30, $0x10;
	v8 =	vsub.bf16 v36, v35;
	v7 =	vadd.f32 v7, v9;
	v43 =	vld.idx.msk [tilespmem:v13+s13+$0x0], $0xffff  }
0xc0: {  	v15 =	vand.u32 $0xFFFF0000, v30;
	v51 =	vshll.u32 v35, $0x10;
	v44 =	vld.idx.msk [tilespmem:v13+s14+$0x0], $0xffff;
	v47 =	vshll.u32 v5, $0x10;
	[tilespmem:v1+s31+$0x490 ss:$0x1] =	vst.idx.msk $0xffff, v4  }
0xc1: {  	v5 =	vand.u32 $0xFFFF0000, v5;
	v8 =	vmul.bf16 v8, v12;
	[tilespmem:v1+s31+$0x4D0 ss:$0x1] =	vst.idx.msk $0xffff, v7;
	v4 =	vadd.f32 v47, v46  }
0xc2: {  	v9 =	vpack.i.f32.bf16 v45, v45;
	v5 =	vadd.f32 v5, v15;
	v48 =	vld.idx.msk [tilespmem:v13+s15+$0x0], $0xffff;
	v10 =	vsub.bf16 v40, v39  }
0xc3: {  	v16 =	vand.u32 $0xFFFF0000, v35;
	v12 =	vadd.s32 v0, v50;
	v49 =	vld.idx.msk [tilespmem:v13+s16+$0x0], $0xffff;
	v52 =	vshll.u32 v8, $0x10;
	[tilespmem:v1+s31+$0x4A0 ss:$0x1] =	vst.idx.msk $0xffff, v4  }
0xc4: {  	v8 =	vand.u32 $0xFFFF0000, v8;
	[tilespmem:v1+s31+$0x4E0 ss:$0x1] =	vst.idx.msk $0xffff, v5;
	v4 =	vadd.f32 v52, v51;
	v10 =	vmul.bf16 v10, v9  }
0xc5: {  	v24 =	vbroadcast v3, $0xC;
	v8 =	vadd.f32 v8, v16;
	v53 =	vld.idx.msk [tilespmem:v13+s17+$0x0], $0xffff;
	v6 =	vsub.bf16 v44, v43  }
0xc6: {  	v55 =	vshll.u32 v39, $0x10;
	v14 =	vand.u32 $0xFFFF0000, v39;
	v54 =	vld.idx.msk [tilespmem:v13+s18+$0x0], $0xffff;
	[tilespmem:v1+s31+$0x4B0 ss:$0x1] =	vst.idx.msk $0xffff, v4;
	v56 =	vshll.u32 v10, $0x10  }
0xc7: {  	[tilespmem:v1+s31+$0x4F0 ss:$0x1] =	vst.idx.msk $0xffff, v8;
	v10 =	vand.u32 $0xFFFF0000, v10;
	v6 =	vmul.bf16 v6, v9;
	v4 =	vadd.f32 v56, v55  }
0xc8: {  	v63 =	vbroadcast v2, $0xB;
	v57 =	vld.idx.msk [tilespmem:v12+s3+$0x0], $0xffff;
	v7 =	vsub.bf16 v49, v48;
	v10 =	vadd.f32 v10, v14  }
0xc9: {  	v59 =	vshll.u32 v43, $0x10;
	v11 =	vand.u32 $0xFFFF0000, v43;
	v58 =	vld.idx.msk [tilespmem:v12+s12+$0x0], $0xffff;
	v60 =	vshll.u32 v6, $0x10;
	[tilespmem:v1+s31+$0x500 ss:$0x1] =	vst.idx.msk $0xffff, v4  }
0xca: {  	v6 =	vand.u32 $0xFFFF0000, v6;
	v7 =	vmul.bf16 v7, v9;
	[tilespmem:v1+s31+$0x540 ss:$0x1] =	vst.idx.msk $0xffff, v10;
	v4 =	vadd.f32 v60, v59  }
0xcb: {  	v20 =	vshll.u32 v48, $0x10;
	v5 =	vsub.bf16 v54, v53;
	v6 =	vadd.f32 v6, v11;
	v61 =	vld.idx.msk [tilespmem:v12+s13+$0x0], $0xffff  }
0xcc: {  	v17 =	vand.u32 $0xFFFF0000, v48;
	v25 =	vshll.u32 v53, $0x10;
	v62 =	vld.idx.msk [tilespmem:v12+s14+$0x0], $0xffff;
	v21 =	vshll.u32 v7, $0x10;
	[tilespmem:v1+s31+$0x510 ss:$0x1] =	vst.idx.msk $0xffff, v4  }
0xcd: {  	v7 =	vand.u32 $0xFFFF0000, v7;
	v5 =	vmul.bf16 v5, v9;
	[tilespmem:v1+s31+$0x550 ss:$0x1] =	vst.idx.msk $0xffff, v6;
	v4 =	vadd.f32 v21, v20  }
0xce: {  	v11 =	vpack.i.f32.bf16 v63, v63;
	v8 =	vsub.bf16 v58, v57;
	v7 =	vadd.f32 v7, v17;
	v22 =	vld.idx.msk [tilespmem:v12+s15+$0x0], $0xffff  }
0xcf: {  	v15 =	vand.u32 $0xFFFF0000, v53;
	v9 =	vadd.s32 v0, v24;
	v23 =	vld.idx.msk [tilespmem:v12+s16+$0x0], $0xffff;
	v26 =	vshll.u32 v5, $0x10;
	[tilespmem:v1+s31+$0x520 ss:$0x1] =	vst.idx.msk $0xffff, v4  }
0xd0: {  	v5 =	vand.u32 $0xFFFF0000, v5;
	v8 =	vmul.bf16 v8, v11;
	[tilespmem:v1+s31+$0x560 ss:$0x1] =	vst.idx.msk $0xffff, v7;
	v4 =	vadd.f32 v26, v25  }
0xd1: {  	v37 =	vbroadcast v2, $0xC;
	v5 =	vadd.f32 v5, v15;
	v27 =	vld.idx.msk [tilespmem:v12+s17+$0x0], $0xffff;
	v10 =	vsub.bf16 v62, v61  }
0xd2: {  	v29 =	vshll.u32 v57, $0x10;
	v13 =	vand.u32 $0xFFFF0000, v57;
	v28 =	vld.idx.msk [tilespmem:v12+s18+$0x0], $0xffff;
	v30 =	vshll.u32 v8, $0x10;
	[tilespmem:v1+s31+$0x530 ss:$0x1] =	vst.idx.msk $0xffff, v4  }
0xd3: {  	v8 =	vand.u32 $0xFFFF0000, v8;
	[tilespmem:v1+s31+$0x570 ss:$0x1] =	vst.idx.msk $0xffff, v5;
	v4 =	vadd.f32 v30, v29;
	v10 =	vmul.bf16 v10, v11  }
0xd4: {  	v42 =	vbroadcast v3, $0xD;
	v8 =	vadd.f32 v8, v13;
	v31 =	vld.idx.msk [tilespmem:v9+s3+$0x0], $0xffff;
	v6 =	vsub.bf16 v23, v22  }
0xd5: {  	v33 =	vshll.u32 v61, $0x10;
	v14 =	vand.u32 $0xFFFF0000, v61;
	v32 =	vld.idx.msk [tilespmem:v9+s12+$0x0], $0xffff;
	[tilespmem:v1+s31+$0x580 ss:$0x1] =	vst.idx.msk $0xffff, v4;
	v34 =	vshll.u32 v10, $0x10  }
0xd6: {  	[tilespmem:v1+s31+$0x5C0 ss:$0x1] =	vst.idx.msk $0xffff, v8;
	v10 =	vand.u32 $0xFFFF0000, v10;
	v6 =	vmul.bf16 v6, v11;
	v4 =	vadd.f32 v34, v33  }
0xd7: {  	v38 =	vshll.u32 v22, $0x10;
	v35 =	vld.idx.msk [tilespmem:v9+s13+$0x0], $0xffff;
	v7 =	vsub.bf16 v28, v27;
	v10 =	vadd.f32 v10, v14  }
0xd8: {  	v16 =	vand.u32 $0xFFFF0000, v22;
	v36 =	vld.idx.msk [tilespmem:v9+s14+$0x0], $0xffff;
	v43 =	vshll.u32 v27, $0x10;
	v39 =	vshll.u32 v6, $0x10;
	[tilespmem:v1+s31+$0x590 ss:$0x1] =	vst.idx.msk $0xffff, v4  }
0xd9: {  	v6 =	vand.u32 $0xFFFF0000, v6;
	v7 =	vmul.bf16 v7, v11;
	[tilespmem:v1+s31+$0x5D0 ss:$0x1] =	vst.idx.msk $0xffff, v10;
	v4 =	vadd.f32 v39, v38  }
0xda: {  	v14 =	vpack.i.f32.bf16 v37, v37;
	v5 =	vsub.bf16 v32, v31;
	v6 =	vadd.f32 v6, v16;
	v40 =	vld.idx.msk [tilespmem:v9+s15+$0x0], $0xffff  }
0xdb: {  	v17 =	vand.u32 $0xFFFF0000, v27;
	v11 =	vadd.s32 v0, v42;
	v41 =	vld.idx.msk [tilespmem:v9+s16+$0x0], $0xffff;
	v44 =	vshll.u32 v7, $0x10;
	[tilespmem:v1+s31+$0x5A0 ss:$0x1] =	vst.idx.msk $0xffff, v4  }
0xdc: {  	v7 =	vand.u32 $0xFFFF0000, v7;
	v5 =	vmul.bf16 v5, v14;
	[tilespmem:v1+s31+$0x5E0 ss:$0x1] =	vst.idx.msk $0xffff, v6;
	v4 =	vadd.f32 v44, v43  }
0xdd: {  	v55 =	vbroadcast v2, $0xD;
	v8 =	vsub.bf16 v36, v35;
	v7 =	vadd.f32 v7, v17;
	v45 =	vld.idx.msk [tilespmem:v9+s17+$0x0], $0xffff  }
0xde: {  	v47 =	vshll.u32 v31, $0x10;
	v12 =	vand.u32 $0xFFFF0000, v31;
	v46 =	vld.idx.msk [tilespmem:v9+s18+$0x0], $0xffff;
	v48 =	vshll.u32 v5, $0x10;
	[tilespmem:v1+s31+$0x5B0 ss:$0x1] =	vst.idx.msk $0xffff, v4  }
0xdf: {  	v5 =	vand.u32 $0xFFFF0000, v5;
	v8 =	vmul.bf16 v8, v14;
	[tilespmem:v1+s31+$0x5F0 ss:$0x1] =	vst.idx.msk $0xffff, v7;
	v4 =	vadd.f32 v48, v47  }
0xe0: {  	v60 =	vbroadcast v3, $0xE;
	v5 =	vadd.f32 v5, v12;
	v49 =	vld.idx.msk [tilespmem:v11+s3+$0x0], $0xffff;
	v10 =	vsub.bf16 v41, v40  }
0xe1: {  	v51 =	vshll.u32 v35, $0x10;
	v13 =	vand.u32 $0xFFFF0000, v35;
	v50 =	vld.idx.msk [tilespmem:v11+s12+$0x0], $0xffff;
	v52 =	vshll.u32 v8, $0x10;
	[tilespmem:v1+s31+$0x600 ss:$0x1] =	vst.idx.msk $0xffff, v4  }
0xe2: {  	v8 =	vand.u32 $0xFFFF0000, v8;
	[tilespmem:v1+s31+$0x640 ss:$0x1] =	vst.idx.msk $0xffff, v5;
	v4 =	vadd.f32 v52, v51;
	v10 =	vmul.bf16 v10, v14  }
0xe3: {  	v8 =	vadd.f32 v8, v13;
	v56 =	vshll.u32 v40, $0x10;
	v53 =	vld.idx.msk [tilespmem:v11+s13+$0x0], $0xffff;
	v6 =	vsub.bf16 v46, v45  }
0xe4: {  	v15 =	vand.u32 $0xFFFF0000, v40;
	v13 =	vpack.i.f32.bf16 v55, v55;
	v54 =	vld.idx.msk [tilespmem:v11+s14+$0x0], $0xffff;
	[tilespmem:v1+s31+$0x610 ss:$0x1] =	vst.idx.msk $0xffff, v4;
	v57 =	vshll.u32 v10, $0x10  }
0xe5: {  	[tilespmem:v1+s31+$0x650 ss:$0x1] =	vst.idx.msk $0xffff, v8;
	v10 =	vand.u32 $0xFFFF0000, v10;
	v6 =	vmul.bf16 v6, v14;
	v4 =	vadd.f32 v57, v56  }
0xe6: {  	v61 =	vshll.u32 v45, $0x10;
	v58 =	vld.idx.msk [tilespmem:v11+s15+$0x0], $0xffff;
	v7 =	vsub.bf16 v50, v49;
	v10 =	vadd.f32 v10, v15  }
0xe7: {  	v16 =	vand.u32 $0xFFFF0000, v45;
	v59 =	vld.idx.msk [tilespmem:v11+s16+$0x0], $0xffff;
	v14 =	vadd.s32 v0, v60;
	v62 =	vshll.u32 v6, $0x10;
	[tilespmem:v1+s31+$0x620 ss:$0x1] =	vst.idx.msk $0xffff, v4  }
0xe8: {  	v6 =	vand.u32 $0xFFFF0000, v6;
	v7 =	vmul.bf16 v7, v13;
	[tilespmem:v1+s31+$0x660 ss:$0x1] =	vst.idx.msk $0xffff, v10;
	v4 =	vadd.f32 v62, v61  }
0xe9: {  	v3 =	vbroadcast v3, $0xF;
	v5 =	vsub.bf16 v54, v53;
	v6 =	vadd.f32 v6, v16;
	v63 =	vld.idx.msk [tilespmem:v11+s17+$0x0], $0xffff  }
0xea: {  	v19 =	vshll.u32 v49, $0x10;
	v9 =	vand.u32 $0xFFFF0000, v49;
	v18 =	vld.idx.msk [tilespmem:v11+s18+$0x0], $0xffff;
	v20 =	vshll.u32 v7, $0x10;
	[tilespmem:v1+s31+$0x630 ss:$0x1] =	vst.idx.msk $0xffff, v4  }
0xeb: {  	v7 =	vand.u32 $0xFFFF0000, v7;
	v5 =	vmul.bf16 v5, v13;
	[tilespmem:v1+s31+$0x670 ss:$0x1] =	vst.idx.msk $0xffff, v6;
	v4 =	vadd.f32 v20, v19  }
0xec: {  	v3 =	vadd.s32 v0, v3;
	v8 =	vsub.bf16 v59, v58;
	v7 =	vadd.f32 v7, v9;
	v21 =	vld.idx.msk [tilespmem:v14+s3+$0x0], $0xffff  }
0xed: {  	v23 =	vshll.u32 v53, $0x10;
	v12 =	vand.u32 $0xFFFF0000, v53;
	v22 =	vld.idx.msk [tilespmem:v14+s12+$0x0], $0xffff;
	v24 =	vshll.u32 v5, $0x10;
	[tilespmem:v1+s31+$0x680 ss:$0x1] =	vst.idx.msk $0xffff, v4  }
0xee: {  	v5 =	vand.u32 $0xFFFF0000, v5;
	v8 =	vmul.bf16 v8, v13;
	[tilespmem:v1+s31+$0x6C0 ss:$0x1] =	vst.idx.msk $0xffff, v7;
	v4 =	vadd.f32 v24, v23  }
0xef: {  	v27 =	vbroadcast v2, $0xE;
	v5 =	vadd.f32 v5, v12;
	v25 =	vld.idx.msk [tilespmem:v14+s13+$0x0], $0xffff;
	v10 =	vsub.bf16 v18, v63  }
0xf0: {  	v28 =	vshll.u32 v58, $0x10;
	v17 =	vand.u32 $0xFFFF0000, v58;
	v26 =	vld.idx.msk [tilespmem:v14+s14+$0x0], $0xffff;
	v29 =	vshll.u32 v8, $0x10;
	[tilespmem:v1+s31+$0x690 ss:$0x1] =	vst.idx.msk $0xffff, v4  }
0xf1: {  	v8 =	vand.u32 $0xFFFF0000, v8;
	[tilespmem:v1+s31+$0x6D0 ss:$0x1] =	vst.idx.msk $0xffff, v5;
	v4 =	vadd.f32 v29, v28;
	v10 =	vmul.bf16 v10, v13  }
0xf2: {  	v12 =	vpack.i.f32.bf16 v27, v27;
	v8 =	vadd.f32 v8, v17;
	v30 =	vld.idx.msk [tilespmem:v14+s15+$0x0], $0xffff;
	v6 =	vsub.bf16 v22, v21  }
0xf3: {  	v32 =	vshll.u32 v63, $0x10;
	v15 =	vand.u32 $0xFFFF0000, v63;
	v31 =	vld.idx.msk [tilespmem:v14+s16+$0x0], $0xffff;
	[tilespmem:v1+s31+$0x6A0 ss:$0x1] =	vst.idx.msk $0xffff, v4;
	v33 =	vshll.u32 v10, $0x10  }
0xf4: {  	[tilespmem:v1+s31+$0x6E0 ss:$0x1] =	vst.idx.msk $0xffff, v8;
	v10 =	vand.u32 $0xFFFF0000, v10;
	v6 =	vmul.bf16 v6, v12;
	v4 =	vadd.f32 v33, v32  }
0xf5: {  	v34 =	vld.idx.msk [tilespmem:v14+s17+$0x0], $0xffff;
	v7 =	vsub.bf16 v26, v25;
	v10 =	vadd.f32 v10, v15  }
0xf6: {  	v36 =	vshll.u32 v21, $0x10;
	v11 =	vand.u32 $0xFFFF0000, v21;
	v35 =	vld.idx.msk [tilespmem:v14+s18+$0x0], $0xffff;
	v37 =	vshll.u32 v6, $0x10;
	[tilespmem:v1+s31+$0x6B0 ss:$0x1] =	vst.idx.msk $0xffff, v4  }
0xf7: {  	v6 =	vand.u32 $0xFFFF0000, v6;
	v7 =	vmul.bf16 v7, v12;
	[tilespmem:v1+s31+$0x6F0 ss:$0x1] =	vst.idx.msk $0xffff, v10;
	v4 =	vadd.f32 v37, v36  }
0xf8: {  	v5 =	vsub.bf16 v31, v30;
	v6 =	vadd.f32 v6, v11;
	v38 =	vld.idx.msk [tilespmem:v3+s3+$0x0], $0xffff  }
0xf9: {  	v40 =	vshll.u32 v25, $0x10;
	v9 =	vand.u32 $0xFFFF0000, v25;
	v39 =	vld.idx.msk [tilespmem:v3+s12+$0x0], $0xffff;
	v41 =	vshll.u32 v7, $0x10;
	[tilespmem:v1+s31+$0x700 ss:$0x1] =	vst.idx.msk $0xffff, v4  }
0xfa: {  	v7 =	vand.u32 $0xFFFF0000, v7;
	v5 =	vmul.bf16 v5, v12;
	[tilespmem:v1+s31+$0x740 ss:$0x1] =	vst.idx.msk $0xffff, v6;
	v4 =	vadd.f32 v41, v40  }
0xfb: {  	v7 =	vadd.f32 v7, v9;
	v42 =	vld.idx.msk [tilespmem:v3+s13+$0x0], $0xffff  }
0xfc: {  	v44 =	vshll.u32 v30, $0x10;
	v47 =	vand.u32 $0xFFFF0000, v30;
	v43 =	vld.idx.msk [tilespmem:v3+s14+$0x0], $0xffff;
	v45 =	vshll.u32 v5, $0x10;
	[tilespmem:v1+s31+$0x710 ss:$0x1] =	vst.idx.msk $0xffff, v4  }
0xfd: {  	v8 =	vsub.bf16 v35, v34;
	v5 =	vand.u32 $0xFFFF0000, v5;
	[tilespmem:v1+s31+$0x750 ss:$0x1] =	vst.idx.msk $0xffff, v7;
	v4 =	vadd.f32 v45, v44  }
0xfe: {  	v2 =	vbroadcast v2, $0xF;
	v5 =	vadd.f32 v5, v47;
	v46 =	vld.idx.msk [tilespmem:v3+s15+$0x0], $0xffff  }
0xff: {  	v8 =	vmul.bf16 v8, v12;
	v48 =	vld.idx.msk [tilespmem:v3+s16+$0x0], $0xffff;
	[tilespmem:v1+s31+$0x720 ss:$0x1] =	vst.idx.msk $0xffff, v4  }
0x100: {  	v2 =	vpack.i.f32.bf16 v2, v2;
	v49 =	vsub.bf16 v39, v38;
	[tilespmem:v1+s31+$0x760 ss:$0x1] =	vst.idx.msk $0xffff, v5  }
0x101: {  	v50 =	vshll.u32 v34, $0x10;
	v51 =	vand.u32 $0xFFFF0000, v34;
	v12 =	vshll.u32 v8, $0x10;
	v52 =	vld.idx.msk [tilespmem:v3+s17+$0x0], $0xffff  }
0x102: {  	v8 =	vand.u32 $0xFFFF0000, v8;
	v5 =	vadd.f32 v12, v50;
	v3 =	vld.idx.msk [tilespmem:v3+s18+$0x0], $0xffff;
	v4 =	vmul.bf16 v49, v2  }
0x103: {  	v8 =	vadd.f32 v8, v51;
	v53 =	vshll.u32 v38, $0x10;
	v6 =	vsub.bf16 v43, v42  }
0x104: {  	v54 =	vand.u32 $0xFFFF0000, v38;
	v56 =	vshll.u32 v42, $0x10;
	v55 =	vshll.u32 v4, $0x10  }
0x105: {  	v4 =	vand.u32 $0xFFFF0000, v4;
	v6 =	vmul.bf16 v6, v2;
	v7 =	vsub.bf16 v48, v46  }
0x106: {  	[tilespmem:v1+s31+$0x730 ss:$0x1] =	vst.idx.msk $0xffff, v5;
	v11 =	vand.u32 $0xFFFF0000, v42;
	v10 =	vadd.f32 v55, v53;
	v4 =	vadd.f32 v4, v54  }
0x107: {  	[tilespmem:v1+s31+$0x770 ss:$0x1] =	vst.idx.msk $0xffff, v8;
	v57 =	vshll.u32 v6, $0x10;
	v7 =	vmul.bf16 v7, v2;
	v3 =	vsub.bf16 v3, v52  }
0x108: {  	v58 =	vshll.u32 v46, $0x10;
	v6 =	vand.u32 $0xFFFF0000, v6;
	[tilespmem:v1+s31+$0x780 ss:$0x1] =	vst.idx.msk $0xffff, v10;
	v5 =	vadd.f32 v57, v56  }
0x109: {  	v6 =	vadd.f32 v6, v11;
	[tilespmem:v1+s31+$0x7C0 ss:$0x1] =	vst.idx.msk $0xffff, v4;
	v59 =	vshll.u32 v7, $0x10;
	v2 =	vmul.bf16 v3, v2  }
0x10a: {  	p0 =	sne.s32 s30, $0xE000;
	v3 =	vand.u32 $0xFFFF0000, v46;
	v60 =	vand.u32 $0xFFFF0000, v7;
	[tilespmem:v1+s31+$0x790 ss:$0x1] =	vst.idx.msk $0xffff, v5;
	v4 =	vadd.f32 v59, v58  }
.Ltmp1:
0x10b: {  	v61 =	vshll.u32 v52, $0x10;
	[tilespmem:v1+s31+$0x7D0 ss:$0x1] =	vst.idx.msk $0xffff, v6;
	v3 =	vadd.f32 v60, v3;
	v62 =	vshll.u32 v2, $0x10;
	(pc) =	sbr.rel @p0 .LBB2_5-.Ltmp1, $4  }
0x10c: {  	v63 =	vand.u32 $0xFFFF0000, v52;
	v2 =	vand.u32 $0xFFFF0000, v2;
	[tilespmem:v1+s31+$0x7A0 ss:$0x1] =	vst.idx.msk $0xffff, v4;
	v5 =	vadd.f32 v62, v61  }
0x10d: {  	[tilespmem:v1+s31+$0x7E0 ss:$0x1] =	vst.idx.msk $0xffff, v3;
	v2 =	vadd.f32 v2, v63  }
0x10e: {  	[tilespmem:v1+s31+$0x7B0 ss:$0x1] =	vst.idx.msk $0xffff, v5  }
0x10f: {  	s28 =	sadd.s32 $0x10, s28;
	s30 =	sadd.s32 $0x2000, s30;
	s29 =	sadd.s32 $0x10, s29;
	[tilespmem:v1+s31+$0x7F0 ss:$0x1] =	vst.idx.msk $0xffff, v2  }
0x110: {  	s28 =	sshll.u32 s22, $0xF;
	s22 =	sadd.s32 $0x1, s22  }
0x111: {  	p0 =	sne.s32 s22, $0x20  }
.Ltmp2:
0x112: {  	_ = 	snop;
	(pc) =	sbr.rel @p0 .LBB2_4-.Ltmp2, $4  }
0x113: {  	s28 =	sadd.s32 s7, s28  }
0x114: {  	s23 =	sadd.s32 $0x80, s23;
	s28 =	sshrl.u32 s28, $0x3  }
0x115: {  	s24 =	sadd.s32 $0x80, s24;
	s25 =	sadd.s32 $0x4000, s25;
	s28 =	sadd.s32 s2, s28  }
0x116: {  	[hbm4b:s28+s19] =	stream.strided.scatter [tilespmem:s26], [sflag:$0x1], $0x4000, s20, s19, $0x38;
	[tilespmem:$0x1F000] =	vst v63  }
0x117: {  	_ =	swait.ge [sflag:s4], $0x4000  }
0x118: {  	[sflag:s4] =	ssyncset.done $0x0  }
0x119: {  	s21 =	sadd.s32 $0x1, s21;
	[sflag:s4] =	ssyncadd.s32 $0xFFFFC000  }
0x11a: {  	p0 =	sne.s32 s21, s8;
	_ =	swait.ge [sflag:s4], $0x4000  }
.Ltmp3:
0x11b: {  	[sflag:s4] =	ssyncset.done $0x0;
	(pc) =	sbr.rel @p0 .LBB2_1-.Ltmp3, $4  }
0x11c: {  	[sflag:s4] =	ssyncadd.s32 $0xFFFFC000  }
0x11d: {  	_ =	swait.ge [sflag:s4], $0x4000  }
0x11e: {  	[sflag:s4] =	ssyncset.done $0x0  }
0x11f: {  	[sflag:s4] =	ssyncadd.s32 $0xFFFFC000  }
0x120: {  	_ =	sfence.sel $0x180000  }
0x121: {  	[bflag:$0x0] =	sbarrier.arrive $0xFFFF  }
0x122: {  	p0 =	sne.s32 s0, $0x0;
	_ =	strace $0x90000047  }
0x123: {  	s0 =	sadd.s32 @!p0 $0x100000, s1;
	[bflag:$0x2] =	sbarrier.arrive $0xFFFF  }
0x124: {  	[sflag:s0] =	ssyncadd.tile.s32 @!p0 $0x1;
	_ =	shalt  }
.Lfunc_end2:
_tile_overlayer_lowered:
.L_overlay_start_2:
0x125: {  	(tag) =	ssettag $0x2  }
0x126: {  	s0 =	rddreg [dreg:$0x0];
	s2 =	stileid.u32  }
0x127: {  	s1 =	rddreg [dreg:$0x1];
	p0 =	sne.s32 s2, $0x0  }
0x128: {  	s3 =	rddreg [dreg:$0x2];
	[bflag:$0x3] =	sbarrier.arrive $0xFFFF;
	s2 =	simm.s32 @!p0 $0x1C03  }
0x129: {  	[timem:s3], [sflag:s2] =	dma.local @!p0 [hbm:s0], s1  }
0x12a: {  	s0 =	simm.s32 @!p0 $0x3  }
0x12b: {  	_ =	swait.ge @!p0 [sflag:s0], s1  }
0x12c: {  	s1 =	ssub.s32 @!p0 $0x0, s1;
	[sflag:s0] =	ssyncset.done @!p0 $0x0  }
0x12d: {  	[sflag:s0] =	ssyncadd.s32 @!p0 s1  }
0x12e: {  	[bflag:$0x3] =	sbarrier.arrive $0xFFFF  }
0x12f: {  	_ =	shalt  }

</sc_bundles>
